<compile_context>
chip_gen: v7x
topology: tpu7x:2x2x1
jax: 0.10.2.dev20260603
libtpu: 0.0.44.dev20260713+nightly
codegen_flags: <defaults>
</compile_context>

<pallas_src>
import functools

import jax
import jax.numpy as jnp
from jax import lax
from jax.experimental import pallas as pl
from jax.experimental.pallas import tpu as pltpu
from jax.experimental.pallas import tpu_sc as plsc

N_NODES = 10000
N_INC = 320000
D_FEAT = 128
N_ACC = 10112
ROWS_PER_TILE = N_ACC // 16
NW = 32
CHUNK = 128
NC_CORE = (97, 60)
MAXCH = max(NC_CORE)
TOTCH = 16 * (NC_CORE[0] + NC_CORE[1])
HIST_PER_W = 10240
GROUPS = [[1, 2, 3, 4, 5, 6, 7, 8],
          [1001, 1002, 1003, 1004, 1005, 1006, 1007, 1008],
          [2001, 2002, 2003, 2004, 2005, 2006, 2007, 2008],
          [3001, 3002, 3003, 3004, 3005, 3006, 3007, 3008],
          [4001, 4002, 4003, 4004, 4005, 4006, 4007, 4008],
          [5001, 5002, 5003, 5004, 5005, 5006, 5007, 5008],
          [6001, 6002, 6003, 6004, 6005, 6006, 6007, 6008],
          [7001, 7002, 7003, 7004, 7005, 7006, 7007, 7008]]
TARGETS = [g - 1 for grp in GROUPS for g in grp]

_MESH = plsc.VectorSubcoreMesh(core_axis_name="c", subcore_axis_name="s")


TCAPCH = HIST_PER_W // 128


@functools.partial(
    pl.kernel,
    mesh=_MESH,
    out_type=(jax.ShapeDtypeStruct((2, 16, 2, N_ACC), jnp.float32),
              jax.ShapeDtypeStruct((2, 16, 2, HIST_PER_W), jnp.int32),
              jax.ShapeDtypeStruct((2, 16, 16), jnp.int32)),
    scratch_types=[
        pltpu.VMEM((HIST_PER_W,), jnp.int32),
        pltpu.VMEM((HIST_PER_W,), jnp.int32),
        pltpu.VMEM((N_ACC,), jnp.float32),
        pltpu.VMEM((N_ACC,), jnp.float32),
        pltpu.VMEM((HIST_PER_W,), jnp.int32),
        pltpu.VMEM((HIST_PER_W,), jnp.int32),
        pltpu.VMEM((16,), jnp.int32),
    ],
    compiler_params=pltpu.CompilerParams(needs_layout_passes=False),
)
def _hist_pass(nidx, hidx, out, lists, ocnt, nidx_v, hidx_v, hn, he,
               lg, ls, cbuf):
    c = lax.axis_index("c")
    s = lax.axis_index("s")
    w = s * 2 + c
    pltpu.sync_copy(nidx.at[w], nidx_v)
    pltpu.sync_copy(hidx.at[w], hidx_v)

    def zbody(i, carry):
        z = jnp.zeros((16,), jnp.float32)
        hn[pl.ds(16 * i, 16)] = z
        he[pl.ds(16 * i, 16)] = z
        return carry

    lax.fori_loop(0, N_ACC // 16, zbody, 0)

    def zbody2(i, carry):
        lg[pl.ds(16 * i, 16)] = jnp.zeros((16,), jnp.int32)
        ls[pl.ds(16 * i, 16)] = jnp.full((16,), 64, jnp.int32)
        return carry

    lax.fori_loop(0, HIST_PER_W // 16, zbody2, 0)

    def hbody(i, tcnt):
        v = nidx_v[pl.ds(16 * i, 16)]
        cnt, last = plsc.scan_count(v)
        plsc.addupdate_scatter(hn, [v], cnt.astype(jnp.float32), mask=last)
        u = hidx_v[pl.ds(16 * i, 16)]
        cnt2, last2 = plsc.scan_count(u)
        plsc.addupdate_scatter(he, [u], cnt2.astype(jnp.float32), mask=last2)
        q = v // 1000
        r = v - q * 1000
        m = (v < 8000) & (r < 8)
        slot = q * 8 + r
        plsc.store_compressed(lg.at[pl.ds(tcnt, 16)], u, mask=m)
        plsc.store_compressed(ls.at[pl.ds(tcnt, 16)], slot, mask=m)
        return tcnt + jnp.max(plsc.all_reduce_population_count(m))

    tcnt = lax.fori_loop(0, HIST_PER_W // 16, hbody, jnp.int32(0))
    cbuf[...] = jnp.broadcast_to(tcnt, (16,))
    pltpu.sync_copy(hn, out.at[c, s, 0])
    pltpu.sync_copy(he, out.at[c, s, 1])
    pltpu.sync_copy(lg, lists.at[c, s, 0])
    pltpu.sync_copy(ls, lists.at[c, s, 1])
    pltpu.sync_copy(cbuf, ocnt.at[c, s])


def _inv_body(h_ref, o_ref):
    t = jnp.sum(h_ref[...], axis=(0, 1))
    o_ref[...] = jnp.where(t > 0, 1.0 / jnp.where(t > 0, t, 1.0), 0.0)


def _inverse_degrees(hist):
    return pl.pallas_call(
        _inv_body,
        out_shape=jax.ShapeDtypeStruct((2, N_ACC), jnp.float32),
    )(hist)


def _mm_body(x_ref, w_ref, o_ref):
    o_ref[...] = jnp.dot(x_ref[...], w_ref[...],
                         preferred_element_type=jnp.float32)


def _matmul(x, W):
    blk = 1000
    return pl.pallas_call(
        _mm_body,
        grid=(N_NODES // blk,),
        in_specs=[pl.BlockSpec((blk, D_FEAT), lambda i: (i, 0)),
                  pl.BlockSpec((D_FEAT, D_FEAT), lambda i: (0, 0))],
        out_specs=pl.BlockSpec((blk, D_FEAT), lambda i: (i, 0)),
        out_shape=jax.ShapeDtypeStruct((N_NODES, D_FEAT), jnp.float32),
    )(x, W)


@functools.partial(
    pl.kernel,
    mesh=_MESH,
    out_type=jax.ShapeDtypeStruct((2, N_ACC, D_FEAT), jnp.float32),
    scratch_types=[
        pltpu.VMEM((MAXCH, CHUNK), jnp.int32),
        pltpu.VMEM((MAXCH, CHUNK), jnp.int32),
        pltpu.VMEM((CHUNK, D_FEAT), jnp.float32),
        pltpu.VMEM_SHARED((N_ACC, D_FEAT), jnp.float32),
        pltpu.SemaphoreType.DMA,
    ],
)
def _segsum_pass(src, idxg, idxs, zeros, out, idxg_v, idxs_v, rows, acc,
                 gsem):
    c = lax.axis_index("c")
    s = lax.axis_index("s")
    w = s * 2 + c
    pltpu.sync_copy(zeros.at[pl.ds(s * ROWS_PER_TILE, ROWS_PER_TILE)],
                    acc.at[pl.ds(s * ROWS_PER_TILE, ROWS_PER_TILE)])
    pltpu.sync_copy(idxg.at[w], idxg_v)
    pltpu.sync_copy(idxs.at[w], idxs_v)
    plsc.subcore_barrier()

    def body(j, carry):
        pltpu.async_copy(src.at[idxg_v.at[j]], rows, gsem).wait()
        pltpu.sync_copy(rows, acc.at[idxs_v.at[j]], add=True)
        return carry

    nmine = jnp.where(c == 0, NC_CORE[0], NC_CORE[1])
    lax.fori_loop(0, nmine, body, 0)
    plsc.subcore_barrier()
    pltpu.sync_copy(acc.at[pl.ds(s * ROWS_PER_TILE, ROWS_PER_TILE)],
                    out.at[c, pl.ds(s * ROWS_PER_TILE, ROWS_PER_TILE)])


@functools.partial(
    pl.kernel,
    mesh=_MESH,
    out_type=jax.ShapeDtypeStruct((2, 128, D_FEAT), jnp.float32),
    scratch_types=[
        pltpu.VMEM((16,), jnp.int32),
        pltpu.VMEM((CHUNK,), jnp.int32),
        pltpu.VMEM((CHUNK,), jnp.int32),
        pltpu.VMEM((CHUNK, D_FEAT), jnp.float32),
        pltpu.VMEM_SHARED((128, D_FEAT), jnp.float32),
        pltpu.SemaphoreType.DMA,
    ],
    compiler_params=pltpu.CompilerParams(needs_layout_passes=False),
)
def _segsum_tgt_pass(src, lists, cnts, zeros, out, cnt_v,
                     gbuf, sbuf, rows, acc, gsem):
    c = lax.axis_index("c")
    s = lax.axis_index("s")
    pltpu.sync_copy(zeros.at[pl.ds(s * 8, 8)], acc.at[pl.ds(s * 8, 8)])
    pltpu.sync_copy(cnts.at[c, s], cnt_v)
    plsc.subcore_barrier()

    nmine = (jnp.max(cnt_v[...]) + CHUNK - 1) // CHUNK

    def body(j, carry):
        pltpu.sync_copy(lists.at[c, s, 0, pl.ds(j * CHUNK, CHUNK)], gbuf)
        pltpu.sync_copy(lists.at[c, s, 1, pl.ds(j * CHUNK, CHUNK)], sbuf)
        pltpu.async_copy(src.at[gbuf], rows, gsem).wait()
        pltpu.sync_copy(rows, acc.at[sbuf], add=True)
        return carry

    lax.fori_loop(0, nmine, body, 0)
    plsc.subcore_barrier()
    pltpu.sync_copy(acc.at[pl.ds(s * 8, 8)], out.at[c, pl.ds(s * 8, 8)])


def _fin_body(acc_ref, inv_ref, b_ref, o_ref):
    t = acc_ref[0] + acc_ref[1]
    o_ref[...] = inv_ref[0] * t + b_ref[...]


def _finalize(acc_pair, inv_col, bias):
    blk = 1264
    return pl.pallas_call(
        _fin_body,
        grid=(N_ACC // blk,),
        in_specs=[pl.BlockSpec((2, blk, D_FEAT), lambda i: (0, i, 0)),
                  pl.BlockSpec((1, blk, 1), lambda i: (0, i, 0)),
                  pl.BlockSpec((1, D_FEAT), lambda i: (0, 0))],
        out_specs=pl.BlockSpec((blk, D_FEAT), lambda i: (i, 0)),
        out_shape=jax.ShapeDtypeStruct((N_ACC, D_FEAT), jnp.float32),
    )(acc_pair, inv_col, bias.reshape(1, D_FEAT))


def _final_body(t_ref, dinv_ref, wmu_ref, bmu_ref, wlv_ref, blv_ref,
                mu_ref, lv_ref):
    t = t_ref[0] + t_ref[1]
    g = dinv_ref[...] * t
    s = jnp.concatenate(
        [jnp.sum(g[8 * k:8 * k + 8], axis=0, keepdims=True) for k in range(8)],
        axis=0)
    mu_ref[...] = jnp.dot(s, wmu_ref[...],
                          preferred_element_type=jnp.float32) + 8.0 * bmu_ref[...]
    lv_ref[...] = jnp.dot(s, wlv_ref[...],
                          preferred_element_type=jnp.float32) + 8.0 * blv_ref[...]


def _final(acc_t, dinv_t, Wmu, bmu, Wlv, blv):
    return pl.pallas_call(
        _final_body,
        out_shape=(jax.ShapeDtypeStruct((8, D_FEAT), jnp.float32),
                   jax.ShapeDtypeStruct((8, D_FEAT), jnp.float32)),
    )(acc_t, dinv_t, Wmu, bmu.reshape(1, D_FEAT), Wlv, blv.reshape(1, D_FEAT))


def kernel(x, edge_index, W0, b0, Wmu, bmu, Wlv, blv):
    node_idx = edge_index[0].astype(jnp.int32)
    he_idx = edge_index[1].astype(jnp.int32)
    pad = NW * HIST_PER_W - N_INC
    counts = [NC_CORE[w % 2] for w in range(NW)]
    starts = [0]
    for cw in counts:
        starts.append(starts[-1] + cw)

    def _blocks(idx, fill):
        flat = jnp.pad(idx, (0, TOTCH * CHUNK - N_INC), constant_values=fill)
        rows = []
        for w in range(NW):
            blk = flat[starts[w] * CHUNK:starts[w + 1] * CHUNK]
            blk = blk.reshape(counts[w], CHUNK)
            blk = jnp.pad(blk, ((0, MAXCH - counts[w]), (0, 0)),
                          constant_values=fill)
            rows.append(blk)
        return jnp.stack(rows)

    nig = _blocks(node_idx, 0)
    heg = _blocks(he_idx, 0)
    nis3 = _blocks(node_idx, N_NODES)
    hes3 = _blocks(he_idx, N_NODES)
    nis = jnp.pad(node_idx, (0, pad), constant_values=N_NODES)
    hes = jnp.pad(he_idx, (0, pad), constant_values=N_NODES)
    zeros = jnp.zeros((N_ACC, D_FEAT), jnp.float32)

    hist, tlists, tcnts = _hist_pass(nis.reshape(NW, HIST_PER_W),
                                     hes.reshape(NW, HIST_PER_W))
    inv = _inverse_degrees(hist)
    inv3 = inv.reshape(2, N_ACC, 1)
    dinv_c = inv3[0:1]
    binv_c = inv3[1:2]

    xw = _matmul(x, W0)
    acc_e0 = _segsum_pass(xw, nig, hes3, zeros)
    out_e0 = _finalize(acc_e0, binv_c, jnp.zeros((D_FEAT,), jnp.float32))
    acc_h = _segsum_pass(out_e0[:N_NODES], heg, nis3, zeros)
    h = _finalize(acc_h, dinv_c, b0)
    acc_e1 = _segsum_pass(h[:N_NODES], nig, hes3, zeros)
    out_e1 = _finalize(acc_e1, binv_c, jnp.zeros((D_FEAT,), jnp.float32))

    acc_g = _segsum_tgt_pass(out_e1[:N_NODES], tlists, tcnts, zeros)

    tgt = jnp.asarray(TARGETS, jnp.int32)
    acc_t = acc_g[:, :64, :]
    dinv_t = inv[0, tgt].reshape(64, 1)
    mu_p, lv_p = _final(acc_t, dinv_t, Wmu, bmu, Wlv, blv)
    return (mu_p, lv_p)

# --- scband reference (transcript-rebuilt; emitter-appended) ---
"""Pipeline reference for scband-hgcnencoder-39573828666117 (READ-ONLY COPY).

The authoritative reference and input builder live on the scoring server;
editing this copy changes nothing except your own understanding.
"""

import jax, jax.numpy as jnp
import numpy as np

HYPEREDGES = [[1,2,3,4,5,6,7,8],[1001,1002,1003,1004,1005,1006,1007,1008],[2001,2002,2003,2004,2005,2006,2007,2008],[3001,3002,3003,3004,3005,3006,3007,3008],[4001,4002,4003,4004,4005,4006,4007,4008],[5001,5002,5003,5004,5005,5006,5007,5008],[6001,6002,6003,6004,6005,6006,6007,6008],[7001,7002,7003,7004,7005,7006,7007,7008]]
N_NODES = 10000
N_INC = 320000
D_FEAT = 128

def _safe_inv(v):
    return jnp.where(v > 0, 1.0 / jnp.where(v > 0, v, 1.0), 0.0)

def hconv(x, node_idx, he_idx, num_edges, W, b):
    # PyG HypergraphConv: out = D^{-1} H W_e B^{-1} H^T (X Theta) + bias, W_e = I
    n = x.shape[0]
    xw = x @ W
    hw = jnp.ones((num_edges,), xw.dtype)
    Dn = jax.ops.segment_sum(hw[he_idx], node_idx, num_segments=n)
    Dinv = _safe_inv(Dn)
    Be = jax.ops.segment_sum(jnp.ones((he_idx.shape[0],), xw.dtype), he_idx, num_segments=num_edges)
    Binv = _safe_inv(Be)
    # node -> hyperedge aggregation: msg = B^{-1}[e] * x[i]
    out_e = jax.ops.segment_sum(Binv[he_idx][:, None] * xw[node_idx], he_idx, num_segments=num_edges)
    # hyperedge -> node aggregation: msg = D^{-1}[i] * out_e[e]
    out = jax.ops.segment_sum(Dinv[node_idx][:, None] * out_e[he_idx], node_idx, num_segments=n)
    return out + b

def setup_inputs(seed: int = 0):
    key = jax.random.key(seed)
    ks = jax.random.split(key, 8)
    x = jax.random.normal(ks[0], (N_NODES, D_FEAT), dtype=jnp.float32)
    edge_index = jax.random.randint(ks[1], (2, N_INC), 0, N_NODES).astype(jnp.int64)
    s = 1.0 / np.sqrt(D_FEAT)
    W0 = jax.random.normal(ks[2], (D_FEAT, D_FEAT), dtype=jnp.float32) * s
    b0 = jnp.zeros((D_FEAT,), jnp.float32)
    Wmu = jax.random.normal(ks[3], (D_FEAT, D_FEAT), dtype=jnp.float32) * s
    bmu = jnp.zeros((D_FEAT,), jnp.float32)
    Wlv = jax.random.normal(ks[4], (D_FEAT, D_FEAT), dtype=jnp.float32) * s
    blv = jnp.zeros((D_FEAT,), jnp.float32)
    return {"x": x, "edge_index": edge_index, "W0": W0, "b0": b0, "Wmu": Wmu, "bmu": bmu, "Wlv": Wlv, "blv": blv}

def reference(x, edge_index, W0, b0, Wmu, bmu, Wlv, blv):
    node_idx = edge_index[0]
    he_idx = edge_index[1]
    num_edges = x.shape[0]
    # hidden_channels defaults to [in_channels]; no activation branch taken
    h = hconv(x, node_idx, he_idx, num_edges, W0, b0)
    mu = hconv(h, node_idx, he_idx, num_edges, Wmu, bmu)
    logvar = hconv(h, node_idx, he_idx, num_edges, Wlv, blv)
    gidx = [jnp.asarray(g, dtype=jnp.int32) - 1 for g in HYPEREDGES]
    mu_p = jnp.stack([mu[g].sum(axis=0) for g in gidx])
    lv_p = jnp.stack([logvar[g].sum(axis=0) for g in gidx])
    return (mu_p, lv_p)

if __name__ == "__main__":
    import jax
    _d = setup_inputs()
    print(jax.jit(kernel)(*tuple(_d.values())))

</pallas_src>

<mosaic_0001>
#map = affine_map<(d0, d1) -> (0, 0)>
#map1 = affine_map<(d0, d1) -> (0, 0, 0)>
module attributes {stable_mosaic.version = 14 : i64} {
  func.func @_segsum_pass(%arg0: i32, %arg1: i32, %arg2: memref<10000x128xf32, #tpu.memory_space<hbm>>, %arg3: memref<32x97x128xi32, #tpu.memory_space<hbm>>, %arg4: memref<32x97x128xi32, #tpu.memory_space<hbm>>, %arg5: memref<10112x128xf32, #tpu.memory_space<hbm>>, %arg6: memref<2x10112x128xf32, #tpu.memory_space<hbm>>, %arg7: memref<97x128xi32, #tpu.memory_space<vmem>>, %arg8: memref<97x128xi32, #tpu.memory_space<vmem>>, %arg9: memref<128x128xf32, #tpu.memory_space<vmem>>, %arg10: memref<10112x128xf32, #tpu.memory_space<vmem_shared>>, %arg11: memref<!tpu.dma_semaphore, #tpu.memory_space<semaphore_mem>>) attributes {dimension_semantics = [#tpu.dimension_semantics<core_parallel>, #tpu.dimension_semantics<subcore_parallel>], iteration_bounds = array<i64: 2, 16>, scalar_prefetch = 0 : i64, scratch_operands = 5 : i64, tpu.core_type = #tpu.core_type<sc_vector_subcore>, window_params = [{transform_indices = #map}, {transform_indices = #map1}, {transform_indices = #map1}, {transform_indices = #map}, {transform_indices = #map1}]} {
    %mul3A = arith.constant 2 : i32
    %mul3A_0 = arith.muli %arg1, %mul3A : i32
    %add3A = arith.addi %mul3A_0, %arg0 : i32
    %mul3A_1 = arith.constant 632 : i32
    %mul3A_2 = arith.muli %arg1, %mul3A_1 : i32
    %mul3A_3 = arith.constant 632 : i32
    %mul3A_4 = arith.muli %arg1, %mul3A_3 : i32
    "tpu.region"() ({
      %run_scoped3A = tpu.sem_alloc : memref<!tpu.dma_semaphore, #tpu.memory_space<semaphore_mem>>
      %dma_start3A = arith.constant 0 : i32
      %dma_start3A_21 = tpu.memref_slice %arg10[%mul3A_4, %dma_start3A] : memref<10112x128xf32, #tpu.memory_space<vmem_shared>> -> memref<632x128xf32, #tpu.memory_space<vmem_shared>>
      %dma_start3A_22 = arith.constant 0 : i32
      %dma_start3A_23 = tpu.memref_slice %arg5[%mul3A_2, %dma_start3A_22] : memref<10112x128xf32, #tpu.memory_space<hbm>> -> memref<632x128xf32, #tpu.memory_space<hbm>>
      tpu.enqueue_dma source(%dma_start3A_23 : memref<632x128xf32, #tpu.memory_space<hbm>>) target(%dma_start3A_21 : memref<632x128xf32, #tpu.memory_space<vmem_shared>>) target_semaphore(%run_scoped3A : memref<!tpu.dma_semaphore, #tpu.memory_space<semaphore_mem>>)
      %dma_wait3A = arith.constant 0 : i32
      %dma_wait3A_24 = tpu.memref_slice %arg10[%mul3A_4, %dma_wait3A] : memref<10112x128xf32, #tpu.memory_space<vmem_shared>> -> memref<632x128xf32, #tpu.memory_space<vmem_shared>>
      %dma_wait3A_25 = arith.constant 0 : i32
      %dma_wait3A_26 = tpu.memref_slice %arg5[%mul3A_2, %dma_wait3A_25] : memref<10112x128xf32, #tpu.memory_space<hbm>> -> memref<632x128xf32, #tpu.memory_space<hbm>>
      tpu.wait_dma2 semaphore(%run_scoped3A : memref<!tpu.dma_semaphore, #tpu.memory_space<semaphore_mem>>) src(%dma_wait3A_26 : memref<632x128xf32, #tpu.memory_space<hbm>>) dst(%dma_wait3A_24 : memref<632x128xf32, #tpu.memory_space<vmem_shared>>)
      tpu.yield
    }) : () -> ()
    "tpu.region"() ({
      %run_scoped3A = tpu.sem_alloc : memref<!tpu.dma_semaphore, #tpu.memory_space<semaphore_mem>>
      %dma_start3A = arith.constant 0 : i32
      %dma_start3A_21 = arith.constant 0 : i32
      %dma_start3A_22 = tpu.memref_slice %arg3[%add3A, %dma_start3A, %dma_start3A_21] : memref<32x97x128xi32, #tpu.memory_space<hbm>> -> memref<1x97x128xi32, #tpu.memory_space<hbm>>
      %dma_start3A_23 = tpu.memref_squeeze %dma_start3A_22 : memref<1x97x128xi32, #tpu.memory_space<hbm>> -> memref<97x128xi32, #tpu.memory_space<hbm>>
      %dma_start3A_24 = arith.constant 0 : i32
      %dma_start3A_25 = arith.constant 0 : i32
      %dma_start3A_26 = tpu.memref_slice %arg3[%add3A, %dma_start3A_24, %dma_start3A_25] : memref<32x97x128xi32, #tpu.memory_space<hbm>> -> memref<1x97x128xi32, #tpu.memory_space<hbm>>
      %dma_start3A_27 = tpu.memref_squeeze %dma_start3A_26 : memref<1x97x128xi32, #tpu.memory_space<hbm>> -> memref<97x128xi32, #tpu.memory_space<hbm>>
      tpu.enqueue_dma source(%dma_start3A_27 : memref<97x128xi32, #tpu.memory_space<hbm>>) target(%arg7 : memref<97x128xi32, #tpu.memory_space<vmem>>) target_semaphore(%run_scoped3A : memref<!tpu.dma_semaphore, #tpu.memory_space<semaphore_mem>>)
      %dma_wait3A = arith.constant 0 : i32
      %dma_wait3A_28 = arith.constant 0 : i32
      %dma_wait3A_29 = tpu.memref_slice %arg3[%add3A, %dma_wait3A, %dma_wait3A_28] : memref<32x97x128xi32, #tpu.memory_space<hbm>> -> memref<1x97x128xi32, #tpu.memory_space<hbm>>
      %dma_wait3A_30 = tpu.memref_squeeze %dma_wait3A_29 : memref<1x97x128xi32, #tpu.memory_space<hbm>> -> memref<97x128xi32, #tpu.memory_space<hbm>>
      %dma_wait3A_31 = arith.constant 0 : i32
      %dma_wait3A_32 = arith.constant 0 : i32
      %dma_wait3A_33 = tpu.memref_slice %arg3[%add3A, %dma_wait3A_31, %dma_wait3A_32] : memref<32x97x128xi32, #tpu.memory_space<hbm>> -> memref<1x97x128xi32, #tpu.memory_space<hbm>>
      %dma_wait3A_34 = tpu.memref_squeeze %dma_wait3A_33 : memref<1x97x128xi32, #tpu.memory_space<hbm>> -> memref<97x128xi32, #tpu.memory_space<hbm>>
      tpu.wait_dma2 semaphore(%run_scoped3A : memref<!tpu.dma_semaphore, #tpu.memory_space<semaphore_mem>>) src(%dma_wait3A_34 : memref<97x128xi32, #tpu.memory_space<hbm>>) dst(%arg7 : memref<97x128xi32, #tpu.memory_space<vmem>>)
      tpu.yield
    }) : () -> ()
    "tpu.region"() ({
      %run_scoped3A = tpu.sem_alloc : memref<!tpu.dma_semaphore, #tpu.memory_space<semaphore_mem>>
      %dma_start3A = arith.constant 0 : i32
      %dma_start3A_21 = arith.constant 0 : i32
      %dma_start3A_22 = tpu.memref_slice %arg4[%add3A, %dma_start3A, %dma_start3A_21] : memref<32x97x128xi32, #tpu.memory_space<hbm>> -> memref<1x97x128xi32, #tpu.memory_space<hbm>>
      %dma_start3A_23 = tpu.memref_squeeze %dma_start3A_22 : memref<1x97x128xi32, #tpu.memory_space<hbm>> -> memref<97x128xi32, #tpu.memory_space<hbm>>
      %dma_start3A_24 = arith.constant 0 : i32
      %dma_start3A_25 = arith.constant 0 : i32
      %dma_start3A_26 = tpu.memref_slice %arg4[%add3A, %dma_start3A_24, %dma_start3A_25] : memref<32x97x128xi32, #tpu.memory_space<hbm>> -> memref<1x97x128xi32, #tpu.memory_space<hbm>>
      %dma_start3A_27 = tpu.memref_squeeze %dma_start3A_26 : memref<1x97x128xi32, #tpu.memory_space<hbm>> -> memref<97x128xi32, #tpu.memory_space<hbm>>
      tpu.enqueue_dma source(%dma_start3A_27 : memref<97x128xi32, #tpu.memory_space<hbm>>) target(%arg8 : memref<97x128xi32, #tpu.memory_space<vmem>>) target_semaphore(%run_scoped3A : memref<!tpu.dma_semaphore, #tpu.memory_space<semaphore_mem>>)
      %dma_wait3A = arith.constant 0 : i32
      %dma_wait3A_28 = arith.constant 0 : i32
      %dma_wait3A_29 = tpu.memref_slice %arg4[%add3A, %dma_wait3A, %dma_wait3A_28] : memref<32x97x128xi32, #tpu.memory_space<hbm>> -> memref<1x97x128xi32, #tpu.memory_space<hbm>>
      %dma_wait3A_30 = tpu.memref_squeeze %dma_wait3A_29 : memref<1x97x128xi32, #tpu.memory_space<hbm>> -> memref<97x128xi32, #tpu.memory_space<hbm>>
      %dma_wait3A_31 = arith.constant 0 : i32
      %dma_wait3A_32 = arith.constant 0 : i32
      %dma_wait3A_33 = tpu.memref_slice %arg4[%add3A, %dma_wait3A_31, %dma_wait3A_32] : memref<32x97x128xi32, #tpu.memory_space<hbm>> -> memref<1x97x128xi32, #tpu.memory_space<hbm>>
      %dma_wait3A_34 = tpu.memref_squeeze %dma_wait3A_33 : memref<1x97x128xi32, #tpu.memory_space<hbm>> -> memref<97x128xi32, #tpu.memory_space<hbm>>
      tpu.wait_dma2 semaphore(%run_scoped3A : memref<!tpu.dma_semaphore, #tpu.memory_space<semaphore_mem>>) src(%dma_wait3A_34 : memref<97x128xi32, #tpu.memory_space<hbm>>) dst(%arg8 : memref<97x128xi32, #tpu.memory_space<vmem>>)
      tpu.yield
    }) : () -> ()
    %barrier3A = arith.constant 0 : index
    tpu.barrier barrier_id(%barrier3A)
    %eq3A = arith.constant 0 : i32
    %eq3A_5 = arith.cmpi eq, %arg0, %eq3A : i32
    %jit3A = arith.constant 97 : i32
    %jit3A_6 = arith.constant 60 : i32
    %select_n3A = arith.select %eq3A_5, %jit3A, %jit3A_6 : i32
    %while3A = arith.constant 0 : i32
    %while3A_7 = arith.constant 0 : i32
    %while3A_8 = arith.subi %select_n3A, %while3A_7 : i32
    %while3A_9 = arith.addi %while3A_7, %while3A_8 : i32
    %while3A_10 = arith.constant 1 : i32
    %while3A_11 = arith.divsi %while3A_8, %while3A_10 : i32
    %while3A_12 = arith.muli %while3A_11, %while3A_10 : i32
    %while3A_13 = arith.addi %while3A_7, %while3A_12 : i32
    %while3A_14 = arith.constant 1 : i32
    scf.for %while3A_21 = %while3A_7 to %while3A_13 step %while3A_14  : i32 {
      %dma_start3A = arith.constant 0 : i32
      %dma_start3A_22 = tpu.memref_slice %arg7[%while3A_21, %dma_start3A] : memref<97x128xi32, #tpu.memory_space<vmem>> -> memref<1x128xi32, #tpu.memory_space<vmem>>
      %dma_start3A_23 = tpu.memref_squeeze %dma_start3A_22 : memref<1x128xi32, #tpu.memory_space<vmem>> -> memref<128xi32, #tpu.memory_space<vmem>>
      %dma_start3A_24 = arith.constant 0 : i32
      %dma_start3A_25 = arith.constant 0 : i32
      %dma_start3A_26 = tpu.memref_slice %arg2[%dma_start3A_24, %dma_start3A_25] : memref<10000x128xf32, #tpu.memory_space<hbm>> -> memref<10000x128xf32, #tpu.memory_space<hbm>>
      tpu.enqueue_indirect_dma source(%dma_start3A_26 : memref<10000x128xf32, #tpu.memory_space<hbm>>) target(%arg9 : memref<128x128xf32, #tpu.memory_space<vmem>>) offsets(%dma_start3A_23 : memref<128xi32, #tpu.memory_space<vmem>>) semaphore(%arg11 : memref<!tpu.dma_semaphore, #tpu.memory_space<semaphore_mem>>)
      %dma_wait3A = arith.constant 0 : i32
      %dma_wait3A_27 = tpu.memref_slice %arg7[%while3A_21, %dma_wait3A] : memref<97x128xi32, #tpu.memory_space<vmem>> -> memref<1x128xi32, #tpu.memory_space<vmem>>
      %dma_wait3A_28 = tpu.memref_squeeze %dma_wait3A_27 : memref<1x128xi32, #tpu.memory_space<vmem>> -> memref<128xi32, #tpu.memory_space<vmem>>
      %dma_wait3A_29 = arith.constant 0 : i32
      %dma_wait3A_30 = arith.constant 0 : i32
      %dma_wait3A_31 = tpu.memref_slice %arg2[%dma_wait3A_29, %dma_wait3A_30] : memref<10000x128xf32, #tpu.memory_space<hbm>> -> memref<10000x128xf32, #tpu.memory_space<hbm>>
      tpu.wait_indirect_dma semaphore(%arg11 : memref<!tpu.dma_semaphore, #tpu.memory_space<semaphore_mem>>) src(%dma_wait3A_31 : memref<10000x128xf32, #tpu.memory_space<hbm>>) dst(%arg9 : memref<128x128xf32, #tpu.memory_space<vmem>>)
      "tpu.region"() ({
        %run_scoped3A = tpu.sem_alloc : memref<!tpu.dma_semaphore, #tpu.memory_space<semaphore_mem>>
        %dma_start3A_32 = arith.constant 0 : i32
        %dma_start3A_33 = tpu.memref_slice %arg8[%while3A_21, %dma_start3A_32] : memref<97x128xi32, #tpu.memory_space<vmem>> -> memref<1x128xi32, #tpu.memory_space<vmem>>
        %dma_start3A_34 = tpu.memref_squeeze %dma_start3A_33 : memref<1x128xi32, #tpu.memory_space<vmem>> -> memref<128xi32, #tpu.memory_space<vmem>>
        %dma_start3A_35 = arith.constant 0 : i32
        %dma_start3A_36 = arith.constant 0 : i32
        %dma_start3A_37 = tpu.memref_slice %arg10[%dma_start3A_35, %dma_start3A_36] : memref<10112x128xf32, #tpu.memory_space<vmem_shared>> -> memref<10112x128xf32, #tpu.memory_space<vmem_shared>>
        tpu.enqueue_indirect_dma source(%arg9 : memref<128x128xf32, #tpu.memory_space<vmem>>) target(%dma_start3A_37 : memref<10112x128xf32, #tpu.memory_space<vmem_shared>>) offsets(%dma_start3A_34 : memref<128xi32, #tpu.memory_space<vmem>>) semaphore(%run_scoped3A : memref<!tpu.dma_semaphore, #tpu.memory_space<semaphore_mem>>) {add = true}
        %dma_wait3A_38 = arith.constant 0 : i32
        %dma_wait3A_39 = tpu.memref_slice %arg8[%while3A_21, %dma_wait3A_38] : memref<97x128xi32, #tpu.memory_space<vmem>> -> memref<1x128xi32, #tpu.memory_space<vmem>>
        %dma_wait3A_40 = tpu.memref_squeeze %dma_wait3A_39 : memref<1x128xi32, #tpu.memory_space<vmem>> -> memref<128xi32, #tpu.memory_space<vmem>>
        %dma_wait3A_41 = arith.constant 0 : i32
        %dma_wait3A_42 = arith.constant 0 : i32
        %dma_wait3A_43 = tpu.memref_slice %arg10[%dma_wait3A_41, %dma_wait3A_42] : memref<10112x128xf32, #tpu.memory_space<vmem_shared>> -> memref<10112x128xf32, #tpu.memory_space<vmem_shared>>
        tpu.wait_indirect_dma semaphore(%run_scoped3A : memref<!tpu.dma_semaphore, #tpu.memory_space<semaphore_mem>>) src(%arg9 : memref<128x128xf32, #tpu.memory_space<vmem>>) dst(%dma_wait3A_43 : memref<10112x128xf32, #tpu.memory_space<vmem_shared>>)
        tpu.yield
      }) : () -> ()
    }
    %while3A_15 = arith.constant 1 : i32
    scf.for %while3A_21 = %while3A_13 to %while3A_9 step %while3A_15  : i32 {
      %dma_start3A = arith.constant 0 : i32
      %dma_start3A_22 = tpu.memref_slice %arg7[%while3A_21, %dma_start3A] : memref<97x128xi32, #tpu.memory_space<vmem>> -> memref<1x128xi32, #tpu.memory_space<vmem>>
      %dma_start3A_23 = tpu.memref_squeeze %dma_start3A_22 : memref<1x128xi32, #tpu.memory_space<vmem>> -> memref<128xi32, #tpu.memory_space<vmem>>
      %dma_start3A_24 = arith.constant 0 : i32
      %dma_start3A_25 = arith.constant 0 : i32
      %dma_start3A_26 = tpu.memref_slice %arg2[%dma_start3A_24, %dma_start3A_25] : memref<10000x128xf32, #tpu.memory_space<hbm>> -> memref<10000x128xf32, #tpu.memory_space<hbm>>
      tpu.enqueue_indirect_dma source(%dma_start3A_26 : memref<10000x128xf32, #tpu.memory_space<hbm>>) target(%arg9 : memref<128x128xf32, #tpu.memory_space<vmem>>) offsets(%dma_start3A_23 : memref<128xi32, #tpu.memory_space<vmem>>) semaphore(%arg11 : memref<!tpu.dma_semaphore, #tpu.memory_space<semaphore_mem>>)
      %dma_wait3A = arith.constant 0 : i32
      %dma_wait3A_27 = tpu.memref_slice %arg7[%while3A_21, %dma_wait3A] : memref<97x128xi32, #tpu.memory_space<vmem>> -> memref<1x128xi32, #tpu.memory_space<vmem>>
      %dma_wait3A_28 = tpu.memref_squeeze %dma_wait3A_27 : memref<1x128xi32, #tpu.memory_space<vmem>> -> memref<128xi32, #tpu.memory_space<vmem>>
      %dma_wait3A_29 = arith.constant 0 : i32
      %dma_wait3A_30 = arith.constant 0 : i32
      %dma_wait3A_31 = tpu.memref_slice %arg2[%dma_wait3A_29, %dma_wait3A_30] : memref<10000x128xf32, #tpu.memory_space<hbm>> -> memref<10000x128xf32, #tpu.memory_space<hbm>>
      tpu.wait_indirect_dma semaphore(%arg11 : memref<!tpu.dma_semaphore, #tpu.memory_space<semaphore_mem>>) src(%dma_wait3A_31 : memref<10000x128xf32, #tpu.memory_space<hbm>>) dst(%arg9 : memref<128x128xf32, #tpu.memory_space<vmem>>)
      "tpu.region"() ({
        %run_scoped3A = tpu.sem_alloc : memref<!tpu.dma_semaphore, #tpu.memory_space<semaphore_mem>>
        %dma_start3A_32 = arith.constant 0 : i32
        %dma_start3A_33 = tpu.memref_slice %arg8[%while3A_21, %dma_start3A_32] : memref<97x128xi32, #tpu.memory_space<vmem>> -> memref<1x128xi32, #tpu.memory_space<vmem>>
        %dma_start3A_34 = tpu.memref_squeeze %dma_start3A_33 : memref<1x128xi32, #tpu.memory_space<vmem>> -> memref<128xi32, #tpu.memory_space<vmem>>
        %dma_start3A_35 = arith.constant 0 : i32
        %dma_start3A_36 = arith.constant 0 : i32
        %dma_start3A_37 = tpu.memref_slice %arg10[%dma_start3A_35, %dma_start3A_36] : memref<10112x128xf32, #tpu.memory_space<vmem_shared>> -> memref<10112x128xf32, #tpu.memory_space<vmem_shared>>
        tpu.enqueue_indirect_dma source(%arg9 : memref<128x128xf32, #tpu.memory_space<vmem>>) target(%dma_start3A_37 : memref<10112x128xf32, #tpu.memory_space<vmem_shared>>) offsets(%dma_start3A_34 : memref<128xi32, #tpu.memory_space<vmem>>) semaphore(%run_scoped3A : memref<!tpu.dma_semaphore, #tpu.memory_space<semaphore_mem>>) {add = true}
        %dma_wait3A_38 = arith.constant 0 : i32
        %dma_wait3A_39 = tpu.memref_slice %arg8[%while3A_21, %dma_wait3A_38] : memref<97x128xi32, #tpu.memory_space<vmem>> -> memref<1x128xi32, #tpu.memory_space<vmem>>
        %dma_wait3A_40 = tpu.memref_squeeze %dma_wait3A_39 : memref<1x128xi32, #tpu.memory_space<vmem>> -> memref<128xi32, #tpu.memory_space<vmem>>
        %dma_wait3A_41 = arith.constant 0 : i32
        %dma_wait3A_42 = arith.constant 0 : i32
        %dma_wait3A_43 = tpu.memref_slice %arg10[%dma_wait3A_41, %dma_wait3A_42] : memref<10112x128xf32, #tpu.memory_space<vmem_shared>> -> memref<10112x128xf32, #tpu.memory_space<vmem_shared>>
        tpu.wait_indirect_dma semaphore(%run_scoped3A : memref<!tpu.dma_semaphore, #tpu.memory_space<semaphore_mem>>) src(%arg9 : memref<128x128xf32, #tpu.memory_space<vmem>>) dst(%dma_wait3A_43 : memref<10112x128xf32, #tpu.memory_space<vmem_shared>>)
        tpu.yield
      }) : () -> ()
    }
    %barrier3A_16 = arith.constant 0 : index
    tpu.barrier barrier_id(%barrier3A_16)
    %mul3A_17 = arith.constant 632 : i32
    %mul3A_18 = arith.muli %arg1, %mul3A_17 : i32
    %mul3A_19 = arith.constant 632 : i32
    %mul3A_20 = arith.muli %arg1, %mul3A_19 : i32
    "tpu.region"() ({
      %run_scoped3A = tpu.sem_alloc : memref<!tpu.dma_semaphore, #tpu.memory_space<semaphore_mem>>
      %dma_start3A = arith.constant 0 : i32
      %dma_start3A_21 = tpu.memref_slice %arg6[%arg0, %mul3A_20, %dma_start3A] : memref<2x10112x128xf32, #tpu.memory_space<hbm>> -> memref<1x632x128xf32, #tpu.memory_space<hbm>>
      %dma_start3A_22 = tpu.memref_squeeze %dma_start3A_21 : memref<1x632x128xf32, #tpu.memory_space<hbm>> -> memref<632x128xf32, #tpu.memory_space<hbm>>
      %dma_start3A_23 = arith.constant 0 : i32
      %dma_start3A_24 = tpu.memref_slice %arg10[%mul3A_18, %dma_start3A_23] : memref<10112x128xf32, #tpu.memory_space<vmem_shared>> -> memref<632x128xf32, #tpu.memory_space<vmem_shared>>
      tpu.enqueue_dma source(%dma_start3A_24 : memref<632x128xf32, #tpu.memory_space<vmem_shared>>) target(%dma_start3A_22 : memref<632x128xf32, #tpu.memory_space<hbm>>) target_semaphore(%run_scoped3A : memref<!tpu.dma_semaphore, #tpu.memory_space<semaphore_mem>>)
      %dma_wait3A = arith.constant 0 : i32
      %dma_wait3A_25 = tpu.memref_slice %arg6[%arg0, %mul3A_20, %dma_wait3A] : memref<2x10112x128xf32, #tpu.memory_space<hbm>> -> memref<1x632x128xf32, #tpu.memory_space<hbm>>
      %dma_wait3A_26 = tpu.memref_squeeze %dma_wait3A_25 : memref<1x632x128xf32, #tpu.memory_space<hbm>> -> memref<632x128xf32, #tpu.memory_space<hbm>>
      %dma_wait3A_27 = arith.constant 0 : i32
      %dma_wait3A_28 = tpu.memref_slice %arg10[%mul3A_18, %dma_wait3A_27] : memref<10112x128xf32, #tpu.memory_space<vmem_shared>> -> memref<632x128xf32, #tpu.memory_space<vmem_shared>>
      tpu.wait_dma2 semaphore(%run_scoped3A : memref<!tpu.dma_semaphore, #tpu.memory_space<semaphore_mem>>) src(%dma_wait3A_28 : memref<632x128xf32, #tpu.memory_space<vmem_shared>>) dst(%dma_wait3A_26 : memref<632x128xf32, #tpu.memory_space<hbm>>)
      tpu.yield
    }) : () -> ()
    return
  }
}

#map = affine_map<(d0, d1) -> (0, 0)>
#map1 = affine_map<(d0, d1) -> (0, 0, 0)>
module attributes {stable_mosaic.version = 14 : i64} {
  func.func @_segsum_pass(%arg0: i32, %arg1: i32, %arg2: memref<10000x128xf32, #tpu.memory_space<hbm>>, %arg3: memref<32x97x128xi32, #tpu.memory_space<hbm>>, %arg4: memref<32x97x128xi32, #tpu.memory_space<hbm>>, %arg5: memref<10112x128xf32, #tpu.memory_space<hbm>>, %arg6: memref<2x10112x128xf32, #tpu.memory_space<hbm>>, %arg7: memref<97x128xi32, #tpu.memory_space<vmem>>, %arg8: memref<97x128xi32, #tpu.memory_space<vmem>>, %arg9: memref<128x128xf32, #tpu.memory_space<vmem>>, %arg10: memref<10112x128xf32, #tpu.memory_space<vmem_shared>>, %arg11: memref<!tpu.dma_semaphore, #tpu.memory_space<semaphore_mem>>) attributes {dimension_semantics = [#tpu.dimension_semantics<core_parallel>, #tpu.dimension_semantics<subcore_parallel>], iteration_bounds = array<i64: 2, 16>, scalar_prefetch = 0 : i64, scratch_operands = 5 : i64, tpu.core_type = #tpu.core_type<sc_vector_subcore>, window_params = [{transform_indices = #map}, {transform_indices = #map1}, {transform_indices = #map1}, {transform_indices = #map}, {transform_indices = #map1}]} {
    %mul3A = arith.constant 2 : i32
    %mul3A_0 = arith.muli %arg1, %mul3A : i32
    %add3A = arith.addi %mul3A_0, %arg0 : i32
    %mul3A_1 = arith.constant 632 : i32
    %mul3A_2 = arith.muli %arg1, %mul3A_1 : i32
    %mul3A_3 = arith.constant 632 : i32
    %mul3A_4 = arith.muli %arg1, %mul3A_3 : i32
    "tpu.region"() ({
      %run_scoped3A = tpu.sem_alloc : memref<!tpu.dma_semaphore, #tpu.memory_space<semaphore_mem>>
      %dma_start3A = arith.constant 0 : i32
      %dma_start3A_21 = tpu.memref_slice %arg10[%mul3A_4, %dma_start3A] : memref<10112x128xf32, #tpu.memory_space<vmem_shared>> -> memref<632x128xf32, #tpu.memory_space<vmem_shared>>
      %dma_start3A_22 = arith.constant 0 : i32
      %dma_start3A_23 = tpu.memref_slice %arg5[%mul3A_2, %dma_start3A_22] : memref<10112x128xf32, #tpu.memory_space<hbm>> -> memref<632x128xf32, #tpu.memory_space<hbm>>
      tpu.enqueue_dma source(%dma_start3A_23 : memref<632x128xf32, #tpu.memory_space<hbm>>) target(%dma_start3A_21 : memref<632x128xf32, #tpu.memory_space<vmem_shared>>) target_semaphore(%run_scoped3A : memref<!tpu.dma_semaphore, #tpu.memory_space<semaphore_mem>>)
      %dma_wait3A = arith.constant 0 : i32
      %dma_wait3A_24 = tpu.memref_slice %arg10[%mul3A_4, %dma_wait3A] : memref<10112x128xf32, #tpu.memory_space<vmem_shared>> -> memref<632x128xf32, #tpu.memory_space<vmem_shared>>
      %dma_wait3A_25 = arith.constant 0 : i32
      %dma_wait3A_26 = tpu.memref_slice %arg5[%mul3A_2, %dma_wait3A_25] : memref<10112x128xf32, #tpu.memory_space<hbm>> -> memref<632x128xf32, #tpu.memory_space<hbm>>
      tpu.wait_dma2 semaphore(%run_scoped3A : memref<!tpu.dma_semaphore, #tpu.memory_space<semaphore_mem>>) src(%dma_wait3A_26 : memref<632x128xf32, #tpu.memory_space<hbm>>) dst(%dma_wait3A_24 : memref<632x128xf32, #tpu.memory_space<vmem_shared>>)
      tpu.yield
    }) : () -> ()
    "tpu.region"() ({
      %run_scoped3A = tpu.sem_alloc : memref<!tpu.dma_semaphore, #tpu.memory_space<semaphore_mem>>
      %dma_start3A = arith.constant 0 : i32
      %dma_start3A_21 = arith.constant 0 : i32
      %dma_start3A_22 = tpu.memref_slice %arg3[%add3A, %dma_start3A, %dma_start3A_21] : memref<32x97x128xi32, #tpu.memory_space<hbm>> -> memref<1x97x128xi32, #tpu.memory_space<hbm>>
      %dma_start3A_23 = tpu.memref_squeeze %dma_start3A_22 : memref<1x97x128xi32, #tpu.memory_space<hbm>> -> memref<97x128xi32, #tpu.memory_space<hbm>>
      %dma_start3A_24 = arith.constant 0 : i32
      %dma_start3A_25 = arith.constant 0 : i32
      %dma_start3A_26 = tpu.memref_slice %arg3[%add3A, %dma_start3A_24, %dma_start3A_25] : memref<32x97x128xi32, #tpu.memory_space<hbm>> -> memref<1x97x128xi32, #tpu.memory_space<hbm>>
      %dma_start3A_27 = tpu.memref_squeeze %dma_start3A_26 : memref<1x97x128xi32, #tpu.memory_space<hbm>> -> memref<97x128xi32, #tpu.memory_space<hbm>>
      tpu.enqueue_dma source(%dma_start3A_27 : memref<97x128xi32, #tpu.memory_space<hbm>>) target(%arg7 : memref<97x128xi32, #tpu.memory_space<vmem>>) target_semaphore(%run_scoped3A : memref<!tpu.dma_semaphore, #tpu.memory_space<semaphore_mem>>)
      %dma_wait3A = arith.constant 0 : i32
      %dma_wait3A_28 = arith.constant 0 : i32
      %dma_wait3A_29 = tpu.memref_slice %arg3[%add3A, %dma_wait3A, %dma_wait3A_28] : memref<32x97x128xi32, #tpu.memory_space<hbm>> -> memref<1x97x128xi32, #tpu.memory_space<hbm>>
      %dma_wait3A_30 = tpu.memref_squeeze %dma_wait3A_29 : memref<1x97x128xi32, #tpu.memory_space<hbm>> -> memref<97x128xi32, #tpu.memory_space<hbm>>
      %dma_wait3A_31 = arith.constant 0 : i32
      %dma_wait3A_32 = arith.constant 0 : i32
      %dma_wait3A_33 = tpu.memref_slice %arg3[%add3A, %dma_wait3A_31, %dma_wait3A_32] : memref<32x97x128xi32, #tpu.memory_space<hbm>> -> memref<1x97x128xi32, #tpu.memory_space<hbm>>
      %dma_wait3A_34 = tpu.memref_squeeze %dma_wait3A_33 : memref<1x97x128xi32, #tpu.memory_space<hbm>> -> memref<97x128xi32, #tpu.memory_space<hbm>>
      tpu.wait_dma2 semaphore(%run_scoped3A : memref<!tpu.dma_semaphore, #tpu.memory_space<semaphore_mem>>) src(%dma_wait3A_34 : memref<97x128xi32, #tpu.memory_space<hbm>>) dst(%arg7 : memref<97x128xi32, #tpu.memory_space<vmem>>)
      tpu.yield
    }) : () -> ()
    "tpu.region"() ({
      %run_scoped3A = tpu.sem_alloc : memref<!tpu.dma_semaphore, #tpu.memory_space<semaphore_mem>>
      %dma_start3A = arith.constant 0 : i32
      %dma_start3A_21 = arith.constant 0 : i32
      %dma_start3A_22 = tpu.memref_slice %arg4[%add3A, %dma_start3A, %dma_start3A_21] : memref<32x97x128xi32, #tpu.memory_space<hbm>> -> memref<1x97x128xi32, #tpu.memory_space<hbm>>
      %dma_start3A_23 = tpu.memref_squeeze %dma_start3A_22 : memref<1x97x128xi32, #tpu.memory_space<hbm>> -> memref<97x128xi32, #tpu.memory_space<hbm>>
      %dma_start3A_24 = arith.constant 0 : i32
      %dma_start3A_25 = arith.constant 0 : i32
      %dma_start3A_26 = tpu.memref_slice %arg4[%add3A, %dma_start3A_24, %dma_start3A_25] : memref<32x97x128xi32, #tpu.memory_space<hbm>> -> memref<1x97x128xi32, #tpu.memory_space<hbm>>
      %dma_start3A_27 = tpu.memref_squeeze %dma_start3A_26 : memref<1x97x128xi32, #tpu.memory_space<hbm>> -> memref<97x128xi32, #tpu.memory_space<hbm>>
      tpu.enqueue_dma source(%dma_start3A_27 : memref<97x128xi32, #tpu.memory_space<hbm>>) target(%arg8 : memref<97x128xi32, #tpu.memory_space<vmem>>) target_semaphore(%run_scoped3A : memref<!tpu.dma_semaphore, #tpu.memory_space<semaphore_mem>>)
      %dma_wait3A = arith.constant 0 : i32
      %dma_wait3A_28 = arith.constant 0 : i32
      %dma_wait3A_29 = tpu.memref_slice %arg4[%add3A, %dma_wait3A, %dma_wait3A_28] : memref<32x97x128xi32, #tpu.memory_space<hbm>> -> memref<1x97x128xi32, #tpu.memory_space<hbm>>
      %dma_wait3A_30 = tpu.memref_squeeze %dma_wait3A_29 : memref<1x97x128xi32, #tpu.memory_space<hbm>> -> memref<97x128xi32, #tpu.memory_space<hbm>>
      %dma_wait3A_31 = arith.constant 0 : i32
      %dma_wait3A_32 = arith.constant 0 : i32
      %dma_wait3A_33 = tpu.memref_slice %arg4[%add3A, %dma_wait3A_31, %dma_wait3A_32] : memref<32x97x128xi32, #tpu.memory_space<hbm>> -> memref<1x97x128xi32, #tpu.memory_space<hbm>>
      %dma_wait3A_34 = tpu.memref_squeeze %dma_wait3A_33 : memref<1x97x128xi32, #tpu.memory_space<hbm>> -> memref<97x128xi32, #tpu.memory_space<hbm>>
      tpu.wait_dma2 semaphore(%run_scoped3A : memref<!tpu.dma_semaphore, #tpu.memory_space<semaphore_mem>>) src(%dma_wait3A_34 : memref<97x128xi32, #tpu.memory_space<hbm>>) dst(%arg8 : memref<97x128xi32, #tpu.memory_space<vmem>>)
      tpu.yield
    }) : () -> ()
    %barrier3A = arith.constant 0 : index
    tpu.barrier barrier_id(%barrier3A)
    %eq3A = arith.constant 0 : i32
    %eq3A_5 = arith.cmpi eq, %arg0, %eq3A : i32
    %jit3A = arith.constant 97 : i32
    %jit3A_6 = arith.constant 60 : i32
    %select_n3A = arith.select %eq3A_5, %jit3A, %jit3A_6 : i32
    %while3A = arith.constant 0 : i32
    %while3A_7 = arith.constant 0 : i32
    %while3A_8 = arith.subi %select_n3A, %while3A_7 : i32
    %while3A_9 = arith.addi %while3A_7, %while3A_8 : i32
    %while3A_10 = arith.constant 1 : i32
    %while3A_11 = arith.divsi %while3A_8, %while3A_10 : i32
    %while3A_12 = arith.muli %while3A_11, %while3A_10 : i32
    %while3A_13 = arith.addi %while3A_7, %while3A_12 : i32
    %while3A_14 = arith.constant 1 : i32
    scf.for %while3A_21 = %while3A_7 to %while3A_13 step %while3A_14  : i32 {
      %dma_start3A = arith.constant 0 : i32
      %dma_start3A_22 = tpu.memref_slice %arg7[%while3A_21, %dma_start3A] : memref<97x128xi32, #tpu.memory_space<vmem>> -> memref<1x128xi32, #tpu.memory_space<vmem>>
      %dma_start3A_23 = tpu.memref_squeeze %dma_start3A_22 : memref<1x128xi32, #tpu.memory_space<vmem>> -> memref<128xi32, #tpu.memory_space<vmem>>
      %dma_start3A_24 = arith.constant 0 : i32
      %dma_start3A_25 = arith.constant 0 : i32
      %dma_start3A_26 = tpu.memref_slice %arg2[%dma_start3A_24, %dma_start3A_25] : memref<10000x128xf32, #tpu.memory_space<hbm>> -> memref<10000x128xf32, #tpu.memory_space<hbm>>
      tpu.enqueue_indirect_dma source(%dma_start3A_26 : memref<10000x128xf32, #tpu.memory_space<hbm>>) target(%arg9 : memref<128x128xf32, #tpu.memory_space<vmem>>) offsets(%dma_start3A_23 : memref<128xi32, #tpu.memory_space<vmem>>) semaphore(%arg11 : memref<!tpu.dma_semaphore, #tpu.memory_space<semaphore_mem>>)
      %dma_wait3A = arith.constant 0 : i32
      %dma_wait3A_27 = tpu.memref_slice %arg7[%while3A_21, %dma_wait3A] : memref<97x128xi32, #tpu.memory_space<vmem>> -> memref<1x128xi32, #tpu.memory_space<vmem>>
      %dma_wait3A_28 = tpu.memref_squeeze %dma_wait3A_27 : memref<1x128xi32, #tpu.memory_space<vmem>> -> memref<128xi32, #tpu.memory_space<vmem>>
      %dma_wait3A_29 = arith.constant 0 : i32
      %dma_wait3A_30 = arith.constant 0 : i32
      %dma_wait3A_31 = tpu.memref_slice %arg2[%dma_wait3A_29, %dma_wait3A_30] : memref<10000x128xf32, #tpu.memory_space<hbm>> -> memref<10000x128xf32, #tpu.memory_space<hbm>>
      tpu.wait_indirect_dma semaphore(%arg11 : memref<!tpu.dma_semaphore, #tpu.memory_space<semaphore_mem>>) src(%dma_wait3A_31 : memref<10000x128xf32, #tpu.memory_space<hbm>>) dst(%arg9 : memref<128x128xf32, #tpu.memory_space<vmem>>)
      "tpu.region"() ({
        %run_scoped3A = tpu.sem_alloc : memref<!tpu.dma_semaphore, #tpu.memory_space<semaphore_mem>>
        %dma_start3A_32 = arith.constant 0 : i32
        %dma_start3A_33 = tpu.memref_slice %arg8[%while3A_21, %dma_start3A_32] : memref<97x128xi32, #tpu.memory_space<vmem>> -> memref<1x128xi32, #tpu.memory_space<vmem>>
        %dma_start3A_34 = tpu.memref_squeeze %dma_start3A_33 : memref<1x128xi32, #tpu.memory_space<vmem>> -> memref<128xi32, #tpu.memory_space<vmem>>
        %dma_start3A_35 = arith.constant 0 : i32
        %dma_start3A_36 = arith.constant 0 : i32
        %dma_start3A_37 = tpu.memref_slice %arg10[%dma_start3A_35, %dma_start3A_36] : memref<10112x128xf32, #tpu.memory_space<vmem_shared>> -> memref<10112x128xf32, #tpu.memory_space<vmem_shared>>
        tpu.enqueue_indirect_dma source(%arg9 : memref<128x128xf32, #tpu.memory_space<vmem>>) target(%dma_start3A_37 : memref<10112x128xf32, #tpu.memory_space<vmem_shared>>) offsets(%dma_start3A_34 : memref<128xi32, #tpu.memory_space<vmem>>) semaphore(%run_scoped3A : memref<!tpu.dma_semaphore, #tpu.memory_space<semaphore_mem>>) {add = true}
        %dma_wait3A_38 = arith.constant 0 : i32
        %dma_wait3A_39 = tpu.memref_slice %arg8[%while3A_21, %dma_wait3A_38] : memref<97x128xi32, #tpu.memory_space<vmem>> -> memref<1x128xi32, #tpu.memory_space<vmem>>
        %dma_wait3A_40 = tpu.memref_squeeze %dma_wait3A_39 : memref<1x128xi32, #tpu.memory_space<vmem>> -> memref<128xi32, #tpu.memory_space<vmem>>
        %dma_wait3A_41 = arith.constant 0 : i32
        %dma_wait3A_42 = arith.constant 0 : i32
        %dma_wait3A_43 = tpu.memref_slice %arg10[%dma_wait3A_41, %dma_wait3A_42] : memref<10112x128xf32, #tpu.memory_space<vmem_shared>> -> memref<10112x128xf32, #tpu.memory_space<vmem_shared>>
        tpu.wait_indirect_dma semaphore(%run_scoped3A : memref<!tpu.dma_semaphore, #tpu.memory_space<semaphore_mem>>) src(%arg9 : memref<128x128xf32, #tpu.memory_space<vmem>>) dst(%dma_wait3A_43 : memref<10112x128xf32, #tpu.memory_space<vmem_shared>>)
        tpu.yield
      }) : () -> ()
    }
    %while3A_15 = arith.constant 1 : i32
    scf.for %while3A_21 = %while3A_13 to %while3A_9 step %while3A_15  : i32 {
      %dma_start3A = arith.constant 0 : i32
      %dma_start3A_22 = tpu.memref_slice %arg7[%while3A_21, %dma_start3A] : memref<97x128xi32, #tpu.memory_space<vmem>> -> memref<1x128xi32, #tpu.memory_space<vmem>>
      %dma_start3A_23 = tpu.memref_squeeze %dma_start3A_22 : memref<1x128xi32, #tpu.memory_space<vmem>> -> memref<128xi32, #tpu.memory_space<vmem>>
      %dma_start3A_24 = arith.constant 0 : i32
      %dma_start3A_25 = arith.constant 0 : i32
      %dma_start3A_26 = tpu.memref_slice %arg2[%dma_start3A_24, %dma_start3A_25] : memref<10000x128xf32, #tpu.memory_space<hbm>> -> memref<10000x128xf32, #tpu.memory_space<hbm>>
      tpu.enqueue_indirect_dma source(%dma_start3A_26 : memref<10000x128xf32, #tpu.memory_space<hbm>>) target(%arg9 : memref<128x128xf32, #tpu.memory_space<vmem>>) offsets(%dma_start3A_23 : memref<128xi32, #tpu.memory_space<vmem>>) semaphore(%arg11 : memref<!tpu.dma_semaphore, #tpu.memory_space<semaphore_mem>>)
      %dma_wait3A = arith.constant 0 : i32
      %dma_wait3A_27 = tpu.memref_slice %arg7[%while3A_21, %dma_wait3A] : memref<97x128xi32, #tpu.memory_space<vmem>> -> memref<1x128xi32, #tpu.memory_space<vmem>>
      %dma_wait3A_28 = tpu.memref_squeeze %dma_wait3A_27 : memref<1x128xi32, #tpu.memory_space<vmem>> -> memref<128xi32, #tpu.memory_space<vmem>>
      %dma_wait3A_29 = arith.constant 0 : i32
      %dma_wait3A_30 = arith.constant 0 : i32
      %dma_wait3A_31 = tpu.memref_slice %arg2[%dma_wait3A_29, %dma_wait3A_30] : memref<10000x128xf32, #tpu.memory_space<hbm>> -> memref<10000x128xf32, #tpu.memory_space<hbm>>
      tpu.wait_indirect_dma semaphore(%arg11 : memref<!tpu.dma_semaphore, #tpu.memory_space<semaphore_mem>>) src(%dma_wait3A_31 : memref<10000x128xf32, #tpu.memory_space<hbm>>) dst(%arg9 : memref<128x128xf32, #tpu.memory_space<vmem>>)
      "tpu.region"() ({
        %run_scoped3A = tpu.sem_alloc : memref<!tpu.dma_semaphore, #tpu.memory_space<semaphore_mem>>
        %dma_start3A_32 = arith.constant 0 : i32
        %dma_start3A_33 = tpu.memref_slice %arg8[%while3A_21, %dma_start3A_32] : memref<97x128xi32, #tpu.memory_space<vmem>> -> memref<1x128xi32, #tpu.memory_space<vmem>>
        %dma_start3A_34 = tpu.memref_squeeze %dma_start3A_33 : memref<1x128xi32, #tpu.memory_space<vmem>> -> memref<128xi32, #tpu.memory_space<vmem>>
        %dma_start3A_35 = arith.constant 0 : i32
        %dma_start3A_36 = arith.constant 0 : i32
        %dma_start3A_37 = tpu.memref_slice %arg10[%dma_start3A_35, %dma_start3A_36] : memref<10112x128xf32, #tpu.memory_space<vmem_shared>> -> memref<10112x128xf32, #tpu.memory_space<vmem_shared>>
        tpu.enqueue_indirect_dma source(%arg9 : memref<128x128xf32, #tpu.memory_space<vmem>>) target(%dma_start3A_37 : memref<10112x128xf32, #tpu.memory_space<vmem_shared>>) offsets(%dma_start3A_34 : memref<128xi32, #tpu.memory_space<vmem>>) semaphore(%run_scoped3A : memref<!tpu.dma_semaphore, #tpu.memory_space<semaphore_mem>>) {add = true}
        %dma_wait3A_38 = arith.constant 0 : i32
        %dma_wait3A_39 = tpu.memref_slice %arg8[%while3A_21, %dma_wait3A_38] : memref<97x128xi32, #tpu.memory_space<vmem>> -> memref<1x128xi32, #tpu.memory_space<vmem>>
        %dma_wait3A_40 = tpu.memref_squeeze %dma_wait3A_39 : memref<1x128xi32, #tpu.memory_space<vmem>> -> memref<128xi32, #tpu.memory_space<vmem>>
        %dma_wait3A_41 = arith.constant 0 : i32
        %dma_wait3A_42 = arith.constant 0 : i32
        %dma_wait3A_43 = tpu.memref_slice %arg10[%dma_wait3A_41, %dma_wait3A_42] : memref<10112x128xf32, #tpu.memory_space<vmem_shared>> -> memref<10112x128xf32, #tpu.memory_space<vmem_shared>>
        tpu.wait_indirect_dma semaphore(%run_scoped3A : memref<!tpu.dma_semaphore, #tpu.memory_space<semaphore_mem>>) src(%arg9 : memref<128x128xf32, #tpu.memory_space<vmem>>) dst(%dma_wait3A_43 : memref<10112x128xf32, #tpu.memory_space<vmem_shared>>)
        tpu.yield
      }) : () -> ()
    }
    %barrier3A_16 = arith.constant 0 : index
    tpu.barrier barrier_id(%barrier3A_16)
    %mul3A_17 = arith.constant 632 : i32
    %mul3A_18 = arith.muli %arg1, %mul3A_17 : i32
    %mul3A_19 = arith.constant 632 : i32
    %mul3A_20 = arith.muli %arg1, %mul3A_19 : i32
    "tpu.region"() ({
      %run_scoped3A = tpu.sem_alloc : memref<!tpu.dma_semaphore, #tpu.memory_space<semaphore_mem>>
      %dma_start3A = arith.constant 0 : i32
      %dma_start3A_21 = tpu.memref_slice %arg6[%arg0, %mul3A_20, %dma_start3A] : memref<2x10112x128xf32, #tpu.memory_space<hbm>> -> memref<1x632x128xf32, #tpu.memory_space<hbm>>
      %dma_start3A_22 = tpu.memref_squeeze %dma_start3A_21 : memref<1x632x128xf32, #tpu.memory_space<hbm>> -> memref<632x128xf32, #tpu.memory_space<hbm>>
      %dma_start3A_23 = arith.constant 0 : i32
      %dma_start3A_24 = tpu.memref_slice %arg10[%mul3A_18, %dma_start3A_23] : memref<10112x128xf32, #tpu.memory_space<vmem_shared>> -> memref<632x128xf32, #tpu.memory_space<vmem_shared>>
      tpu.enqueue_dma source(%dma_start3A_24 : memref<632x128xf32, #tpu.memory_space<vmem_shared>>) target(%dma_start3A_22 : memref<632x128xf32, #tpu.memory_space<hbm>>) target_semaphore(%run_scoped3A : memref<!tpu.dma_semaphore, #tpu.memory_space<semaphore_mem>>)
      %dma_wait3A = arith.constant 0 : i32
      %dma_wait3A_25 = tpu.memref_slice %arg6[%arg0, %mul3A_20, %dma_wait3A] : memref<2x10112x128xf32, #tpu.memory_space<hbm>> -> memref<1x632x128xf32, #tpu.memory_space<hbm>>
      %dma_wait3A_26 = tpu.memref_squeeze %dma_wait3A_25 : memref<1x632x128xf32, #tpu.memory_space<hbm>> -> memref<632x128xf32, #tpu.memory_space<hbm>>
      %dma_wait3A_27 = arith.constant 0 : i32
      %dma_wait3A_28 = tpu.memref_slice %arg10[%mul3A_18, %dma_wait3A_27] : memref<10112x128xf32, #tpu.memory_space<vmem_shared>> -> memref<632x128xf32, #tpu.memory_space<vmem_shared>>
      tpu.wait_dma2 semaphore(%run_scoped3A : memref<!tpu.dma_semaphore, #tpu.memory_space<semaphore_mem>>) src(%dma_wait3A_28 : memref<632x128xf32, #tpu.memory_space<vmem_shared>>) dst(%dma_wait3A_26 : memref<632x128xf32, #tpu.memory_space<hbm>>)
      tpu.yield
    }) : () -> ()
    return
  }
}

#map = affine_map<(d0, d1) -> (0, 0)>
#map1 = affine_map<(d0, d1) -> (0, 0, 0, 0)>
#map2 = affine_map<(d0, d1) -> (0, 0, 0)>
module attributes {stable_mosaic.version = 14 : i64} {
  func.func @_hist_pass(%arg0: i32, %arg1: i32, %arg2: memref<32x10240xi32, #tpu.memory_space<hbm>>, %arg3: memref<32x10240xi32, #tpu.memory_space<hbm>>, %arg4: memref<2x16x2x10112xf32, #tpu.memory_space<hbm>>, %arg5: memref<2x16x2x10240xi32, #tpu.memory_space<hbm>>, %arg6: memref<2x16x16xi32, #tpu.memory_space<hbm>>, %arg7: memref<10240xi32, #tpu.memory_space<vmem>>, %arg8: memref<10240xi32, #tpu.memory_space<vmem>>, %arg9: memref<10112xf32, #tpu.memory_space<vmem>>, %arg10: memref<10112xf32, #tpu.memory_space<vmem>>, %arg11: memref<10240xi32, #tpu.memory_space<vmem>>, %arg12: memref<10240xi32, #tpu.memory_space<vmem>>, %arg13: memref<16xi32, #tpu.memory_space<vmem>>) attributes {dimension_semantics = [#tpu.dimension_semantics<core_parallel>, #tpu.dimension_semantics<subcore_parallel>], iteration_bounds = array<i64: 2, 16>, scalar_prefetch = 0 : i64, scratch_operands = 7 : i64, tpu.core_type = #tpu.core_type<sc_vector_subcore>, window_params = [{transform_indices = #map}, {transform_indices = #map}, {transform_indices = #map1}, {transform_indices = #map1}, {transform_indices = #map2}]} {
    %mul3A = arith.constant 2 : i32
    %mul3A_0 = arith.muli %arg1, %mul3A : i32
    %add3A = arith.addi %mul3A_0, %arg0 : i32
    "tpu.region"() ({
      %run_scoped3A_23 = tpu.sem_alloc : memref<!tpu.dma_semaphore, #tpu.memory_space<semaphore_mem>>
      %dma_start3A = arith.constant 0 : i32
      %dma_start3A_24 = tpu.memref_slice %arg2[%add3A, %dma_start3A] : memref<32x10240xi32, #tpu.memory_space<hbm>> -> memref<1x10240xi32, #tpu.memory_space<hbm>>
      %dma_start3A_25 = tpu.memref_squeeze %dma_start3A_24 : memref<1x10240xi32, #tpu.memory_space<hbm>> -> memref<10240xi32, #tpu.memory_space<hbm>>
      %dma_start3A_26 = arith.constant 0 : i32
      %dma_start3A_27 = tpu.memref_slice %arg2[%add3A, %dma_start3A_26] : memref<32x10240xi32, #tpu.memory_space<hbm>> -> memref<1x10240xi32, #tpu.memory_space<hbm>>
      %dma_start3A_28 = tpu.memref_squeeze %dma_start3A_27 : memref<1x10240xi32, #tpu.memory_space<hbm>> -> memref<10240xi32, #tpu.memory_space<hbm>>
      tpu.enqueue_dma source(%dma_start3A_28 : memref<10240xi32, #tpu.memory_space<hbm>>) target(%arg7 : memref<10240xi32, #tpu.memory_space<vmem>>) target_semaphore(%run_scoped3A_23 : memref<!tpu.dma_semaphore, #tpu.memory_space<semaphore_mem>>)
      %dma_wait3A = arith.constant 0 : i32
      %dma_wait3A_29 = tpu.memref_slice %arg2[%add3A, %dma_wait3A] : memref<32x10240xi32, #tpu.memory_space<hbm>> -> memref<1x10240xi32, #tpu.memory_space<hbm>>
      %dma_wait3A_30 = tpu.memref_squeeze %dma_wait3A_29 : memref<1x10240xi32, #tpu.memory_space<hbm>> -> memref<10240xi32, #tpu.memory_space<hbm>>
      %dma_wait3A_31 = arith.constant 0 : i32
      %dma_wait3A_32 = tpu.memref_slice %arg2[%add3A, %dma_wait3A_31] : memref<32x10240xi32, #tpu.memory_space<hbm>> -> memref<1x10240xi32, #tpu.memory_space<hbm>>
      %dma_wait3A_33 = tpu.memref_squeeze %dma_wait3A_32 : memref<1x10240xi32, #tpu.memory_space<hbm>> -> memref<10240xi32, #tpu.memory_space<hbm>>
      tpu.wait_dma2 semaphore(%run_scoped3A_23 : memref<!tpu.dma_semaphore, #tpu.memory_space<semaphore_mem>>) src(%dma_wait3A_33 : memref<10240xi32, #tpu.memory_space<hbm>>) dst(%arg7 : memref<10240xi32, #tpu.memory_space<vmem>>)
      tpu.yield
    }) : () -> ()
    "tpu.region"() ({
      %run_scoped3A_23 = tpu.sem_alloc : memref<!tpu.dma_semaphore, #tpu.memory_space<semaphore_mem>>
      %dma_start3A = arith.constant 0 : i32
      %dma_start3A_24 = tpu.memref_slice %arg3[%add3A, %dma_start3A] : memref<32x10240xi32, #tpu.memory_space<hbm>> -> memref<1x10240xi32, #tpu.memory_space<hbm>>
      %dma_start3A_25 = tpu.memref_squeeze %dma_start3A_24 : memref<1x10240xi32, #tpu.memory_space<hbm>> -> memref<10240xi32, #tpu.memory_space<hbm>>
      %dma_start3A_26 = arith.constant 0 : i32
      %dma_start3A_27 = tpu.memref_slice %arg3[%add3A, %dma_start3A_26] : memref<32x10240xi32, #tpu.memory_space<hbm>> -> memref<1x10240xi32, #tpu.memory_space<hbm>>
      %dma_start3A_28 = tpu.memref_squeeze %dma_start3A_27 : memref<1x10240xi32, #tpu.memory_space<hbm>> -> memref<10240xi32, #tpu.memory_space<hbm>>
      tpu.enqueue_dma source(%dma_start3A_28 : memref<10240xi32, #tpu.memory_space<hbm>>) target(%arg8 : memref<10240xi32, #tpu.memory_space<vmem>>) target_semaphore(%run_scoped3A_23 : memref<!tpu.dma_semaphore, #tpu.memory_space<semaphore_mem>>)
      %dma_wait3A = arith.constant 0 : i32
      %dma_wait3A_29 = tpu.memref_slice %arg3[%add3A, %dma_wait3A] : memref<32x10240xi32, #tpu.memory_space<hbm>> -> memref<1x10240xi32, #tpu.memory_space<hbm>>
      %dma_wait3A_30 = tpu.memref_squeeze %dma_wait3A_29 : memref<1x10240xi32, #tpu.memory_space<hbm>> -> memref<10240xi32, #tpu.memory_space<hbm>>
      %dma_wait3A_31 = arith.constant 0 : i32
      %dma_wait3A_32 = tpu.memref_slice %arg3[%add3A, %dma_wait3A_31] : memref<32x10240xi32, #tpu.memory_space<hbm>> -> memref<1x10240xi32, #tpu.memory_space<hbm>>
      %dma_wait3A_33 = tpu.memref_squeeze %dma_wait3A_32 : memref<1x10240xi32, #tpu.memory_space<hbm>> -> memref<10240xi32, #tpu.memory_space<hbm>>
      tpu.wait_dma2 semaphore(%run_scoped3A_23 : memref<!tpu.dma_semaphore, #tpu.memory_space<semaphore_mem>>) src(%dma_wait3A_33 : memref<10240xi32, #tpu.memory_space<hbm>>) dst(%arg8 : memref<10240xi32, #tpu.memory_space<vmem>>)
      tpu.yield
    }) : () -> ()
    %scan3A = arith.constant 0 : i32
    %scan3A_1 = arith.constant 0 : i32
    %scan3A_2 = arith.constant 632 : i32
    %scan3A_3 = arith.addi %scan3A_1, %scan3A_2 : i32
    %scan3A_4 = arith.constant 1 : i32
    scf.for %scan3A_23 = %scan3A_1 to %scan3A_3 step %scan3A_4  : i32 {
      %broadcast_in_dim3A_24 = arith.constant 0.000000e+00 : f32
      %broadcast_in_dim3A_25 = vector.broadcast %broadcast_in_dim3A_24 : f32 to vector<16xf32>
      %mul3A_26 = arith.constant 16 : i32
      %mul3A_27 = arith.muli %mul3A_26, %scan3A_23 : i32
      %swap3A_28 = arith.index_cast %mul3A_27 : i32 to index
      %swap3A_29 = tpu.vector_load %arg9[%swap3A_28] {strides = array<i32>} : memref<10112xf32, #tpu.memory_space<vmem>>, vector<16xf32>,
      tpu.vector_store %arg9[%swap3A_28], %broadcast_in_dim3A_25 {strides = array<i32>} : memref<10112xf32, #tpu.memory_space<vmem>>, vector<16xf32>,
      %mul3A_30 = arith.constant 16 : i32
      %mul3A_31 = arith.muli %mul3A_30, %scan3A_23 : i32
      %swap3A_32 = arith.index_cast %mul3A_31 : i32 to index
      %swap3A_33 = tpu.vector_load %arg10[%swap3A_32] {strides = array<i32>} : memref<10112xf32, #tpu.memory_space<vmem>>, vector<16xf32>,
      tpu.vector_store %arg10[%swap3A_32], %broadcast_in_dim3A_25 {strides = array<i32>} : memref<10112xf32, #tpu.memory_space<vmem>>, vector<16xf32>,
    }
    %scan3A_5 = arith.constant 632 : i32
    %scan3A_6 = arith.constant 0 : i32
    %scan3A_7 = arith.constant 0 : i32
    %scan3A_8 = arith.constant 640 : i32
    %scan3A_9 = arith.addi %scan3A_7, %scan3A_8 : i32
    %scan3A_10 = arith.constant 1 : i32
    scf.for %scan3A_23 = %scan3A_7 to %scan3A_9 step %scan3A_10  : i32 {
      %broadcast_in_dim3A_24 = arith.constant 0 : i32
      %broadcast_in_dim3A_25 = vector.broadcast %broadcast_in_dim3A_24 : i32 to vector<16xi32>
      %mul3A_26 = arith.constant 16 : i32
      %mul3A_27 = arith.muli %mul3A_26, %scan3A_23 : i32
      %swap3A_28 = arith.index_cast %mul3A_27 : i32 to index
      %swap3A_29 = tpu.vector_load %arg11[%swap3A_28] {strides = array<i32>} : memref<10240xi32, #tpu.memory_space<vmem>>, vector<16xi32>,
      tpu.vector_store %arg11[%swap3A_28], %broadcast_in_dim3A_25 {strides = array<i32>} : memref<10240xi32, #tpu.memory_space<vmem>>, vector<16xi32>,
      %broadcast_in_dim3A_30 = arith.constant 64 : i32
      %broadcast_in_dim3A_31 = vector.broadcast %broadcast_in_dim3A_30 : i32 to vector<16xi32>
      %mul3A_32 = arith.constant 16 : i32
      %mul3A_33 = arith.muli %mul3A_32, %scan3A_23 : i32
      %swap3A_34 = arith.index_cast %mul3A_33 : i32 to index
      %swap3A_35 = tpu.vector_load %arg12[%swap3A_34] {strides = array<i32>} : memref<10240xi32, #tpu.memory_space<vmem>>, vector<16xi32>,
      tpu.vector_store %arg12[%swap3A_34], %broadcast_in_dim3A_31 {strides = array<i32>} : memref<10240xi32, #tpu.memory_space<vmem>>, vector<16xi32>,
    }
    %scan3A_11 = arith.constant 640 : i32
    %scan3A_12 = arith.constant 0 : i32
    %scan3A_13 = arith.constant 0 : i32
    %scan3A_14 = arith.constant 640 : i32
    %scan3A_15 = arith.addi %scan3A_13, %scan3A_14 : i32
    %scan3A_16 = arith.constant 1 : i32
    %scan3A_17 = scf.for %scan3A_23 = %scan3A_13 to %scan3A_15 step %scan3A_16 iter_args(%scan3A_24 = %scan3A_12) -> (i32)  : i32 {
      %mul3A_25 = arith.constant 16 : i32
      %mul3A_26 = arith.muli %mul3A_25, %scan3A_23 : i32
      %get3A = arith.index_cast %mul3A_26 : i32 to index
      %get3A_27 = tpu.vector_load %arg7[%get3A] {strides = array<i32>} : memref<10240xi32, #tpu.memory_space<vmem>>, vector<16xi32>,
      %broadcast_in_dim3A_28 = arith.constant true
      %broadcast_in_dim3A_29 = vector.broadcast %broadcast_in_dim3A_28 : i1 to vector<16xi1>
      %unique3A, %unique3A_30 = tpu.scan_count mask(%broadcast_in_dim3A_29 : vector<16xi1>) value(%get3A_27 : vector<16xi32>) : vector<16xi1>, vector<16xi32>
      %convert_element_type3A = arith.sitofp %unique3A_30 : vector<16xi32> to vector<16xf32>
      tpu.vector_store_idx %arg9[%get3A_27], %convert_element_type3A masked %unique3A {add = true} : memref<10112xf32, #tpu.memory_space<vmem>>[vector<16xi32>], vector<16xf32>, vector<16xi1>
      %mul3A_31 = arith.constant 16 : i32
      %mul3A_32 = arith.muli %mul3A_31, %scan3A_23 : i32
      %get3A_33 = arith.index_cast %mul3A_32 : i32 to index
      %get3A_34 = tpu.vector_load %arg8[%get3A_33] {strides = array<i32>} : memref<10240xi32, #tpu.memory_space<vmem>>, vector<16xi32>,
      %broadcast_in_dim3A_35 = arith.constant true
      %broadcast_in_dim3A_36 = vector.broadcast %broadcast_in_dim3A_35 : i1 to vector<16xi1>
      %unique3A_37, %unique3A_38 = tpu.scan_count mask(%broadcast_in_dim3A_36 : vector<16xi1>) value(%get3A_34 : vector<16xi32>) : vector<16xi1>, vector<16xi32>
      %convert_element_type3A_39 = arith.sitofp %unique3A_38 : vector<16xi32> to vector<16xf32>
      tpu.vector_store_idx %arg10[%get3A_34], %convert_element_type3A_39 masked %unique3A_37 {add = true} : memref<10112xf32, #tpu.memory_space<vmem>>[vector<16xi32>], vector<16xf32>, vector<16xi1>
      %jit3A = arith.constant 1000 : i32
      %div3A = vector.broadcast %jit3A : i32 to vector<16xi32>
      %div3A_40 = arith.divsi %get3A_27, %div3A : vector<16xi32>
      %sign3A = arith.constant 0 : i32
      %sign3A_41 = vector.broadcast %sign3A : i32 to vector<16xi32>
      %sign3A_42 = arith.cmpi sgt, %get3A_27, %sign3A_41 : vector<16xi32>
      %sign3A_43 = arith.extui %sign3A_42 : vector<16xi1> to vector<16xi32>
      %sign3A_44 = arith.constant 0 : i32
      %sign3A_45 = vector.broadcast %sign3A_44 : i32 to vector<16xi32>
      %sign3A_46 = arith.cmpi slt, %get3A_27, %sign3A_45 : vector<16xi32>
      %sign3A_47 = arith.extui %sign3A_46 : vector<16xi1> to vector<16xi32>
      %sign3A_48 = arith.subi %sign3A_43, %sign3A_47 : vector<16xi32>
      %sign3A_49 = arith.constant 0 : i32
      %sign3A_50 = arith.cmpi sgt, %jit3A, %sign3A_49 : i32
      %sign3A_51 = arith.extui %sign3A_50 : i1 to i32
      %sign3A_52 = arith.constant 0 : i32
      %sign3A_53 = arith.cmpi slt, %jit3A, %sign3A_52 : i32
      %sign3A_54 = arith.extui %sign3A_53 : i1 to i32
      %sign3A_55 = arith.subi %sign3A_51, %sign3A_54 : i32
      %ne3A = vector.broadcast %sign3A_55 : i32 to vector<16xi32>
      %ne3A_56 = arith.cmpi ne, %sign3A_48, %ne3A : vector<16xi32>
      %rem3A = vector.broadcast %jit3A : i32 to vector<16xi32>
      %rem3A_57 = arith.remsi %get3A_27, %rem3A : vector<16xi32>
      %ne3A_58 = arith.constant 0 : i32
      %ne3A_59 = vector.broadcast %ne3A_58 : i32 to vector<16xi32>
      %ne3A_60 = arith.cmpi ne, %rem3A_57, %ne3A_59 : vector<16xi32>
      %and3A = arith.andi %ne3A_56, %ne3A_60 : vector<16xi1>
      %sub3A = arith.constant 1 : i32
      %sub3A_61 = vector.broadcast %sub3A : i32 to vector<16xi32>
      %sub3A_62 = arith.subi %div3A_40, %sub3A_61 : vector<16xi32>
      %select_n3A = arith.select %and3A, %sub3A_62, %div3A_40 : vector<16xi1>, vector<16xi32>
      %mul3A_63 = arith.constant 1000 : i32
      %mul3A_64 = vector.broadcast %mul3A_63 : i32 to vector<16xi32>
      %mul3A_65 = arith.muli %select_n3A, %mul3A_64 : vector<16xi32>
      %sub3A_66 = arith.subi %get3A_27, %mul3A_65 : vector<16xi32>
      %lt3A = arith.constant 8000 : i32
      %lt3A_67 = vector.broadcast %lt3A : i32 to vector<16xi32>
      %lt3A_68 = arith.cmpi slt, %get3A_27, %lt3A_67 : vector<16xi32>
      %lt3A_69 = arith.constant 8 : i32
      %lt3A_70 = vector.broadcast %lt3A_69 : i32 to vector<16xi32>
      %lt3A_71 = arith.cmpi slt, %sub3A_66, %lt3A_70 : vector<16xi32>
      %and3A_72 = arith.andi %lt3A_68, %lt3A_71 : vector<16xi1>
      %mul3A_73 = arith.constant 8 : i32
      %mul3A_74 = vector.broadcast %mul3A_73 : i32 to vector<16xi32>
      %mul3A_75 = arith.muli %select_n3A, %mul3A_74 : vector<16xi32>
      %add3A_76 = arith.addi %mul3A_75, %sub3A_66 : vector<16xi32>
      %swap3A_77 = arith.index_cast %scan3A_24 : i32 to index
      %swap3A_78 = tpu.vector_load %arg11[%swap3A_77] masked %and3A_72 {strides = array<i32>} : memref<10240xi32, #tpu.memory_space<vmem>>, vector<16xi32>, vector<16xi1>
      tpu.vector_store %arg11[%swap3A_77], %get3A_34 masked %and3A_72 {strides = array<i32>} : memref<10240xi32, #tpu.memory_space<vmem>>, vector<16xi32>, vector<16xi1>
      %swap3A_79 = arith.index_cast %scan3A_24 : i32 to index
      %swap3A_80 = tpu.vector_load %arg12[%swap3A_79] masked %and3A_72 {strides = array<i32>} : memref<10240xi32, #tpu.memory_space<vmem>>, vector<16xi32>, vector<16xi1>
      tpu.vector_store %arg12[%swap3A_79], %add3A_76 masked %and3A_72 {strides = array<i32>} : memref<10240xi32, #tpu.memory_space<vmem>>, vector<16xi32>, vector<16xi1>
      %all_reduce_population_count3A = tpu.all_reduce %and3A_72 {dim = 0 : i64, kind = #tpu.reduction_kind<sum>} : vector<16xi1> -> vector<16xi32>
      %reduce_max3A = arith.constant true
      %reduce_max3A_81 = vector.broadcast %reduce_max3A : i1 to vector<16xi1>
      %reduce_max3A_82 = arith.constant -2147483648 : i32
      %reduce_max3A_83 = vector.broadcast %reduce_max3A_82 : i32 to vector<16xi32>
      %reduce_max3A_84 = arith.xori %all_reduce_population_count3A, %reduce_max3A_83 : vector<16xi32>
      %reduce_max3A_85 = tpu.scan <max>, %reduce_max3A_84 masked %reduce_max3A_81 : vector<16xi32>, vector<16xi1> -> vector<16xi32>
      %reduce_max3A_86 = arith.xori %reduce_max3A_85, %reduce_max3A_83 : vector<16xi32>
      %reduce_max3A_87 = vector.extract %reduce_max3A_86[15] : i32 from vector<16xi32>
      %add3A_88 = arith.addi %scan3A_24, %reduce_max3A_87 : i32
      scf.yield %add3A_88 : i32
    }
    %scan3A_18 = arith.constant 640 : i32
    %broadcast_in_dim3A = vector.broadcast %scan3A_17 : i32 to vector<16xi32>
    %swap3A = arith.constant 0 : index
    %swap3A_19 = tpu.vector_load %arg13[%swap3A] {strides = array<i32>} : memref<16xi32, #tpu.memory_space<vmem>>, vector<16xi32>,
    tpu.vector_store %arg13[%swap3A], %broadcast_in_dim3A {strides = array<i32>} : memref<16xi32, #tpu.memory_space<vmem>>, vector<16xi32>,
    %run_scoped3A = arith.constant 0 : i32
    "tpu.region"() ({
      %run_scoped3A_23 = tpu.sem_alloc : memref<!tpu.dma_semaphore, #tpu.memory_space<semaphore_mem>>
      %dma_start3A = arith.constant 0 : i32
      %dma_start3A_24 = tpu.memref_slice %arg4[%arg0, %arg1, %run_scoped3A, %dma_start3A] : memref<2x16x2x10112xf32, #tpu.memory_space<hbm>> -> memref<1x1x1x10112xf32, #tpu.memory_space<hbm>>
      %dma_start3A_25 = tpu.memref_squeeze %dma_start3A_24 : memref<1x1x1x10112xf32, #tpu.memory_space<hbm>> -> memref<10112xf32, #tpu.memory_space<hbm>>
      %dma_start3A_26 = arith.constant 0 : i32
      %dma_start3A_27 = tpu.memref_slice %arg4[%arg0, %arg1, %run_scoped3A, %dma_start3A_26] : memref<2x16x2x10112xf32, #tpu.memory_space<hbm>> -> memref<1x1x1x10112xf32, #tpu.memory_space<hbm>>
      %dma_start3A_28 = tpu.memref_squeeze %dma_start3A_27 : memref<1x1x1x10112xf32, #tpu.memory_space<hbm>> -> memref<10112xf32, #tpu.memory_space<hbm>>
      tpu.enqueue_dma source(%arg9 : memref<10112xf32, #tpu.memory_space<vmem>>) target(%dma_start3A_28 : memref<10112xf32, #tpu.memory_space<hbm>>) target_semaphore(%run_scoped3A_23 : memref<!tpu.dma_semaphore, #tpu.memory_space<semaphore_mem>>)
      %dma_wait3A = arith.constant 0 : i32
      %dma_wait3A_29 = tpu.memref_slice %arg4[%arg0, %arg1, %run_scoped3A, %dma_wait3A] : memref<2x16x2x10112xf32, #tpu.memory_space<hbm>> -> memref<1x1x1x10112xf32, #tpu.memory_space<hbm>>
      %dma_wait3A_30 = tpu.memref_squeeze %dma_wait3A_29 : memref<1x1x1x10112xf32, #tpu.memory_space<hbm>> -> memref<10112xf32, #tpu.memory_space<hbm>>
      %dma_wait3A_31 = arith.constant 0 : i32
      %dma_wait3A_32 = tpu.memref_slice %arg4[%arg0, %arg1, %run_scoped3A, %dma_wait3A_31] : memref<2x16x2x10112xf32, #tpu.memory_space<hbm>> -> memref<1x1x1x10112xf32, #tpu.memory_space<hbm>>
      %dma_wait3A_33 = tpu.memref_squeeze %dma_wait3A_32 : memref<1x1x1x10112xf32, #tpu.memory_space<hbm>> -> memref<10112xf32, #tpu.memory_space<hbm>>
      tpu.wait_dma2 semaphore(%run_scoped3A_23 : memref<!tpu.dma_semaphore, #tpu.memory_space<semaphore_mem>>) src(%arg9 : memref<10112xf32, #tpu.memory_space<vmem>>) dst(%dma_wait3A_33 : memref<10112xf32, #tpu.memory_space<hbm>>)
      tpu.yield
    }) : () -> ()
    %run_scoped3A_20 = arith.constant 1 : i32
    "tpu.region"() ({
      %run_scoped3A_23 = tpu.sem_alloc : memref<!tpu.dma_semaphore, #tpu.memory_space<semaphore_mem>>
      %dma_start3A = arith.constant 0 : i32
      %dma_start3A_24 = tpu.memref_slice %arg4[%arg0, %arg1, %run_scoped3A_20, %dma_start3A] : memref<2x16x2x10112xf32, #tpu.memory_space<hbm>> -> memref<1x1x1x10112xf32, #tpu.memory_space<hbm>>
      %dma_start3A_25 = tpu.memref_squeeze %dma_start3A_24 : memref<1x1x1x10112xf32, #tpu.memory_space<hbm>> -> memref<10112xf32, #tpu.memory_space<hbm>>
      %dma_start3A_26 = arith.constant 0 : i32
      %dma_start3A_27 = tpu.memref_slice %arg4[%arg0, %arg1, %run_scoped3A_20, %dma_start3A_26] : memref<2x16x2x10112xf32, #tpu.memory_space<hbm>> -> memref<1x1x1x10112xf32, #tpu.memory_space<hbm>>
      %dma_start3A_28 = tpu.memref_squeeze %dma_start3A_27 : memref<1x1x1x10112xf32, #tpu.memory_space<hbm>> -> memref<10112xf32, #tpu.memory_space<hbm>>
      tpu.enqueue_dma source(%arg10 : memref<10112xf32, #tpu.memory_space<vmem>>) target(%dma_start3A_28 : memref<10112xf32, #tpu.memory_space<hbm>>) target_semaphore(%run_scoped3A_23 : memref<!tpu.dma_semaphore, #tpu.memory_space<semaphore_mem>>)
      %dma_wait3A = arith.constant 0 : i32
      %dma_wait3A_29 = tpu.memref_slice %arg4[%arg0, %arg1, %run_scoped3A_20, %dma_wait3A] : memref<2x16x2x10112xf32, #tpu.memory_space<hbm>> -> memref<1x1x1x10112xf32, #tpu.memory_space<hbm>>
      %dma_wait3A_30 = tpu.memref_squeeze %dma_wait3A_29 : memref<1x1x1x10112xf32, #tpu.memory_space<hbm>> -> memref<10112xf32, #tpu.memory_space<hbm>>
      %dma_wait3A_31 = arith.constant 0 : i32
      %dma_wait3A_32 = tpu.memref_slice %arg4[%arg0, %arg1, %run_scoped3A_20, %dma_wait3A_31] : memref<2x16x2x10112xf32, #tpu.memory_space<hbm>> -> memref<1x1x1x10112xf32, #tpu.memory_space<hbm>>
      %dma_wait3A_33 = tpu.memref_squeeze %dma_wait3A_32 : memref<1x1x1x10112xf32, #tpu.memory_space<hbm>> -> memref<10112xf32, #tpu.memory_space<hbm>>
      tpu.wait_dma2 semaphore(%run_scoped3A_23 : memref<!tpu.dma_semaphore, #tpu.memory_space<semaphore_mem>>) src(%arg10 : memref<10112xf32, #tpu.memory_space<vmem>>) dst(%dma_wait3A_33 : memref<10112xf32, #tpu.memory_space<hbm>>)
      tpu.yield
    }) : () -> ()
    %run_scoped3A_21 = arith.constant 0 : i32
    "tpu.region"() ({
      %run_scoped3A_23 = tpu.sem_alloc : memref<!tpu.dma_semaphore, #tpu.memory_space<semaphore_mem>>
      %dma_start3A = arith.constant 0 : i32
      %dma_start3A_24 = tpu.memref_slice %arg5[%arg0, %arg1, %run_scoped3A_21, %dma_start3A] : memref<2x16x2x10240xi32, #tpu.memory_space<hbm>> -> memref<1x1x1x10240xi32, #tpu.memory_space<hbm>>
      %dma_start3A_25 = tpu.memref_squeeze %dma_start3A_24 : memref<1x1x1x10240xi32, #tpu.memory_space<hbm>> -> memref<10240xi32, #tpu.memory_space<hbm>>
      %dma_start3A_26 = arith.constant 0 : i32
      %dma_start3A_27 = tpu.memref_slice %arg5[%arg0, %arg1, %run_scoped3A_21, %dma_start3A_26] : memref<2x16x2x10240xi32, #tpu.memory_space<hbm>> -> memref<1x1x1x10240xi32, #tpu.memory_space<hbm>>
      %dma_start3A_28 = tpu.memref_squeeze %dma_start3A_27 : memref<1x1x1x10240xi32, #tpu.memory_space<hbm>> -> memref<10240xi32, #tpu.memory_space<hbm>>
      tpu.enqueue_dma source(%arg11 : memref<10240xi32, #tpu.memory_space<vmem>>) target(%dma_start3A_28 : memref<10240xi32, #tpu.memory_space<hbm>>) target_semaphore(%run_scoped3A_23 : memref<!tpu.dma_semaphore, #tpu.memory_space<semaphore_mem>>)
      %dma_wait3A = arith.constant 0 : i32
      %dma_wait3A_29 = tpu.memref_slice %arg5[%arg0, %arg1, %run_scoped3A_21, %dma_wait3A] : memref<2x16x2x10240xi32, #tpu.memory_space<hbm>> -> memref<1x1x1x10240xi32, #tpu.memory_space<hbm>>
      %dma_wait3A_30 = tpu.memref_squeeze %dma_wait3A_29 : memref<1x1x1x10240xi32, #tpu.memory_space<hbm>> -> memref<10240xi32, #tpu.memory_space<hbm>>
      %dma_wait3A_31 = arith.constant 0 : i32
      %dma_wait3A_32 = tpu.memref_slice %arg5[%arg0, %arg1, %run_scoped3A_21, %dma_wait3A_31] : memref<2x16x2x10240xi32, #tpu.memory_space<hbm>> -> memref<1x1x1x10240xi32, #tpu.memory_space<hbm>>
      %dma_wait3A_33 = tpu.memref_squeeze %dma_wait3A_32 : memref<1x1x1x10240xi32, #tpu.memory_space<hbm>> -> memref<10240xi32, #tpu.memory_space<hbm>>
      tpu.wait_dma2 semaphore(%run_scoped3A_23 : memref<!tpu.dma_semaphore, #tpu.memory_space<semaphore_mem>>) src(%arg11 : memref<10240xi32, #tpu.memory_space<vmem>>) dst(%dma_wait3A_33 : memref<10240xi32, #tpu.memory_space<hbm>>)
      tpu.yield
    }) : () -> ()
    %run_scoped3A_22 = arith.constant 1 : i32
    "tpu.region"() ({
      %run_scoped3A_23 = tpu.sem_alloc : memref<!tpu.dma_semaphore, #tpu.memory_space<semaphore_mem>>
      %dma_start3A = arith.constant 0 : i32
      %dma_start3A_24 = tpu.memref_slice %arg5[%arg0, %arg1, %run_scoped3A_22, %dma_start3A] : memref<2x16x2x10240xi32, #tpu.memory_space<hbm>> -> memref<1x1x1x10240xi32, #tpu.memory_space<hbm>>
      %dma_start3A_25 = tpu.memref_squeeze %dma_start3A_24 : memref<1x1x1x10240xi32, #tpu.memory_space<hbm>> -> memref<10240xi32, #tpu.memory_space<hbm>>
      %dma_start3A_26 = arith.constant 0 : i32
      %dma_start3A_27 = tpu.memref_slice %arg5[%arg0, %arg1, %run_scoped3A_22, %dma_start3A_26] : memref<2x16x2x10240xi32, #tpu.memory_space<hbm>> -> memref<1x1x1x10240xi32, #tpu.memory_space<hbm>>
      %dma_start3A_28 = tpu.memref_squeeze %dma_start3A_27 : memref<1x1x1x10240xi32, #tpu.memory_space<hbm>> -> memref<10240xi32, #tpu.memory_space<hbm>>
      tpu.enqueue_dma source(%arg12 : memref<10240xi32, #tpu.memory_space<vmem>>) target(%dma_start3A_28 : memref<10240xi32, #tpu.memory_space<hbm>>) target_semaphore(%run_scoped3A_23 : memref<!tpu.dma_semaphore, #tpu.memory_space<semaphore_mem>>)
      %dma_wait3A = arith.constant 0 : i32
      %dma_wait3A_29 = tpu.memref_slice %arg5[%arg0, %arg1, %run_scoped3A_22, %dma_wait3A] : memref<2x16x2x10240xi32, #tpu.memory_space<hbm>> -> memref<1x1x1x10240xi32, #tpu.memory_space<hbm>>
      %dma_wait3A_30 = tpu.memref_squeeze %dma_wait3A_29 : memref<1x1x1x10240xi32, #tpu.memory_space<hbm>> -> memref<10240xi32, #tpu.memory_space<hbm>>
      %dma_wait3A_31 = arith.constant 0 : i32
      %dma_wait3A_32 = tpu.memref_slice %arg5[%arg0, %arg1, %run_scoped3A_22, %dma_wait3A_31] : memref<2x16x2x10240xi32, #tpu.memory_space<hbm>> -> memref<1x1x1x10240xi32, #tpu.memory_space<hbm>>
      %dma_wait3A_33 = tpu.memref_squeeze %dma_wait3A_32 : memref<1x1x1x10240xi32, #tpu.memory_space<hbm>> -> memref<10240xi32, #tpu.memory_space<hbm>>
      tpu.wait_dma2 semaphore(%run_scoped3A_23 : memref<!tpu.dma_semaphore, #tpu.memory_space<semaphore_mem>>) src(%arg12 : memref<10240xi32, #tpu.memory_space<vmem>>) dst(%dma_wait3A_33 : memref<10240xi32, #tpu.memory_space<hbm>>)
      tpu.yield
    }) : () -> ()
    "tpu.region"() ({
      %run_scoped3A_23 = tpu.sem_alloc : memref<!tpu.dma_semaphore, #tpu.memory_space<semaphore_mem>>
      %dma_start3A = arith.constant 0 : i32
      %dma_start3A_24 = tpu.memref_slice %arg6[%arg0, %arg1, %dma_start3A] : memref<2x16x16xi32, #tpu.memory_space<hbm>> -> memref<1x1x16xi32, #tpu.memory_space<hbm>>
      %dma_start3A_25 = tpu.memref_squeeze %dma_start3A_24 : memref<1x1x16xi32, #tpu.memory_space<hbm>> -> memref<16xi32, #tpu.memory_space<hbm>>
      %dma_start3A_26 = arith.constant 0 : i32
      %dma_start3A_27 = tpu.memref_slice %arg6[%arg0, %arg1, %dma_start3A_26] : memref<2x16x16xi32, #tpu.memory_space<hbm>> -> memref<1x1x16xi32, #tpu.memory_space<hbm>>
      %dma_start3A_28 = tpu.memref_squeeze %dma_start3A_27 : memref<1x1x16xi32, #tpu.memory_space<hbm>> -> memref<16xi32, #tpu.memory_space<hbm>>
      tpu.enqueue_dma source(%arg13 : memref<16xi32, #tpu.memory_space<vmem>>) target(%dma_start3A_28 : memref<16xi32, #tpu.memory_space<hbm>>) target_semaphore(%run_scoped3A_23 : memref<!tpu.dma_semaphore, #tpu.memory_space<semaphore_mem>>)
      %dma_wait3A = arith.constant 0 : i32
      %dma_wait3A_29 = tpu.memref_slice %arg6[%arg0, %arg1, %dma_wait3A] : memref<2x16x16xi32, #tpu.memory_space<hbm>> -> memref<1x1x16xi32, #tpu.memory_space<hbm>>
      %dma_wait3A_30 = tpu.memref_squeeze %dma_wait3A_29 : memref<1x1x16xi32, #tpu.memory_space<hbm>> -> memref<16xi32, #tpu.memory_space<hbm>>
      %dma_wait3A_31 = arith.constant 0 : i32
      %dma_wait3A_32 = tpu.memref_slice %arg6[%arg0, %arg1, %dma_wait3A_31] : memref<2x16x16xi32, #tpu.memory_space<hbm>> -> memref<1x1x16xi32, #tpu.memory_space<hbm>>
      %dma_wait3A_33 = tpu.memref_squeeze %dma_wait3A_32 : memref<1x1x16xi32, #tpu.memory_space<hbm>> -> memref<16xi32, #tpu.memory_space<hbm>>
      tpu.wait_dma2 semaphore(%run_scoped3A_23 : memref<!tpu.dma_semaphore, #tpu.memory_space<semaphore_mem>>) src(%arg13 : memref<16xi32, #tpu.memory_space<vmem>>) dst(%dma_wait3A_33 : memref<16xi32, #tpu.memory_space<hbm>>)
      tpu.yield
    }) : () -> ()
    return
  }
}

#map = affine_map<(d0, d1) -> (0, 0)>
#map1 = affine_map<(d0, d1) -> (0, 0, 0)>
module attributes {stable_mosaic.version = 14 : i64} {
  func.func @_segsum_pass(%arg0: i32, %arg1: i32, %arg2: memref<10000x128xf32, #tpu.memory_space<hbm>>, %arg3: memref<32x97x128xi32, #tpu.memory_space<hbm>>, %arg4: memref<32x97x128xi32, #tpu.memory_space<hbm>>, %arg5: memref<10112x128xf32, #tpu.memory_space<hbm>>, %arg6: memref<2x10112x128xf32, #tpu.memory_space<hbm>>, %arg7: memref<97x128xi32, #tpu.memory_space<vmem>>, %arg8: memref<97x128xi32, #tpu.memory_space<vmem>>, %arg9: memref<128x128xf32, #tpu.memory_space<vmem>>, %arg10: memref<10112x128xf32, #tpu.memory_space<vmem_shared>>, %arg11: memref<!tpu.dma_semaphore, #tpu.memory_space<semaphore_mem>>) attributes {dimension_semantics = [#tpu.dimension_semantics<core_parallel>, #tpu.dimension_semantics<subcore_parallel>], iteration_bounds = array<i64: 2, 16>, scalar_prefetch = 0 : i64, scratch_operands = 5 : i64, tpu.core_type = #tpu.core_type<sc_vector_subcore>, window_params = [{transform_indices = #map}, {transform_indices = #map1}, {transform_indices = #map1}, {transform_indices = #map}, {transform_indices = #map1}]} {
    %mul3A = arith.constant 2 : i32
    %mul3A_0 = arith.muli %arg1, %mul3A : i32
    %add3A = arith.addi %mul3A_0, %arg0 : i32
    %mul3A_1 = arith.constant 632 : i32
    %mul3A_2 = arith.muli %arg1, %mul3A_1 : i32
    %mul3A_3 = arith.constant 632 : i32
    %mul3A_4 = arith.muli %arg1, %mul3A_3 : i32
    "tpu.region"() ({
      %run_scoped3A = tpu.sem_alloc : memref<!tpu.dma_semaphore, #tpu.memory_space<semaphore_mem>>
      %dma_start3A = arith.constant 0 : i32
      %dma_start3A_21 = tpu.memref_slice %arg10[%mul3A_4, %dma_start3A] : memref<10112x128xf32, #tpu.memory_space<vmem_shared>> -> memref<632x128xf32, #tpu.memory_space<vmem_shared>>
      %dma_start3A_22 = arith.constant 0 : i32
      %dma_start3A_23 = tpu.memref_slice %arg5[%mul3A_2, %dma_start3A_22] : memref<10112x128xf32, #tpu.memory_space<hbm>> -> memref<632x128xf32, #tpu.memory_space<hbm>>
      tpu.enqueue_dma source(%dma_start3A_23 : memref<632x128xf32, #tpu.memory_space<hbm>>) target(%dma_start3A_21 : memref<632x128xf32, #tpu.memory_space<vmem_shared>>) target_semaphore(%run_scoped3A : memref<!tpu.dma_semaphore, #tpu.memory_space<semaphore_mem>>)
      %dma_wait3A = arith.constant 0 : i32
      %dma_wait3A_24 = tpu.memref_slice %arg10[%mul3A_4, %dma_wait3A] : memref<10112x128xf32, #tpu.memory_space<vmem_shared>> -> memref<632x128xf32, #tpu.memory_space<vmem_shared>>
      %dma_wait3A_25 = arith.constant 0 : i32
      %dma_wait3A_26 = tpu.memref_slice %arg5[%mul3A_2, %dma_wait3A_25] : memref<10112x128xf32, #tpu.memory_space<hbm>> -> memref<632x128xf32, #tpu.memory_space<hbm>>
      tpu.wait_dma2 semaphore(%run_scoped3A : memref<!tpu.dma_semaphore, #tpu.memory_space<semaphore_mem>>) src(%dma_wait3A_26 : memref<632x128xf32, #tpu.memory_space<hbm>>) dst(%dma_wait3A_24 : memref<632x128xf32, #tpu.memory_space<vmem_shared>>)
      tpu.yield
    }) : () -> ()
    "tpu.region"() ({
      %run_scoped3A = tpu.sem_alloc : memref<!tpu.dma_semaphore, #tpu.memory_space<semaphore_mem>>
      %dma_start3A = arith.constant 0 : i32
      %dma_start3A_21 = arith.constant 0 : i32
      %dma_start3A_22 = tpu.memref_slice %arg3[%add3A, %dma_start3A, %dma_start3A_21] : memref<32x97x128xi32, #tpu.memory_space<hbm>> -> memref<1x97x128xi32, #tpu.memory_space<hbm>>
      %dma_start3A_23 = tpu.memref_squeeze %dma_start3A_22 : memref<1x97x128xi32, #tpu.memory_space<hbm>> -> memref<97x128xi32, #tpu.memory_space<hbm>>
      %dma_start3A_24 = arith.constant 0 : i32
      %dma_start3A_25 = arith.constant 0 : i32
      %dma_start3A_26 = tpu.memref_slice %arg3[%add3A, %dma_start3A_24, %dma_start3A_25] : memref<32x97x128xi32, #tpu.memory_space<hbm>> -> memref<1x97x128xi32, #tpu.memory_space<hbm>>
      %dma_start3A_27 = tpu.memref_squeeze %dma_start3A_26 : memref<1x97x128xi32, #tpu.memory_space<hbm>> -> memref<97x128xi32, #tpu.memory_space<hbm>>
      tpu.enqueue_dma source(%dma_start3A_27 : memref<97x128xi32, #tpu.memory_space<hbm>>) target(%arg7 : memref<97x128xi32, #tpu.memory_space<vmem>>) target_semaphore(%run_scoped3A : memref<!tpu.dma_semaphore, #tpu.memory_space<semaphore_mem>>)
      %dma_wait3A = arith.constant 0 : i32
      %dma_wait3A_28 = arith.constant 0 : i32
      %dma_wait3A_29 = tpu.memref_slice %arg3[%add3A, %dma_wait3A, %dma_wait3A_28] : memref<32x97x128xi32, #tpu.memory_space<hbm>> -> memref<1x97x128xi32, #tpu.memory_space<hbm>>
      %dma_wait3A_30 = tpu.memref_squeeze %dma_wait3A_29 : memref<1x97x128xi32, #tpu.memory_space<hbm>> -> memref<97x128xi32, #tpu.memory_space<hbm>>
      %dma_wait3A_31 = arith.constant 0 : i32
      %dma_wait3A_32 = arith.constant 0 : i32
      %dma_wait3A_33 = tpu.memref_slice %arg3[%add3A, %dma_wait3A_31, %dma_wait3A_32] : memref<32x97x128xi32, #tpu.memory_space<hbm>> -> memref<1x97x128xi32, #tpu.memory_space<hbm>>
      %dma_wait3A_34 = tpu.memref_squeeze %dma_wait3A_33 : memref<1x97x128xi32, #tpu.memory_space<hbm>> -> memref<97x128xi32, #tpu.memory_space<hbm>>
      tpu.wait_dma2 semaphore(%run_scoped3A : memref<!tpu.dma_semaphore, #tpu.memory_space<semaphore_mem>>) src(%dma_wait3A_34 : memref<97x128xi32, #tpu.memory_space<hbm>>) dst(%arg7 : memref<97x128xi32, #tpu.memory_space<vmem>>)
      tpu.yield
    }) : () -> ()
    "tpu.region"() ({
      %run_scoped3A = tpu.sem_alloc : memref<!tpu.dma_semaphore, #tpu.memory_space<semaphore_mem>>
      %dma_start3A = arith.constant 0 : i32
      %dma_start3A_21 = arith.constant 0 : i32
      %dma_start3A_22 = tpu.memref_slice %arg4[%add3A, %dma_start3A, %dma_start3A_21] : memref<32x97x128xi32, #tpu.memory_space<hbm>> -> memref<1x97x128xi32, #tpu.memory_space<hbm>>
      %dma_start3A_23 = tpu.memref_squeeze %dma_start3A_22 : memref<1x97x128xi32, #tpu.memory_space<hbm>> -> memref<97x128xi32, #tpu.memory_space<hbm>>
      %dma_start3A_24 = arith.constant 0 : i32
      %dma_start3A_25 = arith.constant 0 : i32
      %dma_start3A_26 = tpu.memref_slice %arg4[%add3A, %dma_start3A_24, %dma_start3A_25] : memref<32x97x128xi32, #tpu.memory_space<hbm>> -> memref<1x97x128xi32, #tpu.memory_space<hbm>>
      %dma_start3A_27 = tpu.memref_squeeze %dma_start3A_26 : memref<1x97x128xi32, #tpu.memory_space<hbm>> -> memref<97x128xi32, #tpu.memory_space<hbm>>
      tpu.enqueue_dma source(%dma_start3A_27 : memref<97x128xi32, #tpu.memory_space<hbm>>) target(%arg8 : memref<97x128xi32, #tpu.memory_space<vmem>>) target_semaphore(%run_scoped3A : memref<!tpu.dma_semaphore, #tpu.memory_space<semaphore_mem>>)
      %dma_wait3A = arith.constant 0 : i32
      %dma_wait3A_28 = arith.constant 0 : i32
      %dma_wait3A_29 = tpu.memref_slice %arg4[%add3A, %dma_wait3A, %dma_wait3A_28] : memref<32x97x128xi32, #tpu.memory_space<hbm>> -> memref<1x97x128xi32, #tpu.memory_space<hbm>>
      %dma_wait3A_30 = tpu.memref_squeeze %dma_wait3A_29 : memref<1x97x128xi32, #tpu.memory_space<hbm>> -> memref<97x128xi32, #tpu.memory_space<hbm>>
      %dma_wait3A_31 = arith.constant 0 : i32
      %dma_wait3A_32 = arith.constant 0 : i32
      %dma_wait3A_33 = tpu.memref_slice %arg4[%add3A, %dma_wait3A_31, %dma_wait3A_32] : memref<32x97x128xi32, #tpu.memory_space<hbm>> -> memref<1x97x128xi32, #tpu.memory_space<hbm>>
      %dma_wait3A_34 = tpu.memref_squeeze %dma_wait3A_33 : memref<1x97x128xi32, #tpu.memory_space<hbm>> -> memref<97x128xi32, #tpu.memory_space<hbm>>
      tpu.wait_dma2 semaphore(%run_scoped3A : memref<!tpu.dma_semaphore, #tpu.memory_space<semaphore_mem>>) src(%dma_wait3A_34 : memref<97x128xi32, #tpu.memory_space<hbm>>) dst(%arg8 : memref<97x128xi32, #tpu.memory_space<vmem>>)
      tpu.yield
    }) : () -> ()
    %barrier3A = arith.constant 0 : index
    tpu.barrier barrier_id(%barrier3A)
    %eq3A = arith.constant 0 : i32
    %eq3A_5 = arith.cmpi eq, %arg0, %eq3A : i32
    %jit3A = arith.constant 97 : i32
    %jit3A_6 = arith.constant 60 : i32
    %select_n3A = arith.select %eq3A_5, %jit3A, %jit3A_6 : i32
    %while3A = arith.constant 0 : i32
    %while3A_7 = arith.constant 0 : i32
    %while3A_8 = arith.subi %select_n3A, %while3A_7 : i32
    %while3A_9 = arith.addi %while3A_7, %while3A_8 : i32
    %while3A_10 = arith.constant 1 : i32
    %while3A_11 = arith.divsi %while3A_8, %while3A_10 : i32
    %while3A_12 = arith.muli %while3A_11, %while3A_10 : i32
    %while3A_13 = arith.addi %while3A_7, %while3A_12 : i32
    %while3A_14 = arith.constant 1 : i32
    scf.for %while3A_21 = %while3A_7 to %while3A_13 step %while3A_14  : i32 {
      %dma_start3A = arith.constant 0 : i32
      %dma_start3A_22 = tpu.memref_slice %arg7[%while3A_21, %dma_start3A] : memref<97x128xi32, #tpu.memory_space<vmem>> -> memref<1x128xi32, #tpu.memory_space<vmem>>
      %dma_start3A_23 = tpu.memref_squeeze %dma_start3A_22 : memref<1x128xi32, #tpu.memory_space<vmem>> -> memref<128xi32, #tpu.memory_space<vmem>>
      %dma_start3A_24 = arith.constant 0 : i32
      %dma_start3A_25 = arith.constant 0 : i32
      %dma_start3A_26 = tpu.memref_slice %arg2[%dma_start3A_24, %dma_start3A_25] : memref<10000x128xf32, #tpu.memory_space<hbm>> -> memref<10000x128xf32, #tpu.memory_space<hbm>>
      tpu.enqueue_indirect_dma source(%dma_start3A_26 : memref<10000x128xf32, #tpu.memory_space<hbm>>) target(%arg9 : memref<128x128xf32, #tpu.memory_space<vmem>>) offsets(%dma_start3A_23 : memref<128xi32, #tpu.memory_space<vmem>>) semaphore(%arg11 : memref<!tpu.dma_semaphore, #tpu.memory_space<semaphore_mem>>)
      %dma_wait3A = arith.constant 0 : i32
      %dma_wait3A_27 = tpu.memref_slice %arg7[%while3A_21, %dma_wait3A] : memref<97x128xi32, #tpu.memory_space<vmem>> -> memref<1x128xi32, #tpu.memory_space<vmem>>
      %dma_wait3A_28 = tpu.memref_squeeze %dma_wait3A_27 : memref<1x128xi32, #tpu.memory_space<vmem>> -> memref<128xi32, #tpu.memory_space<vmem>>
      %dma_wait3A_29 = arith.constant 0 : i32
      %dma_wait3A_30 = arith.constant 0 : i32
      %dma_wait3A_31 = tpu.memref_slice %arg2[%dma_wait3A_29, %dma_wait3A_30] : memref<10000x128xf32, #tpu.memory_space<hbm>> -> memref<10000x128xf32, #tpu.memory_space<hbm>>
      tpu.wait_indirect_dma semaphore(%arg11 : memref<!tpu.dma_semaphore, #tpu.memory_space<semaphore_mem>>) src(%dma_wait3A_31 : memref<10000x128xf32, #tpu.memory_space<hbm>>) dst(%arg9 : memref<128x128xf32, #tpu.memory_space<vmem>>)
      "tpu.region"() ({
        %run_scoped3A = tpu.sem_alloc : memref<!tpu.dma_semaphore, #tpu.memory_space<semaphore_mem>>
        %dma_start3A_32 = arith.constant 0 : i32
        %dma_start3A_33 = tpu.memref_slice %arg8[%while3A_21, %dma_start3A_32] : memref<97x128xi32, #tpu.memory_space<vmem>> -> memref<1x128xi32, #tpu.memory_space<vmem>>
        %dma_start3A_34 = tpu.memref_squeeze %dma_start3A_33 : memref<1x128xi32, #tpu.memory_space<vmem>> -> memref<128xi32, #tpu.memory_space<vmem>>
        %dma_start3A_35 = arith.constant 0 : i32
        %dma_start3A_36 = arith.constant 0 : i32
        %dma_start3A_37 = tpu.memref_slice %arg10[%dma_start3A_35, %dma_start3A_36] : memref<10112x128xf32, #tpu.memory_space<vmem_shared>> -> memref<10112x128xf32, #tpu.memory_space<vmem_shared>>
        tpu.enqueue_indirect_dma source(%arg9 : memref<128x128xf32, #tpu.memory_space<vmem>>) target(%dma_start3A_37 : memref<10112x128xf32, #tpu.memory_space<vmem_shared>>) offsets(%dma_start3A_34 : memref<128xi32, #tpu.memory_space<vmem>>) semaphore(%run_scoped3A : memref<!tpu.dma_semaphore, #tpu.memory_space<semaphore_mem>>) {add = true}
        %dma_wait3A_38 = arith.constant 0 : i32
        %dma_wait3A_39 = tpu.memref_slice %arg8[%while3A_21, %dma_wait3A_38] : memref<97x128xi32, #tpu.memory_space<vmem>> -> memref<1x128xi32, #tpu.memory_space<vmem>>
        %dma_wait3A_40 = tpu.memref_squeeze %dma_wait3A_39 : memref<1x128xi32, #tpu.memory_space<vmem>> -> memref<128xi32, #tpu.memory_space<vmem>>
        %dma_wait3A_41 = arith.constant 0 : i32
        %dma_wait3A_42 = arith.constant 0 : i32
        %dma_wait3A_43 = tpu.memref_slice %arg10[%dma_wait3A_41, %dma_wait3A_42] : memref<10112x128xf32, #tpu.memory_space<vmem_shared>> -> memref<10112x128xf32, #tpu.memory_space<vmem_shared>>
        tpu.wait_indirect_dma semaphore(%run_scoped3A : memref<!tpu.dma_semaphore, #tpu.memory_space<semaphore_mem>>) src(%arg9 : memref<128x128xf32, #tpu.memory_space<vmem>>) dst(%dma_wait3A_43 : memref<10112x128xf32, #tpu.memory_space<vmem_shared>>)
        tpu.yield
      }) : () -> ()
    }
    %while3A_15 = arith.constant 1 : i32
    scf.for %while3A_21 = %while3A_13 to %while3A_9 step %while3A_15  : i32 {
      %dma_start3A = arith.constant 0 : i32
      %dma_start3A_22 = tpu.memref_slice %arg7[%while3A_21, %dma_start3A] : memref<97x128xi32, #tpu.memory_space<vmem>> -> memref<1x128xi32, #tpu.memory_space<vmem>>
      %dma_start3A_23 = tpu.memref_squeeze %dma_start3A_22 : memref<1x128xi32, #tpu.memory_space<vmem>> -> memref<128xi32, #tpu.memory_space<vmem>>
      %dma_start3A_24 = arith.constant 0 : i32
      %dma_start3A_25 = arith.constant 0 : i32
      %dma_start3A_26 = tpu.memref_slice %arg2[%dma_start3A_24, %dma_start3A_25] : memref<10000x128xf32, #tpu.memory_space<hbm>> -> memref<10000x128xf32, #tpu.memory_space<hbm>>
      tpu.enqueue_indirect_dma source(%dma_start3A_26 : memref<10000x128xf32, #tpu.memory_space<hbm>>) target(%arg9 : memref<128x128xf32, #tpu.memory_space<vmem>>) offsets(%dma_start3A_23 : memref<128xi32, #tpu.memory_space<vmem>>) semaphore(%arg11 : memref<!tpu.dma_semaphore, #tpu.memory_space<semaphore_mem>>)
      %dma_wait3A = arith.constant 0 : i32
      %dma_wait3A_27 = tpu.memref_slice %arg7[%while3A_21, %dma_wait3A] : memref<97x128xi32, #tpu.memory_space<vmem>> -> memref<1x128xi32, #tpu.memory_space<vmem>>
      %dma_wait3A_28 = tpu.memref_squeeze %dma_wait3A_27 : memref<1x128xi32, #tpu.memory_space<vmem>> -> memref<128xi32, #tpu.memory_space<vmem>>
      %dma_wait3A_29 = arith.constant 0 : i32
      %dma_wait3A_30 = arith.constant 0 : i32
      %dma_wait3A_31 = tpu.memref_slice %arg2[%dma_wait3A_29, %dma_wait3A_30] : memref<10000x128xf32, #tpu.memory_space<hbm>> -> memref<10000x128xf32, #tpu.memory_space<hbm>>
      tpu.wait_indirect_dma semaphore(%arg11 : memref<!tpu.dma_semaphore, #tpu.memory_space<semaphore_mem>>) src(%dma_wait3A_31 : memref<10000x128xf32, #tpu.memory_space<hbm>>) dst(%arg9 : memref<128x128xf32, #tpu.memory_space<vmem>>)
      "tpu.region"() ({
        %run_scoped3A = tpu.sem_alloc : memref<!tpu.dma_semaphore, #tpu.memory_space<semaphore_mem>>
        %dma_start3A_32 = arith.constant 0 : i32
        %dma_start3A_33 = tpu.memref_slice %arg8[%while3A_21, %dma_start3A_32] : memref<97x128xi32, #tpu.memory_space<vmem>> -> memref<1x128xi32, #tpu.memory_space<vmem>>
        %dma_start3A_34 = tpu.memref_squeeze %dma_start3A_33 : memref<1x128xi32, #tpu.memory_space<vmem>> -> memref<128xi32, #tpu.memory_space<vmem>>
        %dma_start3A_35 = arith.constant 0 : i32
        %dma_start3A_36 = arith.constant 0 : i32
        %dma_start3A_37 = tpu.memref_slice %arg10[%dma_start3A_35, %dma_start3A_36] : memref<10112x128xf32, #tpu.memory_space<vmem_shared>> -> memref<10112x128xf32, #tpu.memory_space<vmem_shared>>
        tpu.enqueue_indirect_dma source(%arg9 : memref<128x128xf32, #tpu.memory_space<vmem>>) target(%dma_start3A_37 : memref<10112x128xf32, #tpu.memory_space<vmem_shared>>) offsets(%dma_start3A_34 : memref<128xi32, #tpu.memory_space<vmem>>) semaphore(%run_scoped3A : memref<!tpu.dma_semaphore, #tpu.memory_space<semaphore_mem>>) {add = true}
        %dma_wait3A_38 = arith.constant 0 : i32
        %dma_wait3A_39 = tpu.memref_slice %arg8[%while3A_21, %dma_wait3A_38] : memref<97x128xi32, #tpu.memory_space<vmem>> -> memref<1x128xi32, #tpu.memory_space<vmem>>
        %dma_wait3A_40 = tpu.memref_squeeze %dma_wait3A_39 : memref<1x128xi32, #tpu.memory_space<vmem>> -> memref<128xi32, #tpu.memory_space<vmem>>
        %dma_wait3A_41 = arith.constant 0 : i32
        %dma_wait3A_42 = arith.constant 0 : i32
        %dma_wait3A_43 = tpu.memref_slice %arg10[%dma_wait3A_41, %dma_wait3A_42] : memref<10112x128xf32, #tpu.memory_space<vmem_shared>> -> memref<10112x128xf32, #tpu.memory_space<vmem_shared>>
        tpu.wait_indirect_dma semaphore(%run_scoped3A : memref<!tpu.dma_semaphore, #tpu.memory_space<semaphore_mem>>) src(%arg9 : memref<128x128xf32, #tpu.memory_space<vmem>>) dst(%dma_wait3A_43 : memref<10112x128xf32, #tpu.memory_space<vmem_shared>>)
        tpu.yield
      }) : () -> ()
    }
    %barrier3A_16 = arith.constant 0 : index
    tpu.barrier barrier_id(%barrier3A_16)
    %mul3A_17 = arith.constant 632 : i32
    %mul3A_18 = arith.muli %arg1, %mul3A_17 : i32
    %mul3A_19 = arith.constant 632 : i32
    %mul3A_20 = arith.muli %arg1, %mul3A_19 : i32
    "tpu.region"() ({
      %run_scoped3A = tpu.sem_alloc : memref<!tpu.dma_semaphore, #tpu.memory_space<semaphore_mem>>
      %dma_start3A = arith.constant 0 : i32
      %dma_start3A_21 = tpu.memref_slice %arg6[%arg0, %mul3A_20, %dma_start3A] : memref<2x10112x128xf32, #tpu.memory_space<hbm>> -> memref<1x632x128xf32, #tpu.memory_space<hbm>>
      %dma_start3A_22 = tpu.memref_squeeze %dma_start3A_21 : memref<1x632x128xf32, #tpu.memory_space<hbm>> -> memref<632x128xf32, #tpu.memory_space<hbm>>
      %dma_start3A_23 = arith.constant 0 : i32
      %dma_start3A_24 = tpu.memref_slice %arg10[%mul3A_18, %dma_start3A_23] : memref<10112x128xf32, #tpu.memory_space<vmem_shared>> -> memref<632x128xf32, #tpu.memory_space<vmem_shared>>
      tpu.enqueue_dma source(%dma_start3A_24 : memref<632x128xf32, #tpu.memory_space<vmem_shared>>) target(%dma_start3A_22 : memref<632x128xf32, #tpu.memory_space<hbm>>) target_semaphore(%run_scoped3A : memref<!tpu.dma_semaphore, #tpu.memory_space<semaphore_mem>>)
      %dma_wait3A = arith.constant 0 : i32
      %dma_wait3A_25 = tpu.memref_slice %arg6[%arg0, %mul3A_20, %dma_wait3A] : memref<2x10112x128xf32, #tpu.memory_space<hbm>> -> memref<1x632x128xf32, #tpu.memory_space<hbm>>
      %dma_wait3A_26 = tpu.memref_squeeze %dma_wait3A_25 : memref<1x632x128xf32, #tpu.memory_space<hbm>> -> memref<632x128xf32, #tpu.memory_space<hbm>>
      %dma_wait3A_27 = arith.constant 0 : i32
      %dma_wait3A_28 = tpu.memref_slice %arg10[%mul3A_18, %dma_wait3A_27] : memref<10112x128xf32, #tpu.memory_space<vmem_shared>> -> memref<632x128xf32, #tpu.memory_space<vmem_shared>>
      tpu.wait_dma2 semaphore(%run_scoped3A : memref<!tpu.dma_semaphore, #tpu.memory_space<semaphore_mem>>) src(%dma_wait3A_28 : memref<632x128xf32, #tpu.memory_space<vmem_shared>>) dst(%dma_wait3A_26 : memref<632x128xf32, #tpu.memory_space<hbm>>)
      tpu.yield
    }) : () -> ()
    return
  }
}

#map = affine_map<(d0, d1) -> (0, 0)>
#map1 = affine_map<(d0, d1) -> (0, 0, 0, 0)>
#map2 = affine_map<(d0, d1) -> (0, 0, 0)>
module attributes {stable_mosaic.version = 14 : i64} {
  func.func @_segsum_tgt_pass(%arg0: i32, %arg1: i32, %arg2: memref<10000x128xf32, #tpu.memory_space<hbm>>, %arg3: memref<2x16x2x10240xi32, #tpu.memory_space<hbm>>, %arg4: memref<2x16x16xi32, #tpu.memory_space<hbm>>, %arg5: memref<10112x128xf32, #tpu.memory_space<hbm>>, %arg6: memref<2x128x128xf32, #tpu.memory_space<hbm>>, %arg7: memref<16xi32, #tpu.memory_space<vmem>>, %arg8: memref<128xi32, #tpu.memory_space<vmem>>, %arg9: memref<128xi32, #tpu.memory_space<vmem>>, %arg10: memref<128x128xf32, #tpu.memory_space<vmem>>, %arg11: memref<128x128xf32, #tpu.memory_space<vmem_shared>>, %arg12: memref<!tpu.dma_semaphore, #tpu.memory_space<semaphore_mem>>) attributes {dimension_semantics = [#tpu.dimension_semantics<core_parallel>, #tpu.dimension_semantics<subcore_parallel>], iteration_bounds = array<i64: 2, 16>, scalar_prefetch = 0 : i64, scratch_operands = 6 : i64, tpu.core_type = #tpu.core_type<sc_vector_subcore>, window_params = [{transform_indices = #map}, {transform_indices = #map1}, {transform_indices = #map2}, {transform_indices = #map}, {transform_indices = #map2}]} {
    %mul3A = arith.constant 8 : i32
    %mul3A_0 = arith.muli %arg1, %mul3A : i32
    %mul3A_1 = arith.constant 8 : i32
    %mul3A_2 = arith.muli %arg1, %mul3A_1 : i32
    "tpu.region"() ({
      %run_scoped3A = tpu.sem_alloc : memref<!tpu.dma_semaphore, #tpu.memory_space<semaphore_mem>>
      %dma_start3A = arith.constant 0 : i32
      %dma_start3A_44 = tpu.memref_slice %arg11[%mul3A_2, %dma_start3A] : memref<128x128xf32, #tpu.memory_space<vmem_shared>> -> memref<8x128xf32, #tpu.memory_space<vmem_shared>>
      %dma_start3A_45 = arith.constant 0 : i32
      %dma_start3A_46 = tpu.memref_slice %arg5[%mul3A_0, %dma_start3A_45] : memref<10112x128xf32, #tpu.memory_space<hbm>> -> memref<8x128xf32, #tpu.memory_space<hbm>>
      tpu.enqueue_dma source(%dma_start3A_46 : memref<8x128xf32, #tpu.memory_space<hbm>>) target(%dma_start3A_44 : memref<8x128xf32, #tpu.memory_space<vmem_shared>>) target_semaphore(%run_scoped3A : memref<!tpu.dma_semaphore, #tpu.memory_space<semaphore_mem>>)
      %dma_wait3A = arith.constant 0 : i32
      %dma_wait3A_47 = tpu.memref_slice %arg11[%mul3A_2, %dma_wait3A] : memref<128x128xf32, #tpu.memory_space<vmem_shared>> -> memref<8x128xf32, #tpu.memory_space<vmem_shared>>
      %dma_wait3A_48 = arith.constant 0 : i32
      %dma_wait3A_49 = tpu.memref_slice %arg5[%mul3A_0, %dma_wait3A_48] : memref<10112x128xf32, #tpu.memory_space<hbm>> -> memref<8x128xf32, #tpu.memory_space<hbm>>
      tpu.wait_dma2 semaphore(%run_scoped3A : memref<!tpu.dma_semaphore, #tpu.memory_space<semaphore_mem>>) src(%dma_wait3A_49 : memref<8x128xf32, #tpu.memory_space<hbm>>) dst(%dma_wait3A_47 : memref<8x128xf32, #tpu.memory_space<vmem_shared>>)
      tpu.yield
    }) : () -> ()
    "tpu.region"() ({
      %run_scoped3A = tpu.sem_alloc : memref<!tpu.dma_semaphore, #tpu.memory_space<semaphore_mem>>
      %dma_start3A = arith.constant 0 : i32
      %dma_start3A_44 = tpu.memref_slice %arg4[%arg0, %arg1, %dma_start3A] : memref<2x16x16xi32, #tpu.memory_space<hbm>> -> memref<1x1x16xi32, #tpu.memory_space<hbm>>
      %dma_start3A_45 = tpu.memref_squeeze %dma_start3A_44 : memref<1x1x16xi32, #tpu.memory_space<hbm>> -> memref<16xi32, #tpu.memory_space<hbm>>
      %dma_start3A_46 = arith.constant 0 : i32
      %dma_start3A_47 = tpu.memref_slice %arg4[%arg0, %arg1, %dma_start3A_46] : memref<2x16x16xi32, #tpu.memory_space<hbm>> -> memref<1x1x16xi32, #tpu.memory_space<hbm>>
      %dma_start3A_48 = tpu.memref_squeeze %dma_start3A_47 : memref<1x1x16xi32, #tpu.memory_space<hbm>> -> memref<16xi32, #tpu.memory_space<hbm>>
      tpu.enqueue_dma source(%dma_start3A_48 : memref<16xi32, #tpu.memory_space<hbm>>) target(%arg7 : memref<16xi32, #tpu.memory_space<vmem>>) target_semaphore(%run_scoped3A : memref<!tpu.dma_semaphore, #tpu.memory_space<semaphore_mem>>)
      %dma_wait3A = arith.constant 0 : i32
      %dma_wait3A_49 = tpu.memref_slice %arg4[%arg0, %arg1, %dma_wait3A] : memref<2x16x16xi32, #tpu.memory_space<hbm>> -> memref<1x1x16xi32, #tpu.memory_space<hbm>>
      %dma_wait3A_50 = tpu.memref_squeeze %dma_wait3A_49 : memref<1x1x16xi32, #tpu.memory_space<hbm>> -> memref<16xi32, #tpu.memory_space<hbm>>
      %dma_wait3A_51 = arith.constant 0 : i32
      %dma_wait3A_52 = tpu.memref_slice %arg4[%arg0, %arg1, %dma_wait3A_51] : memref<2x16x16xi32, #tpu.memory_space<hbm>> -> memref<1x1x16xi32, #tpu.memory_space<hbm>>
      %dma_wait3A_53 = tpu.memref_squeeze %dma_wait3A_52 : memref<1x1x16xi32, #tpu.memory_space<hbm>> -> memref<16xi32, #tpu.memory_space<hbm>>
      tpu.wait_dma2 semaphore(%run_scoped3A : memref<!tpu.dma_semaphore, #tpu.memory_space<semaphore_mem>>) src(%dma_wait3A_53 : memref<16xi32, #tpu.memory_space<hbm>>) dst(%arg7 : memref<16xi32, #tpu.memory_space<vmem>>)
      tpu.yield
    }) : () -> ()
    %barrier3A = arith.constant 0 : index
    tpu.barrier barrier_id(%barrier3A)
    %get3A = arith.constant 0 : index
    %get3A_3 = tpu.vector_load %arg7[%get3A] {strides = array<i32>} : memref<16xi32, #tpu.memory_space<vmem>>, vector<16xi32>,
    %reduce_max3A = arith.constant true
    %reduce_max3A_4 = vector.broadcast %reduce_max3A : i1 to vector<16xi1>
    %reduce_max3A_5 = arith.constant -2147483648 : i32
    %reduce_max3A_6 = vector.broadcast %reduce_max3A_5 : i32 to vector<16xi32>
    %reduce_max3A_7 = arith.xori %get3A_3, %reduce_max3A_6 : vector<16xi32>
    %reduce_max3A_8 = tpu.scan <max>, %reduce_max3A_7 masked %reduce_max3A_4 : vector<16xi32>, vector<16xi1> -> vector<16xi32>
    %reduce_max3A_9 = arith.xori %reduce_max3A_8, %reduce_max3A_6 : vector<16xi32>
    %reduce_max3A_10 = vector.extract %reduce_max3A_9[15] : i32 from vector<16xi32>
    %add3A = arith.constant 128 : i32
    %add3A_11 = arith.addi %reduce_max3A_10, %add3A : i32
    %sub3A = arith.constant 1 : i32
    %sub3A_12 = arith.subi %add3A_11, %sub3A : i32
    %jit3A = arith.constant 128 : i32
    %div3A = arith.divsi %sub3A_12, %jit3A : i32
    %sign3A = arith.constant 0 : i32
    %sign3A_13 = arith.cmpi sgt, %sub3A_12, %sign3A : i32
    %sign3A_14 = arith.extui %sign3A_13 : i1 to i32
    %sign3A_15 = arith.constant 0 : i32
    %sign3A_16 = arith.cmpi slt, %sub3A_12, %sign3A_15 : i32
    %sign3A_17 = arith.extui %sign3A_16 : i1 to i32
    %sign3A_18 = arith.subi %sign3A_14, %sign3A_17 : i32
    %sign3A_19 = arith.constant 0 : i32
    %sign3A_20 = arith.cmpi sgt, %jit3A, %sign3A_19 : i32
    %sign3A_21 = arith.extui %sign3A_20 : i1 to i32
    %sign3A_22 = arith.constant 0 : i32
    %sign3A_23 = arith.cmpi slt, %jit3A, %sign3A_22 : i32
    %sign3A_24 = arith.extui %sign3A_23 : i1 to i32
    %sign3A_25 = arith.subi %sign3A_21, %sign3A_24 : i32
    %ne3A = arith.cmpi ne, %sign3A_18, %sign3A_25 : i32
    %rem3A = arith.remsi %sub3A_12, %jit3A : i32
    %ne3A_26 = arith.constant 0 : i32
    %ne3A_27 = arith.cmpi ne, %rem3A, %ne3A_26 : i32
    %and3A = arith.andi %ne3A, %ne3A_27 : i1
    %sub3A_28 = arith.constant 1 : i32
    %sub3A_29 = arith.subi %div3A, %sub3A_28 : i32
    %select_n3A = arith.select %and3A, %sub3A_29, %div3A : i32
    %while3A = arith.constant 0 : i32
    %while3A_30 = arith.constant 0 : i32
    %while3A_31 = arith.subi %select_n3A, %while3A_30 : i32
    %while3A_32 = arith.addi %while3A_30, %while3A_31 : i32
    %while3A_33 = arith.constant 1 : i32
    %while3A_34 = arith.divsi %while3A_31, %while3A_33 : i32
    %while3A_35 = arith.muli %while3A_34, %while3A_33 : i32
    %while3A_36 = arith.addi %while3A_30, %while3A_35 : i32
    %while3A_37 = arith.constant 1 : i32
    scf.for %while3A_44 = %while3A_30 to %while3A_36 step %while3A_37  : i32 {
      %mul3A_45 = arith.constant 128 : i32
      %mul3A_46 = arith.muli %while3A_44, %mul3A_45 : i32
      %run_scoped3A = arith.constant 0 : i32
      "tpu.region"() ({
        %run_scoped3A_54 = tpu.sem_alloc : memref<!tpu.dma_semaphore, #tpu.memory_space<semaphore_mem>>
        %dma_start3A_55 = tpu.memref_slice %arg3[%arg0, %arg1, %run_scoped3A, %mul3A_46] : memref<2x16x2x10240xi32, #tpu.memory_space<hbm>> -> memref<1x1x1x128xi32, #tpu.memory_space<hbm>>
        %dma_start3A_56 = tpu.memref_squeeze %dma_start3A_55 : memref<1x1x1x128xi32, #tpu.memory_space<hbm>> -> memref<128xi32, #tpu.memory_space<hbm>>
        %dma_start3A_57 = tpu.memref_slice %arg3[%arg0, %arg1, %run_scoped3A, %mul3A_46] : memref<2x16x2x10240xi32, #tpu.memory_space<hbm>> -> memref<1x1x1x128xi32, #tpu.memory_space<hbm>>
        %dma_start3A_58 = tpu.memref_squeeze %dma_start3A_57 : memref<1x1x1x128xi32, #tpu.memory_space<hbm>> -> memref<128xi32, #tpu.memory_space<hbm>>
        tpu.enqueue_dma source(%dma_start3A_58 : memref<128xi32, #tpu.memory_space<hbm>>) target(%arg8 : memref<128xi32, #tpu.memory_space<vmem>>) target_semaphore(%run_scoped3A_54 : memref<!tpu.dma_semaphore, #tpu.memory_space<semaphore_mem>>)
        %dma_wait3A_59 = tpu.memref_slice %arg3[%arg0, %arg1, %run_scoped3A, %mul3A_46] : memref<2x16x2x10240xi32, #tpu.memory_space<hbm>> -> memref<1x1x1x128xi32, #tpu.memory_space<hbm>>
        %dma_wait3A_60 = tpu.memref_squeeze %dma_wait3A_59 : memref<1x1x1x128xi32, #tpu.memory_space<hbm>> -> memref<128xi32, #tpu.memory_space<hbm>>
        %dma_wait3A_61 = tpu.memref_slice %arg3[%arg0, %arg1, %run_scoped3A, %mul3A_46] : memref<2x16x2x10240xi32, #tpu.memory_space<hbm>> -> memref<1x1x1x128xi32, #tpu.memory_space<hbm>>
        %dma_wait3A_62 = tpu.memref_squeeze %dma_wait3A_61 : memref<1x1x1x128xi32, #tpu.memory_space<hbm>> -> memref<128xi32, #tpu.memory_space<hbm>>
        tpu.wait_dma2 semaphore(%run_scoped3A_54 : memref<!tpu.dma_semaphore, #tpu.memory_space<semaphore_mem>>) src(%dma_wait3A_62 : memref<128xi32, #tpu.memory_space<hbm>>) dst(%arg8 : memref<128xi32, #tpu.memory_space<vmem>>)
        tpu.yield
      }) : () -> ()
      %mul3A_47 = arith.constant 128 : i32
      %mul3A_48 = arith.muli %while3A_44, %mul3A_47 : i32
      %run_scoped3A_49 = arith.constant 1 : i32
      "tpu.region"() ({
        %run_scoped3A_54 = tpu.sem_alloc : memref<!tpu.dma_semaphore, #tpu.memory_space<semaphore_mem>>
        %dma_start3A_55 = tpu.memref_slice %arg3[%arg0, %arg1, %run_scoped3A_49, %mul3A_48] : memref<2x16x2x10240xi32, #tpu.memory_space<hbm>> -> memref<1x1x1x128xi32, #tpu.memory_space<hbm>>
        %dma_start3A_56 = tpu.memref_squeeze %dma_start3A_55 : memref<1x1x1x128xi32, #tpu.memory_space<hbm>> -> memref<128xi32, #tpu.memory_space<hbm>>
        %dma_start3A_57 = tpu.memref_slice %arg3[%arg0, %arg1, %run_scoped3A_49, %mul3A_48] : memref<2x16x2x10240xi32, #tpu.memory_space<hbm>> -> memref<1x1x1x128xi32, #tpu.memory_space<hbm>>
        %dma_start3A_58 = tpu.memref_squeeze %dma_start3A_57 : memref<1x1x1x128xi32, #tpu.memory_space<hbm>> -> memref<128xi32, #tpu.memory_space<hbm>>
        tpu.enqueue_dma source(%dma_start3A_58 : memref<128xi32, #tpu.memory_space<hbm>>) target(%arg9 : memref<128xi32, #tpu.memory_space<vmem>>) target_semaphore(%run_scoped3A_54 : memref<!tpu.dma_semaphore, #tpu.memory_space<semaphore_mem>>)
        %dma_wait3A_59 = tpu.memref_slice %arg3[%arg0, %arg1, %run_scoped3A_49, %mul3A_48] : memref<2x16x2x10240xi32, #tpu.memory_space<hbm>> -> memref<1x1x1x128xi32, #tpu.memory_space<hbm>>
        %dma_wait3A_60 = tpu.memref_squeeze %dma_wait3A_59 : memref<1x1x1x128xi32, #tpu.memory_space<hbm>> -> memref<128xi32, #tpu.memory_space<hbm>>
        %dma_wait3A_61 = tpu.memref_slice %arg3[%arg0, %arg1, %run_scoped3A_49, %mul3A_48] : memref<2x16x2x10240xi32, #tpu.memory_space<hbm>> -> memref<1x1x1x128xi32, #tpu.memory_space<hbm>>
        %dma_wait3A_62 = tpu.memref_squeeze %dma_wait3A_61 : memref<1x1x1x128xi32, #tpu.memory_space<hbm>> -> memref<128xi32, #tpu.memory_space<hbm>>
        tpu.wait_dma2 semaphore(%run_scoped3A_54 : memref<!tpu.dma_semaphore, #tpu.memory_space<semaphore_mem>>) src(%dma_wait3A_62 : memref<128xi32, #tpu.memory_space<hbm>>) dst(%arg9 : memref<128xi32, #tpu.memory_space<vmem>>)
        tpu.yield
      }) : () -> ()
      %dma_start3A = arith.constant 0 : i32
      %dma_start3A_50 = arith.constant 0 : i32
      %dma_start3A_51 = tpu.memref_slice %arg2[%dma_start3A, %dma_start3A_50] : memref<10000x128xf32, #tpu.memory_space<hbm>> -> memref<10000x128xf32, #tpu.memory_space<hbm>>
      tpu.enqueue_indirect_dma source(%dma_start3A_51 : memref<10000x128xf32, #tpu.memory_space<hbm>>) target(%arg10 : memref<128x128xf32, #tpu.memory_space<vmem>>) offsets(%arg8 : memref<128xi32, #tpu.memory_space<vmem>>) semaphore(%arg12 : memref<!tpu.dma_semaphore, #tpu.memory_space<semaphore_mem>>)
      %dma_wait3A = arith.constant 0 : i32
      %dma_wait3A_52 = arith.constant 0 : i32
      %dma_wait3A_53 = tpu.memref_slice %arg2[%dma_wait3A, %dma_wait3A_52] : memref<10000x128xf32, #tpu.memory_space<hbm>> -> memref<10000x128xf32, #tpu.memory_space<hbm>>
      tpu.wait_indirect_dma semaphore(%arg12 : memref<!tpu.dma_semaphore, #tpu.memory_space<semaphore_mem>>) src(%dma_wait3A_53 : memref<10000x128xf32, #tpu.memory_space<hbm>>) dst(%arg10 : memref<128x128xf32, #tpu.memory_space<vmem>>)
      "tpu.region"() ({
        %run_scoped3A_54 = tpu.sem_alloc : memref<!tpu.dma_semaphore, #tpu.memory_space<semaphore_mem>>
        %dma_start3A_55 = arith.constant 0 : i32
        %dma_start3A_56 = arith.constant 0 : i32
        %dma_start3A_57 = tpu.memref_slice %arg11[%dma_start3A_55, %dma_start3A_56] : memref<128x128xf32, #tpu.memory_space<vmem_shared>> -> memref<128x128xf32, #tpu.memory_space<vmem_shared>>
        tpu.enqueue_indirect_dma source(%arg10 : memref<128x128xf32, #tpu.memory_space<vmem>>) target(%dma_start3A_57 : memref<128x128xf32, #tpu.memory_space<vmem_shared>>) offsets(%arg9 : memref<128xi32, #tpu.memory_space<vmem>>) semaphore(%run_scoped3A_54 : memref<!tpu.dma_semaphore, #tpu.memory_space<semaphore_mem>>) {add = true}
        %dma_wait3A_58 = arith.constant 0 : i32
        %dma_wait3A_59 = arith.constant 0 : i32
        %dma_wait3A_60 = tpu.memref_slice %arg11[%dma_wait3A_58, %dma_wait3A_59] : memref<128x128xf32, #tpu.memory_space<vmem_shared>> -> memref<128x128xf32, #tpu.memory_space<vmem_shared>>
        tpu.wait_indirect_dma semaphore(%run_scoped3A_54 : memref<!tpu.dma_semaphore, #tpu.memory_space<semaphore_mem>>) src(%arg10 : memref<128x128xf32, #tpu.memory_space<vmem>>) dst(%dma_wait3A_60 : memref<128x128xf32, #tpu.memory_space<vmem_shared>>)
        tpu.yield
      }) : () -> ()
    }
    %while3A_38 = arith.constant 1 : i32
    scf.for %while3A_44 = %while3A_36 to %while3A_32 step %while3A_38  : i32 {
      %mul3A_45 = arith.constant 128 : i32
      %mul3A_46 = arith.muli %while3A_44, %mul3A_45 : i32
      %run_scoped3A = arith.constant 0 : i32
      "tpu.region"() ({
        %run_scoped3A_54 = tpu.sem_alloc : memref<!tpu.dma_semaphore, #tpu.memory_space<semaphore_mem>>
        %dma_start3A_55 = tpu.memref_slice %arg3[%arg0, %arg1, %run_scoped3A, %mul3A_46] : memref<2x16x2x10240xi32, #tpu.memory_space<hbm>> -> memref<1x1x1x128xi32, #tpu.memory_space<hbm>>
        %dma_start3A_56 = tpu.memref_squeeze %dma_start3A_55 : memref<1x1x1x128xi32, #tpu.memory_space<hbm>> -> memref<128xi32, #tpu.memory_space<hbm>>
        %dma_start3A_57 = tpu.memref_slice %arg3[%arg0, %arg1, %run_scoped3A, %mul3A_46] : memref<2x16x2x10240xi32, #tpu.memory_space<hbm>> -> memref<1x1x1x128xi32, #tpu.memory_space<hbm>>
        %dma_start3A_58 = tpu.memref_squeeze %dma_start3A_57 : memref<1x1x1x128xi32, #tpu.memory_space<hbm>> -> memref<128xi32, #tpu.memory_space<hbm>>
        tpu.enqueue_dma source(%dma_start3A_58 : memref<128xi32, #tpu.memory_space<hbm>>) target(%arg8 : memref<128xi32, #tpu.memory_space<vmem>>) target_semaphore(%run_scoped3A_54 : memref<!tpu.dma_semaphore, #tpu.memory_space<semaphore_mem>>)
        %dma_wait3A_59 = tpu.memref_slice %arg3[%arg0, %arg1, %run_scoped3A, %mul3A_46] : memref<2x16x2x10240xi32, #tpu.memory_space<hbm>> -> memref<1x1x1x128xi32, #tpu.memory_space<hbm>>
        %dma_wait3A_60 = tpu.memref_squeeze %dma_wait3A_59 : memref<1x1x1x128xi32, #tpu.memory_space<hbm>> -> memref<128xi32, #tpu.memory_space<hbm>>
        %dma_wait3A_61 = tpu.memref_slice %arg3[%arg0, %arg1, %run_scoped3A, %mul3A_46] : memref<2x16x2x10240xi32, #tpu.memory_space<hbm>> -> memref<1x1x1x128xi32, #tpu.memory_space<hbm>>
        %dma_wait3A_62 = tpu.memref_squeeze %dma_wait3A_61 : memref<1x1x1x128xi32, #tpu.memory_space<hbm>> -> memref<128xi32, #tpu.memory_space<hbm>>
        tpu.wait_dma2 semaphore(%run_scoped3A_54 : memref<!tpu.dma_semaphore, #tpu.memory_space<semaphore_mem>>) src(%dma_wait3A_62 : memref<128xi32, #tpu.memory_space<hbm>>) dst(%arg8 : memref<128xi32, #tpu.memory_space<vmem>>)
        tpu.yield
      }) : () -> ()
      %mul3A_47 = arith.constant 128 : i32
      %mul3A_48 = arith.muli %while3A_44, %mul3A_47 : i32
      %run_scoped3A_49 = arith.constant 1 : i32
      "tpu.region"() ({
        %run_scoped3A_54 = tpu.sem_alloc : memref<!tpu.dma_semaphore, #tpu.memory_space<semaphore_mem>>
        %dma_start3A_55 = tpu.memref_slice %arg3[%arg0, %arg1, %run_scoped3A_49, %mul3A_48] : memref<2x16x2x10240xi32, #tpu.memory_space<hbm>> -> memref<1x1x1x128xi32, #tpu.memory_space<hbm>>
        %dma_start3A_56 = tpu.memref_squeeze %dma_start3A_55 : memref<1x1x1x128xi32, #tpu.memory_space<hbm>> -> memref<128xi32, #tpu.memory_space<hbm>>
        %dma_start3A_57 = tpu.memref_slice %arg3[%arg0, %arg1, %run_scoped3A_49, %mul3A_48] : memref<2x16x2x10240xi32, #tpu.memory_space<hbm>> -> memref<1x1x1x128xi32, #tpu.memory_space<hbm>>
        %dma_start3A_58 = tpu.memref_squeeze %dma_start3A_57 : memref<1x1x1x128xi32, #tpu.memory_space<hbm>> -> memref<128xi32, #tpu.memory_space<hbm>>
        tpu.enqueue_dma source(%dma_start3A_58 : memref<128xi32, #tpu.memory_space<hbm>>) target(%arg9 : memref<128xi32, #tpu.memory_space<vmem>>) target_semaphore(%run_scoped3A_54 : memref<!tpu.dma_semaphore, #tpu.memory_space<semaphore_mem>>)
        %dma_wait3A_59 = tpu.memref_slice %arg3[%arg0, %arg1, %run_scoped3A_49, %mul3A_48] : memref<2x16x2x10240xi32, #tpu.memory_space<hbm>> -> memref<1x1x1x128xi32, #tpu.memory_space<hbm>>
        %dma_wait3A_60 = tpu.memref_squeeze %dma_wait3A_59 : memref<1x1x1x128xi32, #tpu.memory_space<hbm>> -> memref<128xi32, #tpu.memory_space<hbm>>
        %dma_wait3A_61 = tpu.memref_slice %arg3[%arg0, %arg1, %run_scoped3A_49, %mul3A_48] : memref<2x16x2x10240xi32, #tpu.memory_space<hbm>> -> memref<1x1x1x128xi32, #tpu.memory_space<hbm>>
        %dma_wait3A_62 = tpu.memref_squeeze %dma_wait3A_61 : memref<1x1x1x128xi32, #tpu.memory_space<hbm>> -> memref<128xi32, #tpu.memory_space<hbm>>
        tpu.wait_dma2 semaphore(%run_scoped3A_54 : memref<!tpu.dma_semaphore, #tpu.memory_space<semaphore_mem>>) src(%dma_wait3A_62 : memref<128xi32, #tpu.memory_space<hbm>>) dst(%arg9 : memref<128xi32, #tpu.memory_space<vmem>>)
        tpu.yield
      }) : () -> ()
      %dma_start3A = arith.constant 0 : i32
      %dma_start3A_50 = arith.constant 0 : i32
      %dma_start3A_51 = tpu.memref_slice %arg2[%dma_start3A, %dma_start3A_50] : memref<10000x128xf32, #tpu.memory_space<hbm>> -> memref<10000x128xf32, #tpu.memory_space<hbm>>
      tpu.enqueue_indirect_dma source(%dma_start3A_51 : memref<10000x128xf32, #tpu.memory_space<hbm>>) target(%arg10 : memref<128x128xf32, #tpu.memory_space<vmem>>) offsets(%arg8 : memref<128xi32, #tpu.memory_space<vmem>>) semaphore(%arg12 : memref<!tpu.dma_semaphore, #tpu.memory_space<semaphore_mem>>)
      %dma_wait3A = arith.constant 0 : i32
      %dma_wait3A_52 = arith.constant 0 : i32
      %dma_wait3A_53 = tpu.memref_slice %arg2[%dma_wait3A, %dma_wait3A_52] : memref<10000x128xf32, #tpu.memory_space<hbm>> -> memref<10000x128xf32, #tpu.memory_space<hbm>>
      tpu.wait_indirect_dma semaphore(%arg12 : memref<!tpu.dma_semaphore, #tpu.memory_space<semaphore_mem>>) src(%dma_wait3A_53 : memref<10000x128xf32, #tpu.memory_space<hbm>>) dst(%arg10 : memref<128x128xf32, #tpu.memory_space<vmem>>)
      "tpu.region"() ({
        %run_scoped3A_54 = tpu.sem_alloc : memref<!tpu.dma_semaphore, #tpu.memory_space<semaphore_mem>>
        %dma_start3A_55 = arith.constant 0 : i32
        %dma_start3A_56 = arith.constant 0 : i32
        %dma_start3A_57 = tpu.memref_slice %arg11[%dma_start3A_55, %dma_start3A_56] : memref<128x128xf32, #tpu.memory_space<vmem_shared>> -> memref<128x128xf32, #tpu.memory_space<vmem_shared>>
        tpu.enqueue_indirect_dma source(%arg10 : memref<128x128xf32, #tpu.memory_space<vmem>>) target(%dma_start3A_57 : memref<128x128xf32, #tpu.memory_space<vmem_shared>>) offsets(%arg9 : memref<128xi32, #tpu.memory_space<vmem>>) semaphore(%run_scoped3A_54 : memref<!tpu.dma_semaphore, #tpu.memory_space<semaphore_mem>>) {add = true}
        %dma_wait3A_58 = arith.constant 0 : i32
        %dma_wait3A_59 = arith.constant 0 : i32
        %dma_wait3A_60 = tpu.memref_slice %arg11[%dma_wait3A_58, %dma_wait3A_59] : memref<128x128xf32, #tpu.memory_space<vmem_shared>> -> memref<128x128xf32, #tpu.memory_space<vmem_shared>>
        tpu.wait_indirect_dma semaphore(%run_scoped3A_54 : memref<!tpu.dma_semaphore, #tpu.memory_space<semaphore_mem>>) src(%arg10 : memref<128x128xf32, #tpu.memory_space<vmem>>) dst(%dma_wait3A_60 : memref<128x128xf32, #tpu.memory_space<vmem_shared>>)
        tpu.yield
      }) : () -> ()
    }
    %barrier3A_39 = arith.constant 0 : index
    tpu.barrier barrier_id(%barrier3A_39)
    %mul3A_40 = arith.constant 8 : i32
    %mul3A_41 = arith.muli %arg1, %mul3A_40 : i32
    %mul3A_42 = arith.constant 8 : i32
    %mul3A_43 = arith.muli %arg1, %mul3A_42 : i32
    "tpu.region"() ({
      %run_scoped3A = tpu.sem_alloc : memref<!tpu.dma_semaphore, #tpu.memory_space<semaphore_mem>>
      %dma_start3A = arith.constant 0 : i32
      %dma_start3A_44 = tpu.memref_slice %arg6[%arg0, %mul3A_43, %dma_start3A] : memref<2x128x128xf32, #tpu.memory_space<hbm>> -> memref<1x8x128xf32, #tpu.memory_space<hbm>>
      %dma_start3A_45 = tpu.memref_squeeze %dma_start3A_44 : memref<1x8x128xf32, #tpu.memory_space<hbm>> -> memref<8x128xf32, #tpu.memory_space<hbm>>
      %dma_start3A_46 = arith.constant 0 : i32
      %dma_start3A_47 = tpu.memref_slice %arg11[%mul3A_41, %dma_start3A_46] : memref<128x128xf32, #tpu.memory_space<vmem_shared>> -> memref<8x128xf32, #tpu.memory_space<vmem_shared>>
      tpu.enqueue_dma source(%dma_start3A_47 : memref<8x128xf32, #tpu.memory_space<vmem_shared>>) target(%dma_start3A_45 : memref<8x128xf32, #tpu.memory_space<hbm>>) target_semaphore(%run_scoped3A : memref<!tpu.dma_semaphore, #tpu.memory_space<semaphore_mem>>)
      %dma_wait3A = arith.constant 0 : i32
      %dma_wait3A_48 = tpu.memref_slice %arg6[%arg0, %mul3A_43, %dma_wait3A] : memref<2x128x128xf32, #tpu.memory_space<hbm>> -> memref<1x8x128xf32, #tpu.memory_space<hbm>>
      %dma_wait3A_49 = tpu.memref_squeeze %dma_wait3A_48 : memref<1x8x128xf32, #tpu.memory_space<hbm>> -> memref<8x128xf32, #tpu.memory_space<hbm>>
      %dma_wait3A_50 = arith.constant 0 : i32
      %dma_wait3A_51 = tpu.memref_slice %arg11[%mul3A_41, %dma_wait3A_50] : memref<128x128xf32, #tpu.memory_space<vmem_shared>> -> memref<8x128xf32, #tpu.memory_space<vmem_shared>>
      tpu.wait_dma2 semaphore(%run_scoped3A : memref<!tpu.dma_semaphore, #tpu.memory_space<semaphore_mem>>) src(%dma_wait3A_51 : memref<8x128xf32, #tpu.memory_space<vmem_shared>>) dst(%dma_wait3A_49 : memref<8x128xf32, #tpu.memory_space<hbm>>)
      tpu.yield
    }) : () -> ()
    return
  }
}

module attributes {stable_mosaic.version = 14 : i64} {
  func.func @_mm_body(%arg0: i32, %arg1: memref<1000x128xf32, #tpu.memory_space<vmem>>, %arg2: memref<128x128xf32, #tpu.memory_space<vmem>>, %arg3: memref<1000x128xf32, #tpu.memory_space<vmem>>) attributes {dimension_semantics = [#tpu.dimension_semantics<arbitrary>], iteration_bounds = array<i64: 10>, scalar_prefetch = 0 : i64, scratch_operands = 0 : i64, tpu.core_type = #tpu.core_type<tc>, window_params = [{transform_indices = @transform_0, window_bounds = array<i64: 1000, 128>}, {pipeline_mode = #tpu.pipeline_mode<synchronous>, transform_indices = @transform_1, window_bounds = array<i64: 128, 128>}, {transform_indices = @transform_2, window_bounds = array<i64: 1000, 128>}]} {
    %get3A = arith.constant 0 : index
    %get3A_0 = arith.constant 0 : index
    %get3A_1 = vector.load %arg1[%get3A, %get3A_0] : memref<1000x128xf32, #tpu.memory_space<vmem>>, vector<1000x128xf32>
    %get3A_2 = arith.constant 0 : index
    %get3A_3 = arith.constant 0 : index
    %get3A_4 = vector.load %arg2[%get3A_2, %get3A_3] : memref<128x128xf32, #tpu.memory_space<vmem>>, vector<128x128xf32>
    %dot_general3A = arith.constant dense<0.000000e+00> : vector<1000x128xf32>
    %dot_general3A_5 = tpu.matmul %get3A_1, %get3A_4, %dot_general3A {dimension_numbers = #tpu.dot_dimension_numbers<[1], [0], [0], [1], [0, 0, 1, 1], [], []>, transpose_lhs_hint = false} : vector<1000x128xf32>, vector<128x128xf32>, vector<1000x128xf32> -> vector<1000x128xf32>
    %swap3A = arith.constant 0 : index
    %swap3A_6 = arith.constant 0 : index
    %swap3A_7 = vector.load %arg3[%swap3A, %swap3A_6] : memref<1000x128xf32, #tpu.memory_space<vmem>>, vector<1000x128xf32>
    tpu.vector_store %arg3[%swap3A, %swap3A_6], %dot_general3A_5 {strides = array<i32>} : memref<1000x128xf32, #tpu.memory_space<vmem>>, vector<1000x128xf32>,
    return
  }
  func.func @transform_0(%arg0: i32) -> (i32, i32) {
    %c0_i32 = arith.constant 0 : i32
    %c0_i32_0 = arith.constant 0 : i32
    return %arg0, %c0_i32 : i32, i32
  }
  func.func @transform_1(%arg0: i32) -> (i32, i32) {
    %c0_i32 = arith.constant 0 : i32
    %c0_i32_0 = arith.constant 0 : i32
    %c0_i32_1 = arith.constant 0 : i32
    return %c0_i32, %c0_i32_0 : i32, i32
  }
  func.func @transform_2(%arg0: i32) -> (i32, i32) {
    %c0_i32 = arith.constant 0 : i32
    %c0_i32_0 = arith.constant 0 : i32
    return %arg0, %c0_i32 : i32, i32
  }
}

module attributes {stable_mosaic.version = 14 : i64} {
  func.func @_inv_body(%arg0: memref<2x16x2x10112xf32, #tpu.memory_space<vmem>>, %arg1: memref<2x10112xf32, #tpu.memory_space<vmem>>) attributes {dimension_semantics = [], scalar_prefetch = 0 : i64, scratch_operands = 0 : i64, tpu.core_type = #tpu.core_type<tc>} {
    %get3A = arith.constant 0 : index
    %get3A_0 = arith.constant 0 : index
    %get3A_1 = arith.constant 0 : index
    %get3A_2 = arith.constant 0 : index
    %get3A_3 = vector.load %arg0[%get3A, %get3A_0, %get3A_1, %get3A_2] : memref<2x16x2x10112xf32, #tpu.memory_space<vmem>>, vector<2x16x2x10112xf32>
    %reduce_sum3A = arith.constant dense<0.000000e+00> : vector<2x10112xf32>
    %reduce_sum3A_4 = vector.multi_reduction <add>, %get3A_3, %reduce_sum3A [0, 1] : vector<2x16x2x10112xf32> to vector<2x10112xf32>
    %gt3A = arith.constant 0.000000e+00 : f32
    %gt3A_5 = vector.broadcast %gt3A : f32 to vector<2x10112xf32>
    %gt3A_6 = arith.cmpf ogt, %reduce_sum3A_4, %gt3A_5 : vector<2x10112xf32>
    %gt3A_7 = arith.constant 0.000000e+00 : f32
    %gt3A_8 = vector.broadcast %gt3A_7 : f32 to vector<2x10112xf32>
    %gt3A_9 = arith.cmpf ogt, %reduce_sum3A_4, %gt3A_8 : vector<2x10112xf32>
    %jit3A = arith.constant 1.000000e+00 : f32
    %broadcast_in_dim3A = vector.broadcast %jit3A : f32 to vector<2x10112xf32>
    %select_n3A = arith.select %gt3A_9, %reduce_sum3A_4, %broadcast_in_dim3A : vector<2x10112xi1>, vector<2x10112xf32>
    %div3A = arith.constant 1.000000e+00 : f32
    %div3A_10 = vector.broadcast %div3A : f32 to vector<2x10112xf32>
    %div3A_11 = arith.divf %div3A_10, %select_n3A : vector<2x10112xf32>
    %jit3A_12 = arith.constant 0.000000e+00 : f32
    %broadcast_in_dim3A_13 = vector.broadcast %jit3A_12 : f32 to vector<2x10112xf32>
    %select_n3A_14 = arith.select %gt3A_6, %div3A_11, %broadcast_in_dim3A_13 : vector<2x10112xi1>, vector<2x10112xf32>
    %swap3A = arith.constant 0 : index
    %swap3A_15 = arith.constant 0 : index
    %swap3A_16 = vector.load %arg1[%swap3A, %swap3A_15] : memref<2x10112xf32, #tpu.memory_space<vmem>>, vector<2x10112xf32>
    tpu.vector_store %arg1[%swap3A, %swap3A_15], %select_n3A_14 {strides = array<i32>} : memref<2x10112xf32, #tpu.memory_space<vmem>>, vector<2x10112xf32>,
    return
  }
}

module attributes {stable_mosaic.version = 14 : i64} {
  func.func @_fin_body(%arg0: i32, %arg1: memref<2x1264x128xf32, #tpu.memory_space<vmem>>, %arg2: memref<1x1264x1xf32, #tpu.memory_space<vmem>>, %arg3: memref<1x128xf32, #tpu.memory_space<vmem>>, %arg4: memref<1264x128xf32, #tpu.memory_space<vmem>>) attributes {dimension_semantics = [#tpu.dimension_semantics<arbitrary>], iteration_bounds = array<i64: 8>, scalar_prefetch = 0 : i64, scratch_operands = 0 : i64, tpu.core_type = #tpu.core_type<tc>, window_params = [{transform_indices = @transform_0, window_bounds = array<i64: 2, 1264, 128>}, {transform_indices = @transform_1, window_bounds = array<i64: 1, 1264, 1>}, {pipeline_mode = #tpu.pipeline_mode<synchronous>, transform_indices = @transform_2, window_bounds = array<i64: 1, 128>}, {transform_indices = @transform_3, window_bounds = array<i64: 1264, 128>}]} {
    %get3A = arith.constant 0 : index
    %get3A_0 = arith.constant 0 : index
    %get3A_1 = arith.constant 0 : index
    %get3A_2 = vector.load %arg1[%get3A, %get3A_0, %get3A_1] : memref<2x1264x128xf32, #tpu.memory_space<vmem>>, vector<1x1264x128xf32>
    %get3A_3 = vector.shape_cast %get3A_2 : vector<1x1264x128xf32> to vector<1264x128xf32>
    %get3A_4 = arith.constant 1 : index
    %get3A_5 = arith.constant 0 : index
    %get3A_6 = arith.constant 0 : index
    %get3A_7 = vector.load %arg1[%get3A_4, %get3A_5, %get3A_6] : memref<2x1264x128xf32, #tpu.memory_space<vmem>>, vector<1x1264x128xf32>
    %get3A_8 = vector.shape_cast %get3A_7 : vector<1x1264x128xf32> to vector<1264x128xf32>
    %add3A = arith.addf %get3A_3, %get3A_8 : vector<1264x128xf32>
    %get3A_9 = arith.constant 0 : index
    %get3A_10 = arith.constant 0 : index
    %get3A_11 = arith.constant 0 : index
    %get3A_12 = vector.load %arg2[%get3A_9, %get3A_10, %get3A_11] : memref<1x1264x1xf32, #tpu.memory_space<vmem>>, vector<1x1264x1xf32>
    %get3A_13 = vector.shape_cast %get3A_12 : vector<1x1264x1xf32> to vector<1264x1xf32>
    %mul3A = vector.broadcast %get3A_13 : vector<1264x1xf32> to vector<1264x128xf32>
    %mul3A_14 = arith.mulf %mul3A, %add3A : vector<1264x128xf32>
    %get3A_15 = arith.constant 0 : index
    %get3A_16 = arith.constant 0 : index
    %get3A_17 = vector.load %arg3[%get3A_15, %get3A_16] : memref<1x128xf32, #tpu.memory_space<vmem>>, vector<1x128xf32>
    %add3A_18 = vector.broadcast %get3A_17 : vector<1x128xf32> to vector<1264x128xf32>
    %add3A_19 = arith.addf %mul3A_14, %add3A_18 : vector<1264x128xf32>
    %swap3A = arith.constant 0 : index
    %swap3A_20 = arith.constant 0 : index
    %swap3A_21 = vector.load %arg4[%swap3A, %swap3A_20] : memref<1264x128xf32, #tpu.memory_space<vmem>>, vector<1264x128xf32>
    tpu.vector_store %arg4[%swap3A, %swap3A_20], %add3A_19 {strides = array<i32>} : memref<1264x128xf32, #tpu.memory_space<vmem>>, vector<1264x128xf32>,
    return
  }
  func.func @transform_0(%arg0: i32) -> (i32, i32, i32) {
    %c0_i32 = arith.constant 0 : i32
    %c0_i32_0 = arith.constant 0 : i32
    %c0_i32_1 = arith.constant 0 : i32
    return %c0_i32, %arg0, %c0_i32_0 : i32, i32, i32
  }
  func.func @transform_1(%arg0: i32) -> (i32, i32, i32) {
    %c0_i32 = arith.constant 0 : i32
    %c0_i32_0 = arith.constant 0 : i32
    %c0_i32_1 = arith.constant 0 : i32
    return %c0_i32, %arg0, %c0_i32_0 : i32, i32, i32
  }
  func.func @transform_2(%arg0: i32) -> (i32, i32) {
    %c0_i32 = arith.constant 0 : i32
    %c0_i32_0 = arith.constant 0 : i32
    %c0_i32_1 = arith.constant 0 : i32
    return %c0_i32, %c0_i32_0 : i32, i32
  }
  func.func @transform_3(%arg0: i32) -> (i32, i32) {
    %c0_i32 = arith.constant 0 : i32
    %c0_i32_0 = arith.constant 0 : i32
    return %arg0, %c0_i32 : i32, i32
  }
}

module attributes {stable_mosaic.version = 14 : i64} {
  func.func @_final_body(%arg0: memref<2x64x128xf32, #tpu.memory_space<vmem>>, %arg1: memref<64x1xf32, #tpu.memory_space<vmem>>, %arg2: memref<128x128xf32, #tpu.memory_space<vmem>>, %arg3: memref<1x128xf32, #tpu.memory_space<vmem>>, %arg4: memref<128x128xf32, #tpu.memory_space<vmem>>, %arg5: memref<1x128xf32, #tpu.memory_space<vmem>>, %arg6: memref<8x128xf32, #tpu.memory_space<vmem>>, %arg7: memref<8x128xf32, #tpu.memory_space<vmem>>) attributes {dimension_semantics = [], scalar_prefetch = 0 : i64, scratch_operands = 0 : i64, tpu.core_type = #tpu.core_type<tc>} {
    %get3A = arith.constant 0 : index
    %get3A_0 = arith.constant 0 : index
    %get3A_1 = arith.constant 0 : index
    %get3A_2 = vector.load %arg0[%get3A, %get3A_0, %get3A_1] : memref<2x64x128xf32, #tpu.memory_space<vmem>>, vector<1x64x128xf32>
    %get3A_3 = vector.shape_cast %get3A_2 : vector<1x64x128xf32> to vector<64x128xf32>
    %get3A_4 = arith.constant 1 : index
    %get3A_5 = arith.constant 0 : index
    %get3A_6 = arith.constant 0 : index
    %get3A_7 = vector.load %arg0[%get3A_4, %get3A_5, %get3A_6] : memref<2x64x128xf32, #tpu.memory_space<vmem>>, vector<1x64x128xf32>
    %get3A_8 = vector.shape_cast %get3A_7 : vector<1x64x128xf32> to vector<64x128xf32>
    %add3A = arith.addf %get3A_3, %get3A_8 : vector<64x128xf32>
    %get3A_9 = arith.constant 0 : index
    %get3A_10 = arith.constant 0 : index
    %get3A_11 = vector.load %arg1[%get3A_9, %get3A_10] : memref<64x1xf32, #tpu.memory_space<vmem>>, vector<64x1xf32>
    %mul3A = vector.broadcast %get3A_11 : vector<64x1xf32> to vector<64x128xf32>
    %mul3A_12 = arith.mulf %mul3A, %add3A : vector<64x128xf32>
    %slice3A = vector.extract_strided_slice %mul3A_12 {offsets = [0, 0], sizes = [8, 128], strides = [1, 1]} : vector<64x128xf32> to vector<8x128xf32>
    %reduce_sum3A = arith.constant dense<0.000000e+00> : vector<128xf32>
    %reduce_sum3A_13 = vector.multi_reduction <add>, %slice3A, %reduce_sum3A [0] : vector<8x128xf32> to vector<128xf32>
    %broadcast_in_dim3A = vector.shape_cast %reduce_sum3A_13 : vector<128xf32> to vector<1x128xf32>
    %slice3A_14 = vector.extract_strided_slice %mul3A_12 {offsets = [8, 0], sizes = [8, 128], strides = [1, 1]} : vector<64x128xf32> to vector<8x128xf32>
    %reduce_sum3A_15 = arith.constant dense<0.000000e+00> : vector<128xf32>
    %reduce_sum3A_16 = vector.multi_reduction <add>, %slice3A_14, %reduce_sum3A_15 [0] : vector<8x128xf32> to vector<128xf32>
    %broadcast_in_dim3A_17 = vector.shape_cast %reduce_sum3A_16 : vector<128xf32> to vector<1x128xf32>
    %slice3A_18 = vector.extract_strided_slice %mul3A_12 {offsets = [16, 0], sizes = [8, 128], strides = [1, 1]} : vector<64x128xf32> to vector<8x128xf32>
    %reduce_sum3A_19 = arith.constant dense<0.000000e+00> : vector<128xf32>
    %reduce_sum3A_20 = vector.multi_reduction <add>, %slice3A_18, %reduce_sum3A_19 [0] : vector<8x128xf32> to vector<128xf32>
    %broadcast_in_dim3A_21 = vector.shape_cast %reduce_sum3A_20 : vector<128xf32> to vector<1x128xf32>
    %slice3A_22 = vector.extract_strided_slice %mul3A_12 {offsets = [24, 0], sizes = [8, 128], strides = [1, 1]} : vector<64x128xf32> to vector<8x128xf32>
    %reduce_sum3A_23 = arith.constant dense<0.000000e+00> : vector<128xf32>
    %reduce_sum3A_24 = vector.multi_reduction <add>, %slice3A_22, %reduce_sum3A_23 [0] : vector<8x128xf32> to vector<128xf32>
    %broadcast_in_dim3A_25 = vector.shape_cast %reduce_sum3A_24 : vector<128xf32> to vector<1x128xf32>
    %slice3A_26 = vector.extract_strided_slice %mul3A_12 {offsets = [32, 0], sizes = [8, 128], strides = [1, 1]} : vector<64x128xf32> to vector<8x128xf32>
    %reduce_sum3A_27 = arith.constant dense<0.000000e+00> : vector<128xf32>
    %reduce_sum3A_28 = vector.multi_reduction <add>, %slice3A_26, %reduce_sum3A_27 [0] : vector<8x128xf32> to vector<128xf32>
    %broadcast_in_dim3A_29 = vector.shape_cast %reduce_sum3A_28 : vector<128xf32> to vector<1x128xf32>
    %slice3A_30 = vector.extract_strided_slice %mul3A_12 {offsets = [40, 0], sizes = [8, 128], strides = [1, 1]} : vector<64x128xf32> to vector<8x128xf32>
    %reduce_sum3A_31 = arith.constant dense<0.000000e+00> : vector<128xf32>
    %reduce_sum3A_32 = vector.multi_reduction <add>, %slice3A_30, %reduce_sum3A_31 [0] : vector<8x128xf32> to vector<128xf32>
    %broadcast_in_dim3A_33 = vector.shape_cast %reduce_sum3A_32 : vector<128xf32> to vector<1x128xf32>
    %slice3A_34 = vector.extract_strided_slice %mul3A_12 {offsets = [48, 0], sizes = [8, 128], strides = [1, 1]} : vector<64x128xf32> to vector<8x128xf32>
    %reduce_sum3A_35 = arith.constant dense<0.000000e+00> : vector<128xf32>
    %reduce_sum3A_36 = vector.multi_reduction <add>, %slice3A_34, %reduce_sum3A_35 [0] : vector<8x128xf32> to vector<128xf32>
    %broadcast_in_dim3A_37 = vector.shape_cast %reduce_sum3A_36 : vector<128xf32> to vector<1x128xf32>
    %slice3A_38 = vector.extract_strided_slice %mul3A_12 {offsets = [56, 0], sizes = [8, 128], strides = [1, 1]} : vector<64x128xf32> to vector<8x128xf32>
    %reduce_sum3A_39 = arith.constant dense<0.000000e+00> : vector<128xf32>
    %reduce_sum3A_40 = vector.multi_reduction <add>, %slice3A_38, %reduce_sum3A_39 [0] : vector<8x128xf32> to vector<128xf32>
    %broadcast_in_dim3A_41 = vector.shape_cast %reduce_sum3A_40 : vector<128xf32> to vector<1x128xf32>
    %concatenate3A = tpu.concatenate %broadcast_in_dim3A, %broadcast_in_dim3A_17, %broadcast_in_dim3A_21, %broadcast_in_dim3A_25, %broadcast_in_dim3A_29, %broadcast_in_dim3A_33, %broadcast_in_dim3A_37, %broadcast_in_dim3A_41 in 0 : vector<1x128xf32>, vector<1x128xf32>, vector<1x128xf32>, vector<1x128xf32>, vector<1x128xf32>, vector<1x128xf32>, vector<1x128xf32>, vector<1x128xf32> -> vector<8x128xf32>
    %get3A_42 = arith.constant 0 : index
    %get3A_43 = arith.constant 0 : index
    %get3A_44 = vector.load %arg2[%get3A_42, %get3A_43] : memref<128x128xf32, #tpu.memory_space<vmem>>, vector<128x128xf32>
    %dot_general3A = arith.constant dense<0.000000e+00> : vector<8x128xf32>
    %dot_general3A_45 = tpu.matmul %concatenate3A, %get3A_44, %dot_general3A {dimension_numbers = #tpu.dot_dimension_numbers<[1], [0], [0], [1], [0, 0, 1, 1], [], []>, transpose_lhs_hint = false} : vector<8x128xf32>, vector<128x128xf32>, vector<8x128xf32> -> vector<8x128xf32>
    %get3A_46 = arith.constant 0 : index
    %get3A_47 = arith.constant 0 : index
    %get3A_48 = vector.load %arg3[%get3A_46, %get3A_47] : memref<1x128xf32, #tpu.memory_space<vmem>>, vector<1x128xf32>
    %mul3A_49 = arith.constant 8.000000e+00 : f32
    %mul3A_50 = vector.broadcast %mul3A_49 : f32 to vector<1x128xf32>
    %mul3A_51 = arith.mulf %mul3A_50, %get3A_48 : vector<1x128xf32>
    %add3A_52 = vector.broadcast %mul3A_51 : vector<1x128xf32> to vector<8x128xf32>
    %add3A_53 = arith.addf %dot_general3A_45, %add3A_52 : vector<8x128xf32>
    %swap3A = arith.constant 0 : index
    %swap3A_54 = arith.constant 0 : index
    %swap3A_55 = vector.load %arg6[%swap3A, %swap3A_54] : memref<8x128xf32, #tpu.memory_space<vmem>>, vector<8x128xf32>
    tpu.vector_store %arg6[%swap3A, %swap3A_54], %add3A_53 {strides = array<i32>} : memref<8x128xf32, #tpu.memory_space<vmem>>, vector<8x128xf32>,
    %get3A_56 = arith.constant 0 : index
    %get3A_57 = arith.constant 0 : index
    %get3A_58 = vector.load %arg4[%get3A_56, %get3A_57] : memref<128x128xf32, #tpu.memory_space<vmem>>, vector<128x128xf32>
    %dot_general3A_59 = arith.constant dense<0.000000e+00> : vector<8x128xf32>
    %dot_general3A_60 = tpu.matmul %concatenate3A, %get3A_58, %dot_general3A_59 {dimension_numbers = #tpu.dot_dimension_numbers<[1], [0], [0], [1], [0, 0, 1, 1], [], []>, transpose_lhs_hint = false} : vector<8x128xf32>, vector<128x128xf32>, vector<8x128xf32> -> vector<8x128xf32>
    %get3A_61 = arith.constant 0 : index
    %get3A_62 = arith.constant 0 : index
    %get3A_63 = vector.load %arg5[%get3A_61, %get3A_62] : memref<1x128xf32, #tpu.memory_space<vmem>>, vector<1x128xf32>
    %mul3A_64 = arith.constant 8.000000e+00 : f32
    %mul3A_65 = vector.broadcast %mul3A_64 : f32 to vector<1x128xf32>
    %mul3A_66 = arith.mulf %mul3A_65, %get3A_63 : vector<1x128xf32>
    %add3A_67 = vector.broadcast %mul3A_66 : vector<1x128xf32> to vector<8x128xf32>
    %add3A_68 = arith.addf %dot_general3A_60, %add3A_67 : vector<8x128xf32>
    %swap3A_69 = arith.constant 0 : index
    %swap3A_70 = arith.constant 0 : index
    %swap3A_71 = vector.load %arg7[%swap3A_69, %swap3A_70] : memref<8x128xf32, #tpu.memory_space<vmem>>, vector<8x128xf32>
    tpu.vector_store %arg7[%swap3A_69, %swap3A_70], %add3A_68 {strides = array<i32>} : memref<8x128xf32, #tpu.memory_space<vmem>>, vector<8x128xf32>,
    return
  }
}

</mosaic_0001>

<sc_bundles>
// kernel: kernel.13.cloned.1.call-start
scs
__scs_entry_jumppad:
0x0: {  	(pc) =	sbr.rel $0x88, $3  }
0x1: {  	(tag) =	ssettag $0x0;
	lr =	simm.s32 $0x1  }
0x2: {  	[smem:$0x3F99] =	sst lr;
	_ =	strace $0xD0000000  }
0x3: {  	_ = 	snop  }
0x4: {  	_ = 	snop  }
0x5: {  	_ = 	snop  }
0x6: {  	_ = 	snop  }
0x7: {  	_ = 	snop  }
__scs_overlays_trampoline_lowered:
0x8: {  	[smem:$0x3FA8] =	sst s0  }
0x9: {  	[smem:$0x3FA9] =	sst s1  }
0xa: {  	[smem:$0x3FAA] =	sst s2  }
0xb: {  	[smem:$0x3FAB] =	sst s3  }
0xc: {  	[smem:$0x3FAC] =	sst s4  }
0xd: {  	[smem:$0x3FAD] =	sst s5  }
0xe: {  	[smem:$0x3FAE] =	sst s6  }
0xf: {  	[smem:$0x3FAF] =	sst s7  }
0x10: {  	[smem:$0x3FB0] =	sst s8  }
0x11: {  	[smem:$0x3FB1] =	sst s9;
	s0 =	simm.s32 @!p0 $0x0  }
0x12: {  	s1 =	sld [smem:$0x3F97];
	s0 =	simm.s32 @p0 $0x1  }
0x13: {  	[smem:$0x3FB2] =	sst s0;
	s0 =	simm.s32 @!p1 $0x0  }
0x14: {  	s2 =	sld [smem:$0x3F96];
	s0 =	simm.s32 @p1 $0x1  }
0x15: {  	[smem:$0x3FB3] =	sst s0;
	s0 =	simm.s32 @!p2 $0x0  }
0x16: {  	s3 =	sld [smem:$0x3FDB];
	s0 =	simm.s32 @p2 $0x1  }
0x17: {  	s4 =	simm.s32 $0x1BF5;
	[smem:$0x3FB5] =	sst s0  }
0x18: {  	s0 =	sld [smem:$0x3F98];
	_ =	swait.ge [sflag:s4], $0x0  }
0x19: {  	s7 =	sld [smem:$0x3F99]  }
0x1a: {  	s8 =	sadd.s32 $0xFFFFE003, lr  }
0x1b: {  	s9 =	sadd.s32 $0xFFFFFEF7, lr;
	s5 =	simm.s32 $0xFFFFFFFF;
	p2 =	slt.u32 s8, $0xFFFFF086  }
0x1c: {  	p1 =	slt.u32 s9, $0xF7A;
	s5 =	simm.s32 @!p2 $0x0  }
0x1d: {  	s5 =	simm.s32 @p1 $0x1;
	p0 =	seq.s32 s7, s2  }
0x1e: {  	s7 =	smul.u32 @!p0 $0xF7A, s2;
	p2 =	seq.s32 @!p0 s5, $0x0  }
0x1f: {  	s9 =	smul.u32 $0xF7A, s1;
	s8 =	simm.s32 @!p0 $0x1BF5;
	p2 =	por !p2, p0  }
0x20: {  	[sflag:s8] =	ssyncset.s32 @!p0 $0xFFFFF086;
	s6 =	sadd.s32 @!p0 s3, s7;
	s7 =	simm.s32 @!p0 $0x108  }
0x21: {  	s3 =	sadd.s32 s3, s9;
	s6 =	sadd.s32 @!p0 $0x88, s6;
	s7 =	simm.s32 @p2 $0x1082  }
0x22: {  	[simem:s7], [sflag:s8] =	dma.local @!p0 [hbm:s6], $0xF7A  }
0x23: {  	s9 =	sor.u32 $0xD0000000, s2;
	s6 =	simm.s32 $0x108;
	_ =	swait.ge @!p0 [sflag:s8], $0x0  }
0x24: {  	s3 =	sadd.s32 $0x88, s3;
	s6 =	simm.s32 @!p1 $0x1082;
	[sflag:s4] =	ssyncset.s32 $0xFFFFF086  }
0x25: {  	[simem:s6], [sflag:s4] =	dma.local [hbm:s3], $0xF7A  }
0x26: {  	[smem:$0x3F99] =	sst s1;
	(tag) =	ssettag s2;
	_ =	strace s9  }
0x27: {  	s1 =	sld [smem:$0x3FA9]  }
0x28: {  	s2 =	sld [smem:$0x3FAA]  }
0x29: {  	s4 =	sld [smem:$0x3FAC]  }
0x2a: {  	p0 =	seq.s32 s5, $0x0;
	s5 =	sld [smem:$0x3FAD]  }
0x2b: {  	s6 =	sld [smem:$0x3FAE]  }
0x2c: {  	s7 =	sld [smem:$0x3FAF]  }
0x2d: {  	s3 =	simm.s32 $0x108;
	s8 =	sld [smem:$0x3FB0]  }
0x2e: {  	s3 =	simm.s32 @!p0 $0x1082;
	s9 =	sld [smem:$0x3FB1]  }
0x2f: {  	lr =	sadd.s32 s0, s3;
	s0 =	sld [smem:$0x3FA8]  }
0x30: {  	s3 =	sld [smem:$0x3FAB]  }
0x31: {  	[smem:$0x3FB4] =	sst s10  }
0x32: {  	s10 =	sld [smem:$0x3FB2];
	_ =	sdelay $0x3  }
0x33: {  	p0 =	seq.s32 s10, $0x1;
	s10 =	sld [smem:$0x3FB4];
	_ =	sdelay $0x3  }
0x34: {  	[smem:$0x3FB4] =	sst s10  }
0x35: {  	s10 =	sld [smem:$0x3FB3];
	_ =	sdelay $0x3  }
0x36: {  	p1 =	seq.s32 s10, $0x1;
	s10 =	sld [smem:$0x3FB4];
	_ =	sdelay $0x3  }
0x37: {  	[smem:$0x3FB4] =	sst s10  }
0x38: {  	s10 =	sld [smem:$0x3FB5]  }
0x39: {  	_ = 	snop;
	(pc) =	sbr.ind lr, $3  }
0x3a: {  	_ = 	snop  }
0x3b: {  	_ = 	snop  }
0x3c: {  	p2 =	seq.s32 s10, $0x1;
	s10 =	sld [smem:$0x3FB4]  }
0x3d: {  	_ =	shalt  }
0x3e: {  	_ =	shalt  }
0x3f: {  	_ =	shalt  }
0x40: {  	_ =	shalt  }
0x41: {  	_ =	shalt  }
0x42: {  	_ =	shalt  }
0x43: {  	_ =	shalt  }
0x44: {  	_ =	shalt  }
0x45: {  	_ =	shalt  }
0x46: {  	_ =	shalt  }
0x47: {  	_ =	shalt  }
0x48: {  	_ =	shalt  }
0x49: {  	_ =	shalt  }
0x4a: {  	_ =	shalt  }
0x4b: {  	_ =	shalt  }
0x4c: {  	_ =	shalt  }
0x4d: {  	_ =	shalt  }
0x4e: {  	_ =	shalt  }
0x4f: {  	_ =	shalt  }
0x50: {  	_ =	shalt  }
0x51: {  	_ =	shalt  }
0x52: {  	_ =	shalt  }
0x53: {  	_ =	shalt  }
0x54: {  	_ =	shalt  }
0x55: {  	_ =	shalt  }
0x56: {  	_ =	shalt  }
0x57: {  	_ =	shalt  }
0x58: {  	_ =	shalt  }
0x59: {  	_ =	shalt  }
0x5a: {  	_ =	shalt  }
0x5b: {  	_ =	shalt  }
0x5c: {  	_ =	shalt  }
0x5d: {  	_ =	shalt  }
0x5e: {  	_ =	shalt  }
0x5f: {  	_ =	shalt  }
0x60: {  	_ =	shalt  }
0x61: {  	_ =	shalt  }
0x62: {  	_ =	shalt  }
0x63: {  	_ =	shalt  }
0x64: {  	_ =	shalt  }
0x65: {  	_ =	shalt  }
0x66: {  	_ =	shalt  }
0x67: {  	_ =	shalt  }
0x68: {  	_ =	shalt  }
0x69: {  	_ =	shalt  }
0x6a: {  	_ =	shalt  }
0x6b: {  	_ =	shalt  }
0x6c: {  	_ =	shalt  }
0x6d: {  	_ =	shalt  }
0x6e: {  	_ =	shalt  }
0x6f: {  	_ =	shalt  }
0x70: {  	_ =	shalt  }
0x71: {  	_ =	shalt  }
0x72: {  	_ =	shalt  }
0x73: {  	_ =	shalt  }
0x74: {  	_ =	shalt  }
0x75: {  	_ =	shalt  }
0x76: {  	_ =	shalt  }
0x77: {  	_ =	shalt  }
0x78: {  	_ =	shalt  }
0x79: {  	_ =	shalt  }
0x7a: {  	_ =	shalt  }
0x7b: {  	_ =	shalt  }
0x7c: {  	_ =	shalt  }
0x7d: {  	_ =	shalt  }
0x7e: {  	_ =	shalt  }
0x7f: {  	_ =	shalt  }
0x80: {  	_ =	shalt  }
0x81: {  	_ =	shalt  }
0x82: {  	_ =	shalt  }
0x83: {  	_ =	shalt  }
0x84: {  	_ =	shalt  }
0x85: {  	_ =	shalt  }
0x86: {  	_ =	shalt  }
0x87: {  	_ =	shalt  }
.Lfunc_end0:
.L_simem_size_0:
called_computation_lowered:
.L_overlay_start_0:
0x88: {  	s2 =	sld [smem:$0x3FD9]  }
0x89: {  	s3 =	sld [smem:$0x3FFE];
	_ =	sdelay $0x1  }
0x8a: {  	s1 =	srdreg.scid  }
0x8b: {  	s0 =	sand.u32 $0x1, s1  }
0x8c: {  	s16 =	sshll.u32 s0, $0xA;
	s2 =	sadd.s32 s3, s2  }
0x8d: {  	s2 =	sadd.s32 s2, s16  }
0x8e: {  	[smem:$0x3FC0] =	sst s2  }
0x8f: {  	_ = 	snop  }
0x90: {  	(tm) =	ssettm $0x1  }
0x91: {  	s17 =	sld [smem:$0x3FFB];
	_ =	sdelay $0x3  }
0x92: {  	_ =	strace s17  }
0x93: {  	s2 =	sld [smem:$0x3FFC];
	_ =	sdelay $0x3  }
0x94: {  	_ =	strace s2  }
0x95: {  	s2 =	sld [smem:$0x3FFD];
	_ =	sdelay $0x3  }
0x96: {  	_ =	strace s2  }
0x97: {  	_ =	strace $0x8FFFFFFF  }
0x98: {  	s18 =	sld [smem:$0x3FDB];
	_ =	sdelay $0x1  }
0x99: {  	s19 =	simm.s32 $_scs_section_size  }
0x9a: {  	s4 =	simm.s32 $_size__tile_overlayer_lowered;
	s5 =	simm.s32 $_tile_overlayer_lowered  }
0x9b: {  	s22 =	simm.s32 $0x1BFF;
	s21 =	sshll.u32 s5, $0x1;
	s2 =	sadd.s32 s19, s18  }
0x9c: {  	s6 =	simm.s32 $0x0;
	s20 =	sshll.u32 s4, $0x1;
	s4 =	sadd.s32 s21, s2  }
0x9d: {  	[timem:s6], [sflag:s22] =	dma.local [hbm:s4], s20  }
0x9e: {  	_ =	swait.ge [sflag:s22], s20  }
0x9f: {  	s3 =	ssub.s32 $0x0, s20;
	[sflag:s22] =	ssyncset.done $0x0  }
0xa0: {  	[sflag:s22] =	ssyncadd.s32 s3;
	_ =	sdelay $0x1  }
0xa1: {  	s23 =	simm.s32 $0x1B8B  }
0xa2: {  	_ =	swait.ge [sflag:s23], $0x1  }
0xa3: {  	[sflag:s23] =	ssyncset.done $0x0  }
0xa4: {  	s25 =	simm.s32 $0x1B8E;
	s24 =	sld [smem:$0x3FFE];
	[sflag:s23] =	ssyncadd.s32 $0xFFFFFFFF  }
0xa5: {  	s26 =	simm.s32 $execute0_lowered;
	[smem:$0x3FD2] =	sst s25  }
0xa6: {  	s4 =	sshll.u32 s26, $0x1;
	_ =	strace $0x80000046;
	[dreg:$0x1] =	wrdreg $0xFFFFFFFF  }
0xa7: {  	s28 =	simm.s32 $_size_execute0_lowered;
	s2 =	sadd.s32 s2, s4;
	[dreg:$0x0] =	wrdreg $0x0  }
0xa8: {  	s4 =	sshll.u32 s28, $0x1;
	[dreg:$0x2] =	wrdreg s2  }
0xa9: {  	[dreg:$0x3] =	wrdreg s4  }
0xaa: {  	[dreg:$0x4] =	wrdreg $0xC0  }
0xab: {  	_ =	task [dreg:s6], $0x5FFFF  }
0xac: {  	[dreg:$0x1] =	wrdreg $0xFFFFFFFF  }
0xad: {  	[dreg:$0x0] =	wrdreg $0x60  }
0xae: {  	[dreg:$0x2] =	wrdreg s24  }
0xaf: {  	[dreg:$0x3] =	wrdreg $0x9  }
0xb0: {  	_ =	task.clear_ibuf [dreg:s6], $0x4FFFF;
	_ =	strace $0x90000046  }
0xb1: {  	s29 =	simm.s32 $0x9;
	_ =	strace $0x80000048  }
0xb2: {  	_ =	swait.ge [sflag:s29], $0x1  }
0xb3: {  	[sflag:s29] =	ssyncadd.s32 $0xFFFFFFFF  }
0xb4: {  	_ =	strace $0x90000048  }
0xb5: {  	_ =	sfence  }
0xb6: {  	s30 =	sld [smem:$0x0];
	_ =	sdelay $0x2  }
0xb7: {  	s31 =	sshll.u32 s1, $0xD;
	s1 =	sshrl.u32 s1, $0x2  }
0xb8: {  	s3 =	sand.u32 $0x4000, s31;
	s1 =	sadd.s32 s1, s30  }
0xb9: {  	s0 =	sor.u32 s3, s0;
	s1 =	sshll.u32 s1, $0x11  }
0xba: {  	s0 =	sor.u32 s1, s0  }
0xbb: {  	s0 =	sadd.s32 $0x8F2B, s0  }
0xbc: {  	[sflag:s0] =	ssyncadd.remote.s32 $0x1  }
0xbd: {  	_ =	sfence.sel $0xFFFF  }
0xbe: {  	[dreg:$0x0] =	wrdreg $0xFFFFFFFF;
	(pc) =	sbr.abs _section_cstart, $3  }
0xbf: {  	[dreg:$0x1] =	wrdreg $0xFFFFFFFF  }
0xc0: {  	_ =	task.clear_ibuf [dreg:s6], $0x2FFFF;
	_ =	strace $0x9FFFFFFF  }
0xc1: {  	(tm) =	ssettm $0x7FFFFFFF  }
tec
execute0_lowered:
.L_overlay_start_1:
0x0: {  	(tag) =	ssettag $0x1  }
0x1: {  	s0 =	rddreg [dreg:$0x0]  }
0x2: {  	s6 =	stileid.u32;
	s1 =	srdreg.scid  }
0x3: {  	s8 =	simm.s32 $0x0;
	s15 =	simm.s32 $0x5000;
	s21 =	smul.u32 $0x4F00, s6  }
0x4: {  	s16 =	simm.s32 $0x7780;
	s2 =	sshrl.u32 s6, $0x2;
	s23 =	smul.u32 $0x5000, s6  }
0x5: {  	s1 =	sand.u32 $0x1, s1;
	s3 =	sshll.u32 s6, $0x8;
	s2 =	smul.u32 $0x14000, s2  }
0x6: {  	[smem:$0x7FF] =	sst s8;
	s6 =	sshll.u32 s6, $0x4;
	s5 =	smul.u32 $0x4F000, s1  }
0x7: {  	s4 =	sshll.u32 s1, $0x7;
	s3 =	sand.u32 $0x300, s3;
	s22 =	smul.u32 $0x50000, s1  }
0x8: {  	_ =	strace $0x80000047;
	s24 =	ssub.s32 $0x2, s1;
	s3 =	sor.u32 s4, s3  }
0x9: {  	s1 =	sshll.u32 s1, $0x8;
	s7 =	sshrl.u32 s24, $0x1;
	s2 =	sor.u32 s2, s3  }
0xa: {  	s4 =	sadd.s32 s21, s5;
	s5 =	ssub.s32 s24, s7;
	s2 =	sshrl.u32 s2, $0x3  }
0xb: {  	s3 =	sadd.s32 s23, s22;
	s31 =	smax.u32 s5, $0x1;
	s2 =	sadd.s32 s2, s0  }
0xc: {  	v1 =	vimm.s32 $0xECA86420;
	v0 =	vimm.f32 $0.0e+00;
	s4 =	sshrl.u32 s4, $0x3;
	[dreg:$0xe] =	wrdreg s31;
	s25 =	sadd.s32 $0x19200, s2  }
0xd: {  	v2 =	vimm.s32 $0x40;
	vm0 =	vcmask $0xB08;
	vm1 =	vcmask $0x1310;
	s4 =	sadd.s32 s4, s0;
	s2 =	sadd.s32 $0x23200, s2;
	[dreg:$0x7] =	wrdreg s25  }
0xe: {  	vm2 =	vcmask $0x1B18;
	vm4 =	vcmask $0x300;
	vm5 =	vcmask $0x2320;
	s3 =	sshrl.u32 s3, $0x3;
	s26 =	sadd.s32 $0x2D200, s4;
	[dreg:$0x8] =	wrdreg s2  }
0xf: {  	vm6 =	vcmask $0x2B28;
	vm7 =	vcmask $0x3330;
	vm8 =	vcmask $0x3B38;
	s3 =	sadd.s32 s3, s0;
	s28 =	sadd.s32 $0x2D210, s4;
	[dreg:$0x9] =	wrdreg s26  }
0x10: {  	v4 =	vlaneseq.u32;
	vm3 =	vmmov $0xff;
	vm11 =	vcmask $0x704;
	s0 =	sadd.s32 s6, s0;
	s29 =	sadd.s32 $0x40E00, s3;
	[dreg:$0xa] =	wrdreg s28  }
0x11: {  	vm12 =	vcmask $0xF0C;
	vm13 =	vcmask $0x1714;
	v3 =	vunpack.c.l.s4.s8 v1;
	s0 =	sadd.s32 s1, s0;
	s30 =	sadd.s32 $0x40E10, s3;
	[dreg:$0xb] =	wrdreg s29  }
0x12: {  	vm14 =	vcmask $0x1F1C;
	vm15 =	vcmask $0x2724;
	vm10 =	vcmask $0x2F2C;
	s1 =	simm.s32 $0x80;
	[dreg:$0xc] =	wrdreg s30;
	s0 =	sadd.s32 $0x54E00, s0  }
0x13: {  	v1 =	vimm.s32 $0x0;
	v4 =	vmul.u32 $0x2, v4;
	v3 =	vunpack.c.0.s8.s32 v3;
	s3 =	simm.s32 $0x1;
	s2 =	simm.s32 $0x0;
	[dreg:$0xd] =	wrdreg s0  }
.LBB2_1:
0x14: {  	[dreg:$0xf] =	wrdreg s2  }
0x15: {  	s0 =	rddreg [dreg:$0x7];
	s30 =	simm.s32 $0x400  }
0x16: {  	[tilespmem:s8], [sflag:$0x1] =	stream.strided.gather [hbm4b:s0+s1], $0x2800, s30, s1, $0x38;
	[tilespmem:$0xEF80] =	vst v63  }
0x17: {  	_ =	swait.ge [sflag:s3], $0x2800  }
0x18: {  	[sflag:s3] =	ssyncset.done $0x0  }
0x19: {  	s4 =	simm.s32 $0x2800;
	s31 =	rddreg [dreg:$0x8];
	[sflag:s3] =	ssyncadd.s32 $0xFFFFD800  }
0x1a: {  	[tilespmem:s4], [sflag:$0x1] =	stream.strided.gather [hbm4b:s31+s1], $0x2800, s30, s1, $0x38;
	[tilespmem:$0xEF80] =	vst v63  }
0x1b: {  	_ =	swait.ge [sflag:s3], $0x2800  }
0x1c: {  	[sflag:s3] =	ssyncset.done $0x0  }
0x1d: {  	s0 =	simm.s32 $0x40;
	s1 =	simm.s32 $0x0;
	[sflag:s3] =	ssyncadd.s32 $0xFFFFD800  }
.LBB2_2:
0x1e: {  	p0 =	sne.s32 s0, $0x9DC0;
	[tilespmem:s1+$0x5000] =	vst v0;
	s2 =	smov.u32 s0;
	s0 =	sadd.s32 $0x40, s0  }
.Ltmp0:
0x1f: {  	[tilespmem:s1+$0x7780] =	vst v0;
	(pc) =	sbr.rel @p0 .LBB2_2-.Ltmp0, $2  }
0x20: {  	_ =	sdelay $0x2  }
0x21: {  	s1 =	sshra.s32 s2, $0x2  }
0x22: {  	[tilespmem:s1+$0x5000] =	vst v0  }
0x23: {  	s22 =	simm.s32 $0x0;
	[tilespmem:s1+$0x7780] =	vst v0;
	s0 =	simm.s32 $0x40;
	s1 =	simm.s32 $0x0  }
.LBB2_4:
0x24: {  	p0 =	sne.s32 s0, $0x9FC0;
	[tilespmem:s1+$0x9F00] =	vst v1;
	s2 =	smov.u32 s0;
	s0 =	sadd.s32 $0x40, s0  }
.Ltmp1:
0x25: {  	[tilespmem:s1+$0xC700] =	vst v2;
	(pc) =	sbr.rel @p0 .LBB2_4-.Ltmp1, $2  }
0x26: {  	_ =	sdelay $0x2  }
0x27: {  	s1 =	sshra.s32 s2, $0x2  }
0x28: {  	[tilespmem:s1+$0x9F00] =	vst v1  }
0x29: {  	[tilespmem:s1+$0xC700] =	vst v2;
	s25 =	simm.s32 $0x0  }
0x2a: {  	v5 =	vld [tilespmem:s25+$0x0];
	_ =	sdelay $0x4  }
0x2b: {  	(v2sf) =	vpush v5, $0x4  }
0x2c: {  	(v2sf) =	vpush v5, $0x3  }
0x2d: {  	(v2sf) =	vpush v5, $0xD;
	_ =	sdelay $0x1  }
0x2e: {  	(v2sf) =	vpush v5, $0x7;
	_ =	sdelay $0x1  }
0x2f: {  	(v2sf) =	vpush v5, $0xC  }
0x30: {  	(v2sf) =	vpush v5, $0x8;
	_ =	sdelay $0x1  }
0x31: {  	(v2sf) =	vpush v5, $0x9  }
0x32: {  	(v2sf) =	vpush v5, $0xE  }
0x33: {  	(v2sf) =	vpush v5, $0x1  }
0x34: {  	(v2sf) =	vpush v5, $0x2;
	_ =	sdelay $0x2  }
0x35: {  	(v2sf) =	vpush v5, $0xA;
	s0 =	spop (v2sf)  }
0x36: {  	(v2sf) =	vpush v5, $0xF;
	s2 =	smulhi.u32 $0x10624DD3, s0;
	s11 =	spop (v2sf)  }
0x37: {  	(v2sf) =	vpush v5, $0xB;
	s4 =	smulhi.u32 $0x10624DD3, s11;
	s3 =	spop (v2sf)  }
0x38: {  	(xrf1) =	vunique.msk.u32 $0xffff, v5;
	s1 =	sshra.s32 s11, $0x1F;
	s6 =	smulhi.u32 $0x10624DD3, s3  }
0x39: {  	(v2sf) =	vpush v5, $0x5;
	s5 =	spop (v2sf);
	s24 =	smul.u32 $0x10624DD3, s1  }
0x3a: {  	(v2sf) =	vpush v5, $0x0;
	s3 =	sshra.s32 s3, $0x1F;
	s12 =	smulhi.u32 $0x10624DD3, s5  }
0x3b: {  	(v2sf) =	vpush v5, $0x6;
	s5 =	sshra.s32 s5, $0x1F;
	s19 =	spop (v2sf);
	s18 =	smul.u32 $0x10624DD3, s3  }
0x3c: {  	s14 =	smul.u32 $0x10624DD3, s5;
	s13 =	spop (v2sf)  }
0x3d: {  	s5 =	smulhi.u32 $0x10624DD3, s13;
	s3 =	sshra.s32 s13, $0x1F  }
0x3e: {  	s20 =	spop (v2sf);
	s26 =	smul.u32 $0x10624DD3, s3  }
0x3f: {  	s28 =	spop (v2sf);
	s29 =	smulhi.u32 $0x10624DD3, s20  }
0x40: {  	s17 =	spop (v2sf);
	s3 =	smulhi.u32 $0x10624DD3, s28  }
0x41: {  	s21 =	spop (v2sf);
	s30 =	smulhi.u32 $0x10624DD3, s17  }
0x42: {  	s23 =	sshra.s32 s17, $0x1F;
	s7 =	smulhi.u32 $0x10624DD3, s21  }
0x43: {  	s6 =	sadd.s32 s18, s6;
	s18 =	sadd.s32 s24, s4;
	s10 =	smul.u32 $0x10624DD3, s23  }
0x44: {  	s31 =	spop (v2sf);
	s1 =	sshra.s32 s21, $0x1F;
	s23 =	smulhi.u32 $0x10624DD3, s19  }
0x45: {  	s20 =	sshra.s32 s20, $0x1F;
	s8 =	spop (v2sf);
	s13 =	smul.u32 $0x10624DD3, s1  }
0x46: {  	_, v6, vm9 =	vpop (xrf1);
	s9 =	spop (v2sf);
	s10 =	sadd.s32 s10, s30;
	s30 =	smulhi.u32 $0x10624DD3, s8  }
0x47: {  	s8 =	sshra.s32 s8, $0x1F;
	s4 =	sadd.s32 s13, s7;
	s13 =	smul.u32 $0x10624DD3, s20  }
0x48: {  	s8 =	smul.u32 $0x10624DD3, s8;
	s17 =	spop (v2sf)  }
0x49: {  	s11 =	sshra.s32 s9, $0x1F;
	s9 =	smulhi.u32 $0x10624DD3, s9;
	s21 =	spop (v2sf)  }
0x4a: {  	v6 =	vcvt.s32.f32 v6;
	s11 =	smul.u32 $0x10624DD3, s11;
	s1 =	spop (v2sf)  }
0x4b: {  	s12 =	sadd.s32 s14, s12;
	s14 =	smulhi.u32 $0x10624DD3, s1;
	s1 =	sshra.s32 s1, $0x1F  }
0x4c: {  	s0 =	sshra.s32 s0, $0x1F;
	[tilespmem:v5+s15+$0x0] =	vst.idx.add.f32.msk vm9, v6;
	s1 =	smul.u32 $0x10624DD3, s1  }
0x4d: {  	v6 =	vld [tilespmem:s25+$0x2800];
	s25 =	sshrl.u32 s6, $0x1F;
	s20 =	smulhi.u32 $0x10624DD3, s21;
	s21 =	sshra.s32 s21, $0x1F  }
0x4e: {  	s24 =	sadd.s32 s1, s14;
	s1 =	sshra.s32 s19, $0x1F;
	s19 =	smul.u32 $0x10624DD3, s0  }
0x4f: {  	s6 =	sshra.s32 s6, $0x6;
	s5 =	sadd.s32 s26, s5;
	s14 =	smul.u32 $0x10624DD3, s21  }
0x50: {  	s0 =	sadd.s32 s13, s29;
	s29 =	sshra.s32 s28, $0x1F;
	s28 =	smulhi.u32 $0x10624DD3, s31  }
0x51: {  	s13 =	sshra.s32 s12, $0x1F;
	s21 =	sshra.s32 s17, $0x1F;
	s17 =	smulhi.u32 $0x10624DD3, s17  }
0x52: {  	s1 =	smul.u32 $0x10624DD3, s1;
	s19 =	sadd.s32 s19, s2;
	s2 =	sadd.s32 s8, s30  }
0x53: {  	s30 =	sshra.s32 s31, $0x1F;
	s7 =	sadd.s32 s14, s20;
	s14 =	sadd.s32 s11, s9  }
0x54: {  	v8 =	vmov s13;
	s9 =	sshra.s32 s10, $0x1F;
	s11 =	smul.u32 $0x10624DD3, s29;
	s29 =	sshra.s32 s7, $0x6  }
0x55: {  	s31 =	smul.u32 $0x10624DD3, s21;
	s26 =	sshrl.u32 s7, $0x1F;
	s7 =	sshra.s32 s7, $0x1F;
	v8 =	vsel vm4, s29, v8  }
0x56: {  	s1 =	sadd.s32 s1, s23;
	s23 =	sshra.s32 s10, $0x6;
	s8 =	smul.u32 $0x10624DD3, s30;
	v8 =	vsel vm11, s7, v8  }
0x57: {  	s21 =	sshrl.u32 s5, $0x1F;
	s5 =	sshra.s32 s5, $0x6;
	s10 =	sshrl.u32 s10, $0x1F;
	v8 =	vsel vm0, s23, v8  }
0x58: {  	vm9 =	vcmask $0x3734;
	s30 =	sshrl.u32 s4, $0x1F;
	v10 =	vmov s5;
	s8 =	sadd.s32 s8, s28;
	s28 =	sshra.s32 s4, $0x6;
	v8 =	vsel vm12, s9, v8  }
0x59: {  	v11 =	vmov s21;
	v7 =	vmov s26;
	s15 =	sshrl.u32 s1, $0x1F;
	s29 =	sshrl.u32 s0, $0x1F;
	s4 =	sshra.s32 s4, $0x1F;
	v8 =	vsel vm1, s28, v8  }
0x5a: {  	s1 =	sshra.s32 s1, $0x6;
	v7 =	vnsel vm4, $0x0, v7;
	v9 =	vmov s15;
	s23 =	sadd.s32 s31, s17;
	s31 =	sshra.s32 s18, $0x6;
	v8 =	vsel vm13, s4, v8  }
0x5b: {  	s3 =	sadd.s32 s11, s3;
	s0 =	sshra.s32 s0, $0x6;
	v11 =	vsel vm0, s29, v11;
	v12 =	vmov s1;
	s9 =	sshra.s32 s18, $0x1F;
	v8 =	vsel vm2, s31, v8  }
0x5c: {  	(xrf1) =	vunique.msk.u32 $0xffff, v6;
	s13 =	sshra.s32 s19, $0x6;
	s11 =	sshrl.u32 s19, $0x1F;
	s26 =	sshrl.u32 s3, $0x1F;
	v10 =	vsel vm0, s0, v10;
	v7 =	vsel vm0, s10, v7;
	v8 =	vsel vm14, s9, v8  }
0x5d: {  	s3 =	sshra.s32 s3, $0x6;
	v9 =	vsel vm0, s25, v9;
	v7 =	vsel vm1, s30, v7;
	s30 =	sshrl.u32 s18, $0x1F;
	s18 =	sshra.s32 s19, $0x1F;
	v8 =	vsel vm5, s13, v8  }
0x5e: {  	v12 =	vsel vm0, s6, v12;
	s10 =	sshrl.u32 s2, $0x1F;
	s15 =	sshrl.u32 s8, $0x1F;
	v9 =	vsel vm1, s26, v9;
	s20 =	sshra.s32 s23, $0x6;
	v8 =	vsel vm15, s18, v8  }
0x5f: {  	s25 =	sshra.s32 s8, $0x6;
	v12 =	vsel vm1, s3, v12;
	v11 =	vsel vm1, s15, v11;
	s19 =	sshrl.u32 s23, $0x1F;
	s23 =	sshra.s32 s23, $0x1F;
	v8 =	vsel vm6, s20, v8  }
0x60: {  	s2 =	sshra.s32 s2, $0x6;
	s26 =	sshra.s32 s14, $0x6;
	v10 =	vsel vm1, s25, v10;
	v7 =	vsel vm2, s30, v7;
	s28 =	sshra.s32 s24, $0x6;
	v8 =	vsel vm10, s23, v8  }
0x61: {  	v12 =	vsel vm2, s2, v12;
	v10 =	vsel vm2, s26, v10;
	s30 =	sshra.s32 s24, $0x1F;
	v8 =	vsel vm7, s28, v8  }
0x62: {  	s17 =	sshrl.u32 s14, $0x1F;
	v9 =	vsel vm2, s10, v9;
	v10 =	vcombine.low v10, v12;
	s31 =	sshra.s32 s12, $0x6;
	v8 =	vsel vm9, s30, v8  }
0x63: {  	v11 =	vsel vm2, s17, v11;
	v7 =	vsel vm5, s11, v7;
	v8 =	vsel vm8, s31, v8  }
0x64: {  	s21 =	sshrl.u32 s24, $0x1F;
	v7 =	vsel vm6, s19, v7;
	v10 =	vperm.xlane v10, v3;
	v8 =	vperm.xlane v8, v4  }
0x65: {  	s29 =	sshrl.u32 s12, $0x1F;
	v9 =	vcombine.low v11, v9;
	v7 =	vsel vm7, s21, v7  }
0x66: {  	v7 =	vsel vm8, s29, v7;
	v8 =	vsel vm3, v8, v10  }
0x67: {  	v9 =	vperm.xlane v9, v3;
	v7 =	vperm.xlane v7, v4;
	_ =	sdelay $0x1  }
0x68: {  	v7 =	vsel vm3, v7, v9  }
0x69: {  	v9 =	vimm.s32 $0x0;
	v7 =	vadd.s32 v7, v8;
	_, v8, vm9 =	vpop (xrf1)  }
0x6a: {  	v11 =	vimm.s32 $0x0;
	v9 =	vsel vm9, $0xFFFFFFFF, v9;
	vm9 =	vlt.s32 v5, $0x1  }
0x6b: {  	[tilespmem:$0x1FFF0] =	vst v9;
	v9 =	vmul.u32 $0xFFFFFC18, v7;
	v11 =	vsel vm9, $0xFFFFFFFF, v11  }
0x6c: {  	v10 =	vsub.s32 $0x0, v5;
	[tilespmem:$0x1FFE0] =	vst v11  }
0x6d: {  	vm9 =	vne.s32 v9, v10;
	v9 =	vld [tilespmem:$0x1FFE0];
	_ =	sdelay $0x4  }
0x6e: {  	vm10 =	vnez.u8 v9  }
0x6f: {  	vm9 =	vmand vm10, vm9  }
0x70: {  	v9 =	vsel vm9, $0xFFFFFFFF, v1  }
0x71: {  	v7 =	vadd.s32 v9, v7;
	v9 =	vld [tilespmem:$0x1FFF0];
	_ =	sdelay $0x4  }
0x72: {  	vm9 =	vnez.u8 v9;
	_ =	sdelay $0x3  }
0x73: {  	v8 =	vcvt.s32.f32 v8;
	_ =	sdelay $0x1  }
0x74: {  	s19 =	simm.s32 $0x40;
	[tilespmem:v6+s16+$0x0] =	vst.idx.add.f32.msk vm9, v8;
	v8 =	vmul.u32 $0xFFFFFC18, v7  }
.LBB2_6:
0x75: {  	_ = 	snop  }
0x76: {  	v8 =	vadd.s32 v5, v8  }
0x77: {  	vm9 =	vlt.s32 v5, $0x1F40;
	vm10 =	vlt.s32 v8, $0x8  }
0x78: {  	v5 =	vshll.u32 v7, $0x3;
	vm9 =	vmand vm9, vm10  }
0x79: {  	s0 =	smov.u32 s19;
	v5 =	vadd.s32 v5, v8;
	[tilespmem:s22+$0x9F00] =	vst.msk vm9, v6  }
0x7a: {  	s25 =	sshra.s32 s0, $0x2;
	[tilespmem:s22+$0xC700] =	vst.msk vm9, v5  }
0x7b: {  	v5 =	vld [tilespmem:s25+$0x0]  }
0x7c: {  	v6 =	vmpcnt.ones.xlane vm9;
	_ =	sdelay $0x1  }
0x7d: {  	v6 =	vxor.u32 $0x80000000, v6  }
0x7e: {  	(xrf0) =	vmax.scan.msk.u32 $0xffff, v6  }
0x7f: {  	(v2sf) =	vpush v5, $0x4  }
0x80: {  	(v2sf) =	vpush v5, $0x3  }
0x81: {  	(v2sf) =	vpush v5, $0xD;
	_ =	sdelay $0x1  }
0x82: {  	(v2sf) =	vpush v5, $0x7  }
0x83: {  	v6, _, _ =	vpop (xrf0)  }
0x84: {  	(v2sf) =	vpush v6, $0xF  }
0x85: {  	(v2sf) =	vpush v5, $0xC  }
0x86: {  	(v2sf) =	vpush v5, $0x8;
	_ =	sdelay $0x1  }
0x87: {  	(v2sf) =	vpush v5, $0x9;
	_ =	sdelay $0x1  }
0x88: {  	(v2sf) =	vpush v5, $0xE;
	_ =	sdelay $0x1  }
0x89: {  	(v2sf) =	vpush v5, $0x1  }
0x8a: {  	s1 =	spop (v2sf)  }
0x8b: {  	(v2sf) =	vpush v5, $0x2;
	s29 =	smulhi.u32 $0x10624DD3, s1;
	s2 =	spop (v2sf)  }
0x8c: {  	s0 =	smulhi.u32 $0x10624DD3, s2;
	s3 =	spop (v2sf)  }
0x8d: {  	(v2sf) =	vpush v5, $0xA;
	s6 =	sshra.s32 s2, $0x1F;
	s4 =	smulhi.u32 $0x10624DD3, s3  }
0x8e: {  	s5 =	spop (v2sf);
	s31 =	smul.u32 $0x10624DD3, s6  }
0x8f: {  	(v2sf) =	vpush v5, $0xF;
	s3 =	sshra.s32 s3, $0x1F;
	s15 =	smulhi.u32 $0x10624DD3, s5  }
0x90: {  	(v2sf) =	vpush v5, $0xB;
	s5 =	sshra.s32 s5, $0x1F;
	s17 =	spop (v2sf);
	s3 =	smul.u32 $0x10624DD3, s3  }
0x91: {  	s16 =	smul.u32 $0x10624DD3, s5;
	s7 =	spop (v2sf)  }
0x92: {  	s18 =	spop (v2sf);
	s2 =	sshra.s32 s7, $0x1F;
	s7 =	smulhi.u32 $0x10624DD3, s7  }
0x93: {  	(v2sf) =	vpush v5, $0x5;
	s5 =	sadd.s32 s17, s22;
	s21 =	smulhi.u32 $0x10624DD3, s18;
	s22 =	sshra.s32 s18, $0x1F  }
0x94: {  	(v2sf) =	vpush v5, $0x0;
	s8 =	spop (v2sf);
	s23 =	smul.u32 $0x10624DD3, s22  }
0x95: {  	(v2sf) =	vpush v5, $0x6;
	s24 =	sadd.s32 s16, s15;
	s9 =	sshra.s32 s8, $0x1F;
	s12 =	smulhi.u32 $0x10624DD3, s8  }
0x96: {  	s26 =	sshra.s32 s24, $0x1F;
	s30 =	spop (v2sf);
	[dreg:$0x4] =	wrdreg s21  }
0x97: {  	(xrf1) =	vunique.msk.u32 $0xffff, v5;
	[dreg:$0x5] =	wrdreg s26;
	s6 =	sshra.s32 s30, $0x1F;
	s30 =	smulhi.u32 $0x10624DD3, s30  }
0x98: {  	s22 =	spop (v2sf);
	s9 =	smul.u32 $0x10624DD3, s9  }
0x99: {  	[dreg:$0x6] =	wrdreg s23;
	s23 =	smulhi.u32 $0x10624DD3, s22  }
0x9a: {  	s26 =	sadd.s32 s3, s4;
	s10 =	spop (v2sf);
	s6 =	smul.u32 $0x10624DD3, s6  }
0x9b: {  	s3 =	sadd.s32 s31, s0;
	s4 =	sshra.s32 s22, $0x1F;
	s11 =	smulhi.u32 $0x10624DD3, s10  }
0x9c: {  	s0 =	sshra.s32 s3, $0x6;
	s13 =	spop (v2sf);
	[dreg:$0x2] =	wrdreg s30  }
0x9d: {  	s4 =	smul.u32 $0x10624DD3, s4;
	s10 =	sshra.s32 s10, $0x1F;
	[dreg:$0x3] =	wrdreg s0  }
0x9e: {  	s20 =	sadd.s32 $0x80000000, s5;
	s17 =	spop (v2sf);
	s0 =	smul.u32 $0x10624DD3, s10  }
0x9f: {  	s21 =	sshra.s32 s17, $0x1F;
	s18 =	spop (v2sf);
	s17 =	smulhi.u32 $0x10624DD3, s17  }
0xa0: {  	s5 =	sshra.s32 s13, $0x1F;
	s14 =	sshra.s32 s18, $0x1F;
	s30 =	smulhi.u32 $0x10624DD3, s18  }
0xa1: {  	s10 =	sshra.s32 s3, $0x1F;
	s8 =	sadd.s32 s4, s23;
	s16 =	smul.u32 $0x10624DD3, s14  }
0xa2: {  	s18 =	sshrl.u32 s3, $0x1F;
	s14 =	smulhi.u32 $0x10624DD3, s13;
	s15 =	spop (v2sf)  }
0xa3: {  	s4 =	sshra.s32 s15, $0x1F;
	s13 =	spop (v2sf);
	s15 =	smulhi.u32 $0x10624DD3, s15  }
0xa4: {  	s3 =	sadd.s32 s0, s11;
	s11 =	smulhi.u32 $0x10624DD3, s13;
	s31 =	spop (v2sf)  }
0xa5: {  	_, v6, vm9 =	vpop (xrf1);
	s28 =	sshra.s32 s1, $0x1F;
	s1 =	smulhi.u32 $0x10624DD3, s31  }
0xa6: {  	s23 =	sshra.s32 s31, $0x1F;
	s31 =	smul.u32 $0x10624DD3, s28  }
0xa7: {  	s0 =	smul.u32 $0x10624DD3, s23  }
0xa8: {  	s22 =	sshra.s32 s13, $0x1F;
	s13 =	sshra.s32 s8, $0x6;
	s4 =	smul.u32 $0x10624DD3, s4  }
0xa9: {  	v6 =	vcvt.s32.f32 v6;
	s29 =	sadd.s32 s31, s29;
	s31 =	smul.u32 $0x10624DD3, s2;
	s28 =	sadd.s32 s0, s1  }
0xaa: {  	s0 =	smul.u32 $0x10624DD3, s21;
	s1 =	sadd.s32 s9, s12;
	s12 =	simm.s32 $0x5000  }
0xab: {  	s21 =	smul.u32 $0x10624DD3, s22;
	s22 =	smov.u32 s20;
	s20 =	rddreg [dreg:$0x6];
	[tilespmem:v5+s12+$0x0] =	vst.idx.add.f32.msk vm9, v6  }
0xac: {  	s7 =	sadd.s32 s31, s7;
	v6 =	vld [tilespmem:s25+$0x2800];
	s2 =	sadd.s32 s0, s17;
	s17 =	sshrl.u32 s1, $0x1F  }
0xad: {  	s25 =	sshra.s32 s1, $0x6;
	s1 =	sadd.s32 s16, s30;
	s16 =	rddreg [dreg:$0x4]  }
0xae: {  	s31 =	rddreg [dreg:$0x5];
	s9 =	sadd.s32 s21, s11;
	s11 =	sadd.s32 s20, s16  }
0xaf: {  	vm9 =	vcmask $0x2F2C;
	v8 =	vmov s31;
	s21 =	sshrl.u32 s9, $0x1F;
	s30 =	sshra.s32 s9, $0x6;
	s20 =	sshra.s32 s7, $0x6  }
0xb0: {  	s31 =	rddreg [dreg:$0x2];
	s9 =	sshra.s32 s9, $0x1F;
	v7 =	vmov s21;
	s21 =	sshrl.u32 s7, $0x1F;
	v8 =	vsel vm4, s30, v8;
	v12 =	vmov s20  }
0xb1: {  	s6 =	sadd.s32 s6, s31;
	s31 =	sshra.s32 s26, $0x6;
	s12 =	sshrl.u32 s11, $0x1F;
	v7 =	vnsel vm4, $0x0, v7;
	v8 =	vsel vm11, s9, v8;
	v9 =	vmov s21;
	(xrf1) =	vunique.msk.u32 $0xffff, v6  }
0xb2: {  	s23 =	sshra.s32 s8, $0x1F;
	s8 =	sshrl.u32 s8, $0x1F;
	s30 =	sshrl.u32 s26, $0x1F;
	v11 =	vmov s12;
	v12 =	vsel vm0, s31, v12;
	v8 =	vsel vm0, s13, v8  }
0xb3: {  	s0 =	sshrl.u32 s3, $0x1F;
	s16 =	smul.u32 $0x10624DD3, s5;
	v7 =	vsel vm0, s8, v7;
	v9 =	vsel vm0, s30, v9;
	v8 =	vsel vm12, s23, v8;
	s23 =	sshra.s32 s3, $0x6  }
0xb4: {  	s21 =	sshrl.u32 s6, $0x1F;
	s8 =	sshra.s32 s11, $0x6;
	v11 =	vsel vm0, s17, v11;
	v7 =	vsel vm1, s0, v7;
	s3 =	sshra.s32 s3, $0x1F;
	v8 =	vsel vm1, s23, v8  }
0xb5: {  	s9 =	rddreg [dreg:$0x3];
	s30 =	sadd.s32 s16, s14;
	v10 =	vmov s8;
	v9 =	vsel vm1, s21, v9;
	s8 =	sshra.s32 s6, $0x6;
	v8 =	vsel vm13, s3, v8  }
0xb6: {  	s4 =	sadd.s32 s4, s15;
	s12 =	sshrl.u32 s2, $0x1F;
	s15 =	sshrl.u32 s30, $0x1F;
	v7 =	vsel vm2, s18, v7;
	v12 =	vsel vm1, s8, v12;
	v8 =	vsel vm2, s9, v8  }
0xb7: {  	s13 =	sshrl.u32 s29, $0x1F;
	s14 =	sshra.s32 s29, $0x6;
	v9 =	vsel vm2, s12, v9;
	v11 =	vsel vm1, s15, v11;
	v8 =	vsel vm14, s10, v8  }
0xb8: {  	s5 =	sshrl.u32 s1, $0x1F;
	s2 =	sshra.s32 s2, $0x6;
	s11 =	sshra.s32 s29, $0x1F;
	v10 =	vsel vm0, s25, v10;
	v7 =	vsel vm5, s13, v7;
	v8 =	vsel vm5, s14, v8  }
0xb9: {  	s17 =	sshrl.u32 s4, $0x1F;
	s26 =	sshra.s32 s30, $0x6;
	s18 =	sshra.s32 s4, $0x6;
	v12 =	vsel vm2, s2, v12;
	v11 =	vsel vm2, s5, v11;
	v8 =	vsel vm15, s11, v8  }
0xba: {  	s1 =	sshra.s32 s1, $0x6;
	s21 =	sshra.s32 s4, $0x1F;
	v10 =	vsel vm1, s26, v10;
	v7 =	vsel vm6, s17, v7;
	v8 =	vsel vm6, s18, v8  }
0xbb: {  	s20 =	sshrl.u32 s28, $0x1F;
	s29 =	sshra.s32 s28, $0x6;
	v9 =	vcombine.low v11, v9;
	v10 =	vsel vm2, s1, v10;
	v8 =	vsel vm9, s21, v8  }
0xbc: {  	s30 =	sshra.s32 s28, $0x1F;
	s23 =	sshrl.u32 s24, $0x1F;
	v7 =	vsel vm7, s20, v7;
	vm9 =	vcmask $0x3734;
	v8 =	vsel vm7, s29, v8  }
0xbd: {  	s31 =	sshra.s32 s24, $0x6;
	v10 =	vcombine.low v10, v12;
	v7 =	vsel vm8, s23, v7;
	v8 =	vsel vm9, s30, v8  }
0xbe: {  	v9 =	vperm.xlane v9, v3;
	v7 =	vperm.xlane v7, v4;
	v8 =	vsel vm8, s31, v8  }
0xbf: {  	v10 =	vperm.xlane v10, v3;
	v8 =	vperm.xlane v8, v4;
	_, v11, vm9 =	vpop (xrf1);
	_ =	sdelay $0x1  }
0xc0: {  	v7 =	vsel vm3, v7, v9;
	v8 =	vsel vm3, v8, v10  }
0xc1: {  	v7 =	vadd.s32 v7, v8  }
0xc2: {  	v11 =	vcvt.s32.f32 v11;
	v8 =	vmul.u32 $0xFFFFFC18, v7  }
0xc3: {  	p0 =	sne.s32 s19, $0x9FC0;
	s16 =	simm.s32 $0x7780;
	v9 =	vsub.s32 $0x0, v5  }
.Ltmp2:
0xc4: {  	vm10 =	vne.s32 v8, v9;
	[tilespmem:v6+s16+$0x0] =	vst.idx.add.f32.msk vm9, v11;
	vm9 =	vlt.s32 v5, $0x1;
	(pc) =	sbr.rel @p0 .LBB2_6-.Ltmp2, $4  }
0xc5: {  	vm9 =	vmand vm9, vm10  }
0xc6: {  	v8 =	vsel vm9, $0xFFFFFFFF, v1  }
0xc7: {  	v7 =	vadd.s32 v8, v7  }
0xc8: {  	s19 =	sadd.s32 $0x40, s19;
	v8 =	vmul.u32 $0xFFFFFC18, v7  }
0xc9: {  	_ = 	snop  }
0xca: {  	v8 =	vadd.s32 v5, v8  }
0xcb: {  	vm9 =	vlt.s32 v5, $0x1F40;
	vm10 =	vlt.s32 v8, $0x8  }
0xcc: {  	vm9 =	vmand vm9, vm10  }
0xcd: {  	v5 =	vmpcnt.ones.xlane vm9;
	_ =	sdelay $0x1  }
0xce: {  	v5 =	vxor.u32 $0x80000000, v5  }
0xcf: {  	(xrf0) =	vmax.scan.msk.u32 $0xffff, v5;
	_ =	sdelay $0x5  }
0xd0: {  	v5, _, _ =	vpop (xrf0)  }
0xd1: {  	(v2sf) =	vpush v5, $0xF;
	_ =	sdelay $0xe  }
0xd2: {  	s0 =	spop (v2sf)  }
0xd3: {  	v5 =	vshll.u32 v7, $0x3;
	s0 =	sadd.s32 s0, s22  }
0xd4: {  	[tilespmem:s22+$0x9F00] =	vst.msk vm9, v6;
	v5 =	vadd.s32 v5, v8;
	s0 =	sadd.s32 $0x80000000, s0  }
0xd5: {  	s1 =	simm.s32 $0x80;
	[tilespmem:s22+$0xC700] =	vst.msk vm9, v5;
	v5 =	vmov s0  }
0xd6: {  	s2 =	simm.s32 $0x100;
	s3 =	simm.s32 $0x5000;
	s22 =	rddreg [dreg:$0x9];
	[tilespmem:$0xEF00] =	vst v5  }
0xd7: {  	[hbm4b:s22+s1] =	stream.strided.scatter [tilespmem:s3], [sflag:$0x1], $0x2780, s2, s1, $0x38;
	[tilespmem:$0xEF80] =	vst v63  }
0xd8: {  	s3 =	simm.s32 $0x1  }
0xd9: {  	_ =	swait.ge [sflag:s3], $0x2780  }
0xda: {  	[sflag:s3] =	ssyncset.done $0x0  }
0xdb: {  	s23 =	rddreg [dreg:$0xa];
	[sflag:s3] =	ssyncadd.s32 $0xFFFFD880  }
0xdc: {  	[hbm4b:s23+s1] =	stream.strided.scatter [tilespmem:s16], [sflag:$0x1], $0x2780, s2, s1, $0x38;
	[tilespmem:$0xEF80] =	vst v63  }
0xdd: {  	_ =	swait.ge [sflag:s3], $0x2780  }
0xde: {  	[sflag:s3] =	ssyncset.done $0x0  }
0xdf: {  	s4 =	simm.s32 $0x9F00;
	s24 =	rddreg [dreg:$0xb];
	[sflag:s3] =	ssyncadd.s32 $0xFFFFD880  }
0xe0: {  	[hbm4b:s24+s1] =	stream.strided.scatter [tilespmem:s4], [sflag:$0x1], $0x2800, s2, s1, $0x38;
	[tilespmem:$0xEF80] =	vst v63  }
0xe1: {  	_ =	swait.ge [sflag:s3], $0x2800  }
0xe2: {  	[sflag:s3] =	ssyncset.done $0x0  }
0xe3: {  	s26 =	simm.s32 $0xC700;
	s25 =	rddreg [dreg:$0xc];
	[sflag:s3] =	ssyncadd.s32 $0xFFFFD800  }
0xe4: {  	[hbm4b:s25+s1] =	stream.strided.scatter [tilespmem:s26], [sflag:$0x1], $0x2800, s2, s1, $0x38;
	[tilespmem:$0xEF80] =	vst v63  }
0xe5: {  	_ =	swait.ge [sflag:s3], $0x2800  }
0xe6: {  	s8 =	simm.s32 $0x0;
	[sflag:s3] =	ssyncset.done $0x0  }
0xe7: {  	s29 =	simm.s32 $0xEF00;
	s28 =	rddreg [dreg:$0xd];
	[sflag:s3] =	ssyncadd.s32 $0xFFFFD800  }
0xe8: {  	[hbm4b:s28+s8] =	stream.linear.scatter [tilespmem:s29], [sflag:$0x1], $0x80, $0x38;
	[tilespmem:$0xEF80] =	vst v63  }
0xe9: {  	_ =	swait.ge [sflag:s3], $0x80  }
0xea: {  	s30 =	rddreg [dreg:$0xf]  }
0xeb: {  	s31 =	rddreg [dreg:$0xe];
	s2 =	sadd.s32 $0x1, s30  }
0xec: {  	p0 =	sne.s32 s2, s31  }
.Ltmp3:
0xed: {  	_ = 	snop;
	(pc) =	sbr.rel @p0 .LBB2_1-.Ltmp3, $3  }
0xee: {  	_ =	sdelay $0x1  }
0xef: {  	[sflag:s3] =	ssyncset.done $0x0  }
0xf0: {  	s15 =	simm.s32 $0x5000;
	vm10 =	vcmask $0x2F2C;
	[sflag:s3] =	ssyncadd.s32 $0xFFFFFF80  }
0xf1: {  	_ =	sfence.sel $0x180000  }
0xf2: {  	[bflag:$0x0] =	sbarrier.arrive $0xFFFF  }
0xf3: {  	_ =	strace $0x90000047  }
0xf4: {  	s0 =	stileid.u32;
	[bflag:$0x2] =	sbarrier.arrive $0xFFFF  }
0xf5: {  	p0 =	sne.s32 s0, $0x0;
	s0 =	rddreg [dreg:$0x1]  }
0xf6: {  	s0 =	sadd.s32 @!p0 $0x100000, s0  }
0xf7: {  	[sflag:s0] =	ssyncadd.tile.s32 @!p0 $0x1;
	_ =	shalt  }
.Lfunc_end2:
_tile_overlayer_lowered:
.L_overlay_start_2:
0xf8: {  	(tag) =	ssettag $0x2  }
0xf9: {  	s0 =	rddreg [dreg:$0x0];
	s2 =	stileid.u32  }
0xfa: {  	s1 =	rddreg [dreg:$0x1];
	p0 =	sne.s32 s2, $0x0  }
0xfb: {  	s3 =	rddreg [dreg:$0x2];
	[bflag:$0x3] =	sbarrier.arrive $0xFFFF;
	s2 =	simm.s32 @!p0 $0x1C01  }
0xfc: {  	[timem:s3], [sflag:s2] =	dma.local @!p0 [hbm:s0], s1  }
0xfd: {  	s0 =	simm.s32 @!p0 $0x1  }
0xfe: {  	_ =	swait.ge @!p0 [sflag:s0], s1  }
0xff: {  	s1 =	ssub.s32 @!p0 $0x0, s1;
	[sflag:s0] =	ssyncset.done @!p0 $0x0  }
0x100: {  	[sflag:s0] =	ssyncadd.s32 @!p0 s1  }
0x101: {  	[bflag:$0x3] =	sbarrier.arrive $0xFFFF  }
0x102: {  	_ =	shalt  }

// kernel: kernel.16.cloned.1.call-start
scs
__scs_entry_jumppad:
0x0: {  	(pc) =	sbr.rel $0x88, $3  }
0x1: {  	(tag) =	ssettag $0x0;
	lr =	simm.s32 $0x1  }
0x2: {  	[smem:$0x3F99] =	sst lr;
	_ =	strace $0xD0000000  }
0x3: {  	_ = 	snop  }
0x4: {  	_ = 	snop  }
0x5: {  	_ = 	snop  }
0x6: {  	_ = 	snop  }
0x7: {  	_ = 	snop  }
__scs_overlays_trampoline_lowered:
0x8: {  	[smem:$0x3FA8] =	sst s0  }
0x9: {  	[smem:$0x3FA9] =	sst s1  }
0xa: {  	[smem:$0x3FAA] =	sst s2  }
0xb: {  	[smem:$0x3FAB] =	sst s3  }
0xc: {  	[smem:$0x3FAC] =	sst s4  }
0xd: {  	[smem:$0x3FAD] =	sst s5  }
0xe: {  	[smem:$0x3FAE] =	sst s6  }
0xf: {  	[smem:$0x3FAF] =	sst s7  }
0x10: {  	[smem:$0x3FB0] =	sst s8  }
0x11: {  	[smem:$0x3FB1] =	sst s9;
	s0 =	simm.s32 @!p0 $0x0  }
0x12: {  	s1 =	sld [smem:$0x3F97];
	s0 =	simm.s32 @p0 $0x1  }
0x13: {  	[smem:$0x3FB2] =	sst s0;
	s0 =	simm.s32 @!p1 $0x0  }
0x14: {  	s2 =	sld [smem:$0x3F96];
	s0 =	simm.s32 @p1 $0x1  }
0x15: {  	[smem:$0x3FB3] =	sst s0;
	s0 =	simm.s32 @!p2 $0x0  }
0x16: {  	s3 =	sld [smem:$0x3FDB];
	s0 =	simm.s32 @p2 $0x1  }
0x17: {  	s4 =	simm.s32 $0x1BF5;
	[smem:$0x3FB5] =	sst s0  }
0x18: {  	s0 =	sld [smem:$0x3F98];
	_ =	swait.ge [sflag:s4], $0x0  }
0x19: {  	s7 =	sld [smem:$0x3F99]  }
0x1a: {  	s8 =	sadd.s32 $0xFFFFE003, lr  }
0x1b: {  	s9 =	sadd.s32 $0xFFFFFEF7, lr;
	s5 =	simm.s32 $0xFFFFFFFF;
	p2 =	slt.u32 s8, $0xFFFFF086  }
0x1c: {  	p1 =	slt.u32 s9, $0xF7A;
	s5 =	simm.s32 @!p2 $0x0  }
0x1d: {  	s5 =	simm.s32 @p1 $0x1;
	p0 =	seq.s32 s7, s2  }
0x1e: {  	s7 =	smul.u32 @!p0 $0xF7A, s2;
	p2 =	seq.s32 @!p0 s5, $0x0  }
0x1f: {  	s9 =	smul.u32 $0xF7A, s1;
	s8 =	simm.s32 @!p0 $0x1BF5;
	p2 =	por !p2, p0  }
0x20: {  	[sflag:s8] =	ssyncset.s32 @!p0 $0xFFFFF086;
	s6 =	sadd.s32 @!p0 s3, s7;
	s7 =	simm.s32 @!p0 $0x108  }
0x21: {  	s3 =	sadd.s32 s3, s9;
	s6 =	sadd.s32 @!p0 $0x88, s6;
	s7 =	simm.s32 @p2 $0x1082  }
0x22: {  	[simem:s7], [sflag:s8] =	dma.local @!p0 [hbm:s6], $0xF7A  }
0x23: {  	s9 =	sor.u32 $0xD0000000, s2;
	s6 =	simm.s32 $0x108;
	_ =	swait.ge @!p0 [sflag:s8], $0x0  }
0x24: {  	s3 =	sadd.s32 $0x88, s3;
	s6 =	simm.s32 @!p1 $0x1082;
	[sflag:s4] =	ssyncset.s32 $0xFFFFF086  }
0x25: {  	[simem:s6], [sflag:s4] =	dma.local [hbm:s3], $0xF7A  }
0x26: {  	[smem:$0x3F99] =	sst s1;
	(tag) =	ssettag s2;
	_ =	strace s9  }
0x27: {  	s1 =	sld [smem:$0x3FA9]  }
0x28: {  	s2 =	sld [smem:$0x3FAA]  }
0x29: {  	s4 =	sld [smem:$0x3FAC]  }
0x2a: {  	p0 =	seq.s32 s5, $0x0;
	s5 =	sld [smem:$0x3FAD]  }
0x2b: {  	s6 =	sld [smem:$0x3FAE]  }
0x2c: {  	s7 =	sld [smem:$0x3FAF]  }
0x2d: {  	s3 =	simm.s32 $0x108;
	s8 =	sld [smem:$0x3FB0]  }
0x2e: {  	s3 =	simm.s32 @!p0 $0x1082;
	s9 =	sld [smem:$0x3FB1]  }
0x2f: {  	lr =	sadd.s32 s0, s3;
	s0 =	sld [smem:$0x3FA8]  }
0x30: {  	s3 =	sld [smem:$0x3FAB]  }
0x31: {  	[smem:$0x3FB4] =	sst s10  }
0x32: {  	s10 =	sld [smem:$0x3FB2];
	_ =	sdelay $0x3  }
0x33: {  	p0 =	seq.s32 s10, $0x1;
	s10 =	sld [smem:$0x3FB4];
	_ =	sdelay $0x3  }
0x34: {  	[smem:$0x3FB4] =	sst s10  }
0x35: {  	s10 =	sld [smem:$0x3FB3];
	_ =	sdelay $0x3  }
0x36: {  	p1 =	seq.s32 s10, $0x1;
	s10 =	sld [smem:$0x3FB4];
	_ =	sdelay $0x3  }
0x37: {  	[smem:$0x3FB4] =	sst s10  }
0x38: {  	s10 =	sld [smem:$0x3FB5]  }
0x39: {  	_ = 	snop;
	(pc) =	sbr.ind lr, $3  }
0x3a: {  	_ = 	snop  }
0x3b: {  	_ = 	snop  }
0x3c: {  	p2 =	seq.s32 s10, $0x1;
	s10 =	sld [smem:$0x3FB4]  }
0x3d: {  	_ =	shalt  }
0x3e: {  	_ =	shalt  }
0x3f: {  	_ =	shalt  }
0x40: {  	_ =	shalt  }
0x41: {  	_ =	shalt  }
0x42: {  	_ =	shalt  }
0x43: {  	_ =	shalt  }
0x44: {  	_ =	shalt  }
0x45: {  	_ =	shalt  }
0x46: {  	_ =	shalt  }
0x47: {  	_ =	shalt  }
0x48: {  	_ =	shalt  }
0x49: {  	_ =	shalt  }
0x4a: {  	_ =	shalt  }
0x4b: {  	_ =	shalt  }
0x4c: {  	_ =	shalt  }
0x4d: {  	_ =	shalt  }
0x4e: {  	_ =	shalt  }
0x4f: {  	_ =	shalt  }
0x50: {  	_ =	shalt  }
0x51: {  	_ =	shalt  }
0x52: {  	_ =	shalt  }
0x53: {  	_ =	shalt  }
0x54: {  	_ =	shalt  }
0x55: {  	_ =	shalt  }
0x56: {  	_ =	shalt  }
0x57: {  	_ =	shalt  }
0x58: {  	_ =	shalt  }
0x59: {  	_ =	shalt  }
0x5a: {  	_ =	shalt  }
0x5b: {  	_ =	shalt  }
0x5c: {  	_ =	shalt  }
0x5d: {  	_ =	shalt  }
0x5e: {  	_ =	shalt  }
0x5f: {  	_ =	shalt  }
0x60: {  	_ =	shalt  }
0x61: {  	_ =	shalt  }
0x62: {  	_ =	shalt  }
0x63: {  	_ =	shalt  }
0x64: {  	_ =	shalt  }
0x65: {  	_ =	shalt  }
0x66: {  	_ =	shalt  }
0x67: {  	_ =	shalt  }
0x68: {  	_ =	shalt  }
0x69: {  	_ =	shalt  }
0x6a: {  	_ =	shalt  }
0x6b: {  	_ =	shalt  }
0x6c: {  	_ =	shalt  }
0x6d: {  	_ =	shalt  }
0x6e: {  	_ =	shalt  }
0x6f: {  	_ =	shalt  }
0x70: {  	_ =	shalt  }
0x71: {  	_ =	shalt  }
0x72: {  	_ =	shalt  }
0x73: {  	_ =	shalt  }
0x74: {  	_ =	shalt  }
0x75: {  	_ =	shalt  }
0x76: {  	_ =	shalt  }
0x77: {  	_ =	shalt  }
0x78: {  	_ =	shalt  }
0x79: {  	_ =	shalt  }
0x7a: {  	_ =	shalt  }
0x7b: {  	_ =	shalt  }
0x7c: {  	_ =	shalt  }
0x7d: {  	_ =	shalt  }
0x7e: {  	_ =	shalt  }
0x7f: {  	_ =	shalt  }
0x80: {  	_ =	shalt  }
0x81: {  	_ =	shalt  }
0x82: {  	_ =	shalt  }
0x83: {  	_ =	shalt  }
0x84: {  	_ =	shalt  }
0x85: {  	_ =	shalt  }
0x86: {  	_ =	shalt  }
0x87: {  	_ =	shalt  }
.Lfunc_end0:
.L_simem_size_0:
called_computation.1_lowered:
.L_overlay_start_0:
0x88: {  	s2 =	sld [smem:$0x3FD9]  }
0x89: {  	s3 =	sld [smem:$0x3FFE];
	_ =	sdelay $0x1  }
0x8a: {  	s1 =	srdreg.scid  }
0x8b: {  	s0 =	sand.u32 $0x1, s1  }
0x8c: {  	s17 =	sshll.u32 s0, $0xA;
	s2 =	sadd.s32 s3, s2  }
0x8d: {  	s2 =	sadd.s32 s2, s17  }
0x8e: {  	[smem:$0x3FC0] =	sst s2  }
0x8f: {  	_ = 	snop  }
0x90: {  	(tm) =	ssettm $0x1  }
0x91: {  	s18 =	sld [smem:$0x3FFB];
	_ =	sdelay $0x3  }
0x92: {  	_ =	strace s18  }
0x93: {  	s2 =	sld [smem:$0x3FFC];
	_ =	sdelay $0x3  }
0x94: {  	_ =	strace s2  }
0x95: {  	s2 =	sld [smem:$0x3FFD];
	_ =	sdelay $0x3  }
0x96: {  	_ =	strace s2  }
0x97: {  	_ =	strace $0x8FFFFFFF  }
0x98: {  	s19 =	sld [smem:$0x3FDB];
	_ =	sdelay $0x1  }
0x99: {  	s20 =	simm.s32 $_scs_section_size  }
0x9a: {  	s4 =	simm.s32 $_size__tile_overlayer_lowered;
	s5 =	simm.s32 $_tile_overlayer_lowered  }
0x9b: {  	s6 =	simm.s32 $0x1BFF;
	s21 =	sshll.u32 s5, $0x1;
	s3 =	sadd.s32 s20, s19  }
0x9c: {  	s22 =	simm.s32 $0x0;
	s4 =	sshll.u32 s4, $0x1;
	s5 =	sadd.s32 s21, s3  }
0x9d: {  	[timem:s22], [sflag:s6] =	dma.local [hbm:s5], s4  }
0x9e: {  	_ =	swait.ge [sflag:s6], s4  }
0x9f: {  	s4 =	ssub.s32 $0x0, s4;
	[sflag:s6] =	ssyncset.done $0x0  }
0xa0: {  	[sflag:s6] =	ssyncadd.s32 s4;
	_ =	sdelay $0x1  }
0xa1: {  	s23 =	simm.s32 $0x1B8B  }
0xa2: {  	_ =	swait.ge [sflag:s23], $0x1  }
0xa3: {  	[sflag:s23] =	ssyncset.done $0x0  }
0xa4: {  	[sflag:s23] =	ssyncadd.s32 $0xFFFFFFFF  }
0xa5: {  	s4 =	sld [smem:$0x0]  }
0xa6: {  	s5 =	sand.u32 $0xFFFFFFFE, s1  }
0xa7: {  	p0 =	sne.s32 s1, s5  }
0xa8: {  	s5 =	sshll.u32 @p0 s5, $0xE  }
0xa9: {  	s5 =	sadd.s32 @p0 $0x11B8D, s5;
	s6 =	sshll.u32 @p0 s4, $0x11  }
0xaa: {  	s5 =	sor.u32 @p0 s6, s5  }
0xab: {  	[sflag:s5] =	ssyncadd.remote.s32 @p0 $0x1;
	_ =	sdelay $0x1  }
0xac: {  	s5 =	simm.s32 @p0 $0x1B8D  }
0xad: {  	_ =	swait.eq @p0 [sflag:s5], $0x1  }
0xae: {  	[sflag:s5] =	ssyncadd.s32 @p0 $0xFFFFFFFF  }
0xaf: {  	s6 =	sshll.u32 @!p0 s1, $0xE  }
0xb0: {  	s6 =	sor.u32 @!p0 $0x4000, s6;
	s5 =	simm.s32 @!p0 $0x1B8D  }
0xb1: {  	s4 =	sshll.u32 @!p0 s4, $0x11;
	s6 =	sadd.s32 @!p0 $0x11B8D, s6;
	_ =	swait.eq @!p0 [sflag:s5], $0x1  }
0xb2: {  	s4 =	sor.u32 @!p0 s4, s6;
	[sflag:s5] =	ssyncadd.s32 @!p0 $0xFFFFFFFF  }
0xb3: {  	s25 =	simm.s32 $0x1B8E;
	s24 =	sld [smem:$0x3FFE];
	[sflag:s4] =	ssyncadd.remote.s32 @!p0 $0x1  }
0xb4: {  	s26 =	simm.s32 $execute0_lowered;
	[smem:$0x3FD2] =	sst s25  }
0xb5: {  	s5 =	sshll.u32 s26, $0x1;
	_ =	strace $0x80000049;
	[dreg:$0x1] =	wrdreg $0xFFFFFFFF  }
0xb6: {  	s28 =	simm.s32 $_size_execute0_lowered;
	s3 =	sadd.s32 s3, s5;
	[dreg:$0x0] =	wrdreg $0x0  }
0xb7: {  	s5 =	sshll.u32 s28, $0x1;
	[dreg:$0x2] =	wrdreg s3  }
0xb8: {  	[dreg:$0x3] =	wrdreg s5  }
0xb9: {  	[dreg:$0x4] =	wrdreg $0xC0  }
0xba: {  	_ =	task [dreg:s22], $0x5FFFF  }
0xbb: {  	[dreg:$0x1] =	wrdreg $0xFFFFFFFF  }
0xbc: {  	[dreg:$0x0] =	wrdreg $0x60  }
0xbd: {  	[dreg:$0x2] =	wrdreg s24  }
0xbe: {  	[dreg:$0x3] =	wrdreg $0xA8000  }
0xbf: {  	[dreg:$0x4] =	wrdreg $0xA  }
0xc0: {  	_ =	task.clear_ibuf [dreg:s22], $0x5FFFF;
	_ =	strace $0x90000049  }
0xc1: {  	s29 =	simm.s32 $0xA;
	_ =	strace $0x8000004B  }
0xc2: {  	_ =	swait.ge [sflag:s29], $0x1  }
0xc3: {  	[sflag:s29] =	ssyncadd.s32 $0xFFFFFFFF  }
0xc4: {  	_ =	strace $0x9000004B  }
0xc5: {  	_ =	sfence  }
0xc6: {  	s30 =	sld [smem:$0x0];
	_ =	sdelay $0x2  }
0xc7: {  	s31 =	sshll.u32 s1, $0xD;
	s1 =	sshrl.u32 s1, $0x2  }
0xc8: {  	s4 =	sand.u32 $0x4000, s31;
	s1 =	sadd.s32 s1, s30  }
0xc9: {  	s0 =	sor.u32 s4, s0;
	s1 =	sshll.u32 s1, $0x11  }
0xca: {  	s0 =	sor.u32 s1, s0  }
0xcb: {  	s0 =	sadd.s32 $0x8F2B, s0  }
0xcc: {  	[sflag:s0] =	ssyncadd.remote.s32 $0x1  }
0xcd: {  	_ =	sfence.sel $0xFFFF  }
0xce: {  	[dreg:$0x0] =	wrdreg $0xFFFFFFFF;
	(pc) =	sbr.abs _section_cstart, $3  }
0xcf: {  	[dreg:$0x1] =	wrdreg $0xFFFFFFFF  }
0xd0: {  	_ =	task.clear_ibuf [dreg:s22], $0x2FFFF;
	_ =	strace $0x9FFFFFFF  }
0xd1: {  	(tm) =	ssettm $0x7FFFFFFF  }
tec
execute0_lowered:
.L_overlay_start_1:
0x0: {  	(tag) =	ssettag $0x1  }
0x1: {  	s1 =	srdreg.scid;
	s5 =	rddreg [dreg:$0x0]  }
0x2: {  	s0 =	stileid.u32;
	s2 =	rddreg [dreg:$0x1]  }
0x3: {  	s3 =	simm.s32 $0x0;
	s14 =	simm.s32 $0x80;
	s15 =	simm.s32 $0x6800  }
0x4: {  	s16 =	simm.s32 $0x1;
	s17 =	simm.s32 $0x0;
	s9 =	sand.u32 $0x1, s1  }
0x5: {  	s25 =	sshll.u32 s0, $0x1;
	s7 =	smul.u32 $0x13C00, s0;
	[smem:$0x7FF] =	sst s3  }
0x6: {  	s4 =	sadd.s32 $0x55000, s5;
	s28 =	smul.u32 $0x4F000, s0;
	s31 =	sshll.u32 s0, $0x6  }
0x7: {  	s1 =	sor.u32 s9, s25;
	s8 =	smul.u32 $0x13C000, s9;
	s11 =	ssub.s32 $0x2, s9  }
0x8: {  	p0 =	seq.s32 s9, $0x0;
	s9 =	simm.s32 $0x61;
	s6 =	smul.u32 $0x680, s1  }
0x9: {  	s1 =	rddreg [dreg:$0x2];
	_ =	strace $0x8000004A;
	s26 =	sshrl.u32 s7, $0x3  }
0xa: {  	s29 =	sshrl.u32 s11, $0x1;
	s30 =	sshrl.u32 s28, $0x2;
	s9 =	simm.s32 @!p0 $0x3C  }
0xb: {  	s7 =	sadd.s32 s7, s8;
	s11 =	ssub.s32 s11, s29;
	s13 =	sadd.s32 s30, s2  }
0xc: {  	s10 =	sadd.s32 s6, s5;
	s6 =	sadd.s32 s26, s5;
	s7 =	sshrl.u32 s7, $0x3  }
0xd: {  	s11 =	smax.u32 s11, $0x1;
	s12 =	sadd.s32 s7, s5;
	s5 =	sadd.s32 $0x89200, s6  }
0xe: {  	s6 =	sor.u32 $0x1C02, s31;
	s7 =	sadd.s32 $0x5600, s10;
	s8 =	sadd.s32 $0x7C200, s10  }
0xf: {  	s10 =	sadd.s32 $0xB0A00, s12;
	s12 =	sshrl.u32 s13, $0x3;
	s13 =	simm.s32 $0x2  }
.LBB2_1:
0x10: {  	[spmem:s12], [sflag:s6] =	dma.local [hbm:s5], $0x2780  }
0x11: {  	_ =	swait.ge [sflag:s13], $0x2780  }
0x12: {  	[sflag:s13] =	ssyncset.done $0x0  }
0x13: {  	[sflag:s13] =	ssyncadd.s32 $0xFFFFD880  }
0x14: {  	[tilespmem:s3], [sflag:$0x2] =	stream.linear.gather [hbm4b:s7+s3], $0x3080, $0x38;
	[tilespmem:$0x1E400] =	vst v63  }
0x15: {  	_ =	swait.ge [sflag:s13], $0x3080  }
0x16: {  	[sflag:s13] =	ssyncset.done $0x0  }
0x17: {  	s18 =	simm.s32 $0x3400;
	[sflag:s13] =	ssyncadd.s32 $0xFFFFCF80  }
0x18: {  	[tilespmem:s18], [sflag:$0x2] =	stream.linear.gather [hbm4b:s8+s3], $0x3080, $0x38;
	[tilespmem:$0x1E400] =	vst v63  }
0x19: {  	_ =	swait.ge [sflag:s13], $0x3080  }
0x1a: {  	[sflag:s13] =	ssyncset.done $0x0  }
0x1b: {  	[sflag:s13] =	ssyncadd.s32 $0xFFFFCF80  }
0x1c: {  	[bflag:$0x0] =	sbarrier.arrive $0xFFFF  }
0x1d: {  	[tilespmem:s15], [sflag:$0x1] =	stream.indirect.gather [hbm4b:s4+s14], $0x80, s3, s14, $0xb8;
	[tilespmem:$0x1E400] =	vst v63  }
0x1e: {  	p0 =	sne.s32 s9, $0x1;
	_ =	swait.ge [sflag:s16], $0x4000  }
.Ltmp0:
0x1f: {  	[sflag:s16] =	ssyncset.done $0x0;
	(pc) =	sbr.rel @!p0 .LBB2_3-.Ltmp0, $4  }
0x20: {  	[sflag:s16] =	ssyncadd.s32 $0xFFFFC000  }
0x21: {  	[spmem:s2] =	stream.indirect.scatter.add.f32 [tilespmem:s15], [sflag:$0x2], $0x80, s18, s14, $0xb8;
	[tilespmem:$0x1E400] =	vst v63  }
0x22: {  	_ =	swait.ge [sflag:s13], $0x4000  }
0x23: {  	s19 =	sadd.s32 $0xFFFFFFFF, s9;
	s20 =	simm.s32 $0x0;
	[sflag:s13] =	ssyncset.done $0x0  }
.LBB2_2:
0x24: {  	[sflag:s13] =	ssyncadd.s32 $0xFFFFC000;
	s20 =	sadd.s32 $0x80, s20;
	s18 =	sadd.s32 $0x80, s18  }
0x25: {  	[tilespmem:s15], [sflag:$0x1] =	stream.indirect.gather [hbm4b:s4+s14], $0x80, s20, s14, $0xb8;
	[tilespmem:$0x1E400] =	vst v63  }
0x26: {  	p0 =	sne.s32 s19, $0x1;
	s19 =	sadd.s32 $0xFFFFFFFF, s19;
	_ =	swait.ge [sflag:s16], $0x4000  }
.Ltmp1:
0x27: {  	[sflag:s16] =	ssyncset.done $0x0;
	(pc) =	sbr.rel @p0 .LBB2_2-.Ltmp1, $4  }
0x28: {  	[sflag:s16] =	ssyncadd.s32 $0xFFFFC000  }
0x29: {  	[spmem:s2] =	stream.indirect.scatter.add.f32 [tilespmem:s15], [sflag:$0x2], $0x80, s18, s14, $0xb8;
	[tilespmem:$0x1E400] =	vst v63  }
0x2a: {  	_ =	swait.ge [sflag:s13], $0x4000  }
0x2b: {  	[sflag:s13] =	ssyncset.done $0x0  }
.LBB2_3:
0x2c: {  	s17 =	sadd.s32 $0x1, s17  }
0x2d: {  	[sflag:s13] =	ssyncadd.s32 $0xFFFFC000;
	p0 =	sne.s32 s17, s11  }
.Ltmp2:
0x2e: {  	[bflag:$0x0] =	sbarrier.arrive $0xFFFF;
	(pc) =	sbr.rel @p0 .LBB2_1-.Ltmp2, $4  }
0x2f: {  	[hbm:s10], [sflag:s6] =	dma.local [spmem:s12], $0x2780  }
0x30: {  	_ =	swait.ge [sflag:s13], $0x2780  }
0x31: {  	[sflag:s13] =	ssyncset.done $0x0  }
0x32: {  	[sflag:s13] =	ssyncadd.s32 $0xFFFFD880  }
0x33: {  	_ =	sfence.sel $0x180000  }
0x34: {  	[bflag:$0x0] =	sbarrier.arrive $0xFFFF  }
0x35: {  	p0 =	sne.s32 s0, $0x0;
	_ =	strace $0x9000004A  }
0x36: {  	s0 =	sadd.s32 @!p0 $0x100000, s1;
	[bflag:$0x2] =	sbarrier.arrive $0xFFFF  }
0x37: {  	[sflag:s0] =	ssyncadd.tile.s32 @!p0 $0x1;
	_ =	shalt  }
.Lfunc_end2:
_tile_overlayer_lowered:
.L_overlay_start_2:
0x38: {  	(tag) =	ssettag $0x2  }
0x39: {  	s0 =	rddreg [dreg:$0x0];
	s2 =	stileid.u32  }
0x3a: {  	s1 =	rddreg [dreg:$0x1];
	p0 =	sne.s32 s2, $0x0  }
0x3b: {  	s3 =	rddreg [dreg:$0x2];
	[bflag:$0x3] =	sbarrier.arrive $0xFFFF;
	s2 =	simm.s32 @!p0 $0x1C02  }
0x3c: {  	[timem:s3], [sflag:s2] =	dma.local @!p0 [hbm:s0], s1  }
0x3d: {  	s0 =	simm.s32 @!p0 $0x2  }
0x3e: {  	_ =	swait.ge @!p0 [sflag:s0], s1  }
0x3f: {  	s1 =	ssub.s32 @!p0 $0x0, s1;
	[sflag:s0] =	ssyncset.done @!p0 $0x0  }
0x40: {  	[sflag:s0] =	ssyncadd.s32 @!p0 s1  }
0x41: {  	[bflag:$0x3] =	sbarrier.arrive $0xFFFF  }
0x42: {  	_ =	shalt  }

// kernel: kernel.19.cloned.1.call-start
scs
__scs_entry_jumppad:
0x0: {  	(pc) =	sbr.rel $0x88, $3  }
0x1: {  	(tag) =	ssettag $0x0;
	lr =	simm.s32 $0x1  }
0x2: {  	[smem:$0x3F99] =	sst lr;
	_ =	strace $0xD0000000  }
0x3: {  	_ = 	snop  }
0x4: {  	_ = 	snop  }
0x5: {  	_ = 	snop  }
0x6: {  	_ = 	snop  }
0x7: {  	_ = 	snop  }
__scs_overlays_trampoline_lowered:
0x8: {  	[smem:$0x3FA8] =	sst s0  }
0x9: {  	[smem:$0x3FA9] =	sst s1  }
0xa: {  	[smem:$0x3FAA] =	sst s2  }
0xb: {  	[smem:$0x3FAB] =	sst s3  }
0xc: {  	[smem:$0x3FAC] =	sst s4  }
0xd: {  	[smem:$0x3FAD] =	sst s5  }
0xe: {  	[smem:$0x3FAE] =	sst s6  }
0xf: {  	[smem:$0x3FAF] =	sst s7  }
0x10: {  	[smem:$0x3FB0] =	sst s8  }
0x11: {  	[smem:$0x3FB1] =	sst s9;
	s0 =	simm.s32 @!p0 $0x0  }
0x12: {  	s1 =	sld [smem:$0x3F97];
	s0 =	simm.s32 @p0 $0x1  }
0x13: {  	[smem:$0x3FB2] =	sst s0;
	s0 =	simm.s32 @!p1 $0x0  }
0x14: {  	s2 =	sld [smem:$0x3F96];
	s0 =	simm.s32 @p1 $0x1  }
0x15: {  	[smem:$0x3FB3] =	sst s0;
	s0 =	simm.s32 @!p2 $0x0  }
0x16: {  	s3 =	sld [smem:$0x3FDB];
	s0 =	simm.s32 @p2 $0x1  }
0x17: {  	s4 =	simm.s32 $0x1BF5;
	[smem:$0x3FB5] =	sst s0  }
0x18: {  	s0 =	sld [smem:$0x3F98];
	_ =	swait.ge [sflag:s4], $0x0  }
0x19: {  	s7 =	sld [smem:$0x3F99]  }
0x1a: {  	s8 =	sadd.s32 $0xFFFFE003, lr  }
0x1b: {  	s9 =	sadd.s32 $0xFFFFFEF7, lr;
	s5 =	simm.s32 $0xFFFFFFFF;
	p2 =	slt.u32 s8, $0xFFFFF086  }
0x1c: {  	p1 =	slt.u32 s9, $0xF7A;
	s5 =	simm.s32 @!p2 $0x0  }
0x1d: {  	s5 =	simm.s32 @p1 $0x1;
	p0 =	seq.s32 s7, s2  }
0x1e: {  	s7 =	smul.u32 @!p0 $0xF7A, s2;
	p2 =	seq.s32 @!p0 s5, $0x0  }
0x1f: {  	s9 =	smul.u32 $0xF7A, s1;
	s8 =	simm.s32 @!p0 $0x1BF5;
	p2 =	por !p2, p0  }
0x20: {  	[sflag:s8] =	ssyncset.s32 @!p0 $0xFFFFF086;
	s6 =	sadd.s32 @!p0 s3, s7;
	s7 =	simm.s32 @!p0 $0x108  }
0x21: {  	s3 =	sadd.s32 s3, s9;
	s6 =	sadd.s32 @!p0 $0x88, s6;
	s7 =	simm.s32 @p2 $0x1082  }
0x22: {  	[simem:s7], [sflag:s8] =	dma.local @!p0 [hbm:s6], $0xF7A  }
0x23: {  	s9 =	sor.u32 $0xD0000000, s2;
	s6 =	simm.s32 $0x108;
	_ =	swait.ge @!p0 [sflag:s8], $0x0  }
0x24: {  	s3 =	sadd.s32 $0x88, s3;
	s6 =	simm.s32 @!p1 $0x1082;
	[sflag:s4] =	ssyncset.s32 $0xFFFFF086  }
0x25: {  	[simem:s6], [sflag:s4] =	dma.local [hbm:s3], $0xF7A  }
0x26: {  	[smem:$0x3F99] =	sst s1;
	(tag) =	ssettag s2;
	_ =	strace s9  }
0x27: {  	s1 =	sld [smem:$0x3FA9]  }
0x28: {  	s2 =	sld [smem:$0x3FAA]  }
0x29: {  	s4 =	sld [smem:$0x3FAC]  }
0x2a: {  	p0 =	seq.s32 s5, $0x0;
	s5 =	sld [smem:$0x3FAD]  }
0x2b: {  	s6 =	sld [smem:$0x3FAE]  }
0x2c: {  	s7 =	sld [smem:$0x3FAF]  }
0x2d: {  	s3 =	simm.s32 $0x108;
	s8 =	sld [smem:$0x3FB0]  }
0x2e: {  	s3 =	simm.s32 @!p0 $0x1082;
	s9 =	sld [smem:$0x3FB1]  }
0x2f: {  	lr =	sadd.s32 s0, s3;
	s0 =	sld [smem:$0x3FA8]  }
0x30: {  	s3 =	sld [smem:$0x3FAB]  }
0x31: {  	[smem:$0x3FB4] =	sst s10  }
0x32: {  	s10 =	sld [smem:$0x3FB2];
	_ =	sdelay $0x3  }
0x33: {  	p0 =	seq.s32 s10, $0x1;
	s10 =	sld [smem:$0x3FB4];
	_ =	sdelay $0x3  }
0x34: {  	[smem:$0x3FB4] =	sst s10  }
0x35: {  	s10 =	sld [smem:$0x3FB3];
	_ =	sdelay $0x3  }
0x36: {  	p1 =	seq.s32 s10, $0x1;
	s10 =	sld [smem:$0x3FB4];
	_ =	sdelay $0x3  }
0x37: {  	[smem:$0x3FB4] =	sst s10  }
0x38: {  	s10 =	sld [smem:$0x3FB5]  }
0x39: {  	_ = 	snop;
	(pc) =	sbr.ind lr, $3  }
0x3a: {  	_ = 	snop  }
0x3b: {  	_ = 	snop  }
0x3c: {  	p2 =	seq.s32 s10, $0x1;
	s10 =	sld [smem:$0x3FB4]  }
0x3d: {  	_ =	shalt  }
0x3e: {  	_ =	shalt  }
0x3f: {  	_ =	shalt  }
0x40: {  	_ =	shalt  }
0x41: {  	_ =	shalt  }
0x42: {  	_ =	shalt  }
0x43: {  	_ =	shalt  }
0x44: {  	_ =	shalt  }
0x45: {  	_ =	shalt  }
0x46: {  	_ =	shalt  }
0x47: {  	_ =	shalt  }
0x48: {  	_ =	shalt  }
0x49: {  	_ =	shalt  }
0x4a: {  	_ =	shalt  }
0x4b: {  	_ =	shalt  }
0x4c: {  	_ =	shalt  }
0x4d: {  	_ =	shalt  }
0x4e: {  	_ =	shalt  }
0x4f: {  	_ =	shalt  }
0x50: {  	_ =	shalt  }
0x51: {  	_ =	shalt  }
0x52: {  	_ =	shalt  }
0x53: {  	_ =	shalt  }
0x54: {  	_ =	shalt  }
0x55: {  	_ =	shalt  }
0x56: {  	_ =	shalt  }
0x57: {  	_ =	shalt  }
0x58: {  	_ =	shalt  }
0x59: {  	_ =	shalt  }
0x5a: {  	_ =	shalt  }
0x5b: {  	_ =	shalt  }
0x5c: {  	_ =	shalt  }
0x5d: {  	_ =	shalt  }
0x5e: {  	_ =	shalt  }
0x5f: {  	_ =	shalt  }
0x60: {  	_ =	shalt  }
0x61: {  	_ =	shalt  }
0x62: {  	_ =	shalt  }
0x63: {  	_ =	shalt  }
0x64: {  	_ =	shalt  }
0x65: {  	_ =	shalt  }
0x66: {  	_ =	shalt  }
0x67: {  	_ =	shalt  }
0x68: {  	_ =	shalt  }
0x69: {  	_ =	shalt  }
0x6a: {  	_ =	shalt  }
0x6b: {  	_ =	shalt  }
0x6c: {  	_ =	shalt  }
0x6d: {  	_ =	shalt  }
0x6e: {  	_ =	shalt  }
0x6f: {  	_ =	shalt  }
0x70: {  	_ =	shalt  }
0x71: {  	_ =	shalt  }
0x72: {  	_ =	shalt  }
0x73: {  	_ =	shalt  }
0x74: {  	_ =	shalt  }
0x75: {  	_ =	shalt  }
0x76: {  	_ =	shalt  }
0x77: {  	_ =	shalt  }
0x78: {  	_ =	shalt  }
0x79: {  	_ =	shalt  }
0x7a: {  	_ =	shalt  }
0x7b: {  	_ =	shalt  }
0x7c: {  	_ =	shalt  }
0x7d: {  	_ =	shalt  }
0x7e: {  	_ =	shalt  }
0x7f: {  	_ =	shalt  }
0x80: {  	_ =	shalt  }
0x81: {  	_ =	shalt  }
0x82: {  	_ =	shalt  }
0x83: {  	_ =	shalt  }
0x84: {  	_ =	shalt  }
0x85: {  	_ =	shalt  }
0x86: {  	_ =	shalt  }
0x87: {  	_ =	shalt  }
.Lfunc_end0:
.L_simem_size_0:
called_computation.2_lowered:
.L_overlay_start_0:
0x88: {  	s2 =	sld [smem:$0x3FD9]  }
0x89: {  	s3 =	sld [smem:$0x3FFE];
	_ =	sdelay $0x1  }
0x8a: {  	s1 =	srdreg.scid  }
0x8b: {  	s0 =	sand.u32 $0x1, s1  }
0x8c: {  	s16 =	sshll.u32 s0, $0xA;
	s2 =	sadd.s32 s3, s2  }
0x8d: {  	s2 =	sadd.s32 s2, s16  }
0x8e: {  	[smem:$0x3FC0] =	sst s2  }
0x8f: {  	_ = 	snop  }
0x90: {  	(tm) =	ssettm $0x1  }
0x91: {  	s17 =	sld [smem:$0x3FFB];
	_ =	sdelay $0x3  }
0x92: {  	_ =	strace s17  }
0x93: {  	s2 =	sld [smem:$0x3FFC];
	_ =	sdelay $0x3  }
0x94: {  	_ =	strace s2  }
0x95: {  	s2 =	sld [smem:$0x3FFD];
	_ =	sdelay $0x3  }
0x96: {  	_ =	strace s2  }
0x97: {  	_ =	strace $0x8FFFFFFF  }
0x98: {  	s18 =	sld [smem:$0x3FDB];
	_ =	sdelay $0x1  }
0x99: {  	s19 =	simm.s32 $_scs_section_size  }
0x9a: {  	s4 =	simm.s32 $_size__tile_overlayer_lowered;
	s5 =	simm.s32 $_tile_overlayer_lowered  }
0x9b: {  	s22 =	simm.s32 $0x1BFF;
	s21 =	sshll.u32 s5, $0x1;
	s2 =	sadd.s32 s19, s18  }
0x9c: {  	s6 =	simm.s32 $0x0;
	s20 =	sshll.u32 s4, $0x1;
	s4 =	sadd.s32 s21, s2  }
0x9d: {  	[timem:s6], [sflag:s22] =	dma.local [hbm:s4], s20  }
0x9e: {  	_ =	swait.ge [sflag:s22], s20  }
0x9f: {  	s3 =	ssub.s32 $0x0, s20;
	[sflag:s22] =	ssyncset.done $0x0  }
0xa0: {  	[sflag:s22] =	ssyncadd.s32 s3;
	_ =	sdelay $0x1  }
0xa1: {  	s23 =	simm.s32 $0x1B8B  }
0xa2: {  	_ =	swait.ge [sflag:s23], $0x1  }
0xa3: {  	[sflag:s23] =	ssyncset.done $0x0  }
0xa4: {  	s25 =	simm.s32 $0x1B8E;
	s24 =	sld [smem:$0x3FFE];
	[sflag:s23] =	ssyncadd.s32 $0xFFFFFFFF  }
0xa5: {  	s26 =	simm.s32 $execute0_lowered;
	[smem:$0x3FD2] =	sst s25  }
0xa6: {  	s4 =	sshll.u32 s26, $0x1;
	_ =	strace $0x8000004C;
	[dreg:$0x1] =	wrdreg $0xFFFFFFFF  }
0xa7: {  	s28 =	simm.s32 $_size_execute0_lowered;
	s2 =	sadd.s32 s2, s4;
	[dreg:$0x0] =	wrdreg $0x0  }
0xa8: {  	s4 =	sshll.u32 s28, $0x1;
	[dreg:$0x2] =	wrdreg s2  }
0xa9: {  	[dreg:$0x3] =	wrdreg s4  }
0xaa: {  	[dreg:$0x4] =	wrdreg $0xC0  }
0xab: {  	_ =	task [dreg:s6], $0x5FFFF  }
0xac: {  	[dreg:$0x1] =	wrdreg $0xFFFFFFFF  }
0xad: {  	[dreg:$0x0] =	wrdreg $0x60  }
0xae: {  	[dreg:$0x2] =	wrdreg s24  }
0xaf: {  	[dreg:$0x3] =	wrdreg $0xA8000  }
0xb0: {  	[dreg:$0x4] =	wrdreg $0x9  }
0xb1: {  	_ =	task.clear_ibuf [dreg:s6], $0x5FFFF;
	_ =	strace $0x9000004C  }
0xb2: {  	s29 =	simm.s32 $0x9;
	_ =	strace $0x8000004E  }
0xb3: {  	_ =	swait.ge [sflag:s29], $0x1  }
0xb4: {  	[sflag:s29] =	ssyncadd.s32 $0xFFFFFFFF  }
0xb5: {  	_ =	strace $0x9000004E  }
0xb6: {  	_ =	sfence  }
0xb7: {  	s30 =	sld [smem:$0x0];
	_ =	sdelay $0x2  }
0xb8: {  	s31 =	sshll.u32 s1, $0xD;
	s1 =	sshrl.u32 s1, $0x2  }
0xb9: {  	s3 =	sand.u32 $0x4000, s31;
	s1 =	sadd.s32 s1, s30  }
0xba: {  	s0 =	sor.u32 s3, s0;
	s1 =	sshll.u32 s1, $0x11  }
0xbb: {  	s0 =	sor.u32 s1, s0  }
0xbc: {  	s0 =	sadd.s32 $0x8F2B, s0  }
0xbd: {  	[sflag:s0] =	ssyncadd.remote.s32 $0x1  }
0xbe: {  	_ =	sfence.sel $0xFFFF  }
0xbf: {  	[dreg:$0x0] =	wrdreg $0xFFFFFFFF;
	(pc) =	sbr.abs _section_cstart, $3  }
0xc0: {  	[dreg:$0x1] =	wrdreg $0xFFFFFFFF  }
0xc1: {  	_ =	task.clear_ibuf [dreg:s6], $0x2FFFF;
	_ =	strace $0x9FFFFFFF  }
0xc2: {  	(tm) =	ssettm $0x7FFFFFFF  }
0xc3: {  	_ =	shalt  }
tec
execute0_lowered:
.L_overlay_start_1:
0x0: {  	(tag) =	ssettag $0x1  }
0x1: {  	s1 =	srdreg.scid;
	s5 =	rddreg [dreg:$0x0]  }
0x2: {  	s0 =	stileid.u32;
	s2 =	rddreg [dreg:$0x1]  }
0x3: {  	s3 =	simm.s32 $0x0;
	s14 =	simm.s32 $0x80;
	s15 =	simm.s32 $0x6800  }
0x4: {  	s16 =	simm.s32 $0x1;
	s17 =	simm.s32 $0x0;
	s9 =	sand.u32 $0x1, s1  }
0x5: {  	s25 =	sshll.u32 s0, $0x1;
	s7 =	smul.u32 $0x13C00, s0;
	[smem:$0x7FF] =	sst s3  }
0x6: {  	s4 =	sadd.s32 $0x55000, s5;
	s28 =	smul.u32 $0x4F000, s0;
	s31 =	sshll.u32 s0, $0x6  }
0x7: {  	s1 =	sor.u32 s9, s25;
	s8 =	smul.u32 $0x13C000, s9;
	s11 =	ssub.s32 $0x2, s9  }
0x8: {  	p0 =	seq.s32 s9, $0x0;
	s9 =	simm.s32 $0x61;
	s6 =	smul.u32 $0x680, s1  }
0x9: {  	s1 =	rddreg [dreg:$0x2];
	_ =	strace $0x8000004D;
	s26 =	sshrl.u32 s7, $0x3  }
0xa: {  	s29 =	sshrl.u32 s11, $0x1;
	s30 =	sshrl.u32 s28, $0x2;
	s9 =	simm.s32 @!p0 $0x3C  }
0xb: {  	s7 =	sadd.s32 s7, s8;
	s11 =	ssub.s32 s11, s29;
	s13 =	sadd.s32 s30, s2  }
0xc: {  	s10 =	sadd.s32 s6, s5;
	s6 =	sadd.s32 s26, s5;
	s7 =	sshrl.u32 s7, $0x3  }
0xd: {  	s11 =	smax.u32 s11, $0x1;
	s12 =	sadd.s32 s7, s5;
	s5 =	sadd.s32 $0x89200, s6  }
0xe: {  	s6 =	sor.u32 $0x1C02, s31;
	s7 =	sadd.s32 $0xFFA00, s10;
	s8 =	sadd.s32 $0x10CA00, s10  }
0xf: {  	s10 =	sadd.s32 $0xB0A00, s12;
	s12 =	sshrl.u32 s13, $0x3;
	s13 =	simm.s32 $0x2  }
.LBB2_1:
0x10: {  	[spmem:s12], [sflag:s6] =	dma.local [hbm:s5], $0x2780  }
0x11: {  	_ =	swait.ge [sflag:s13], $0x2780  }
0x12: {  	[sflag:s13] =	ssyncset.done $0x0  }
0x13: {  	[sflag:s13] =	ssyncadd.s32 $0xFFFFD880  }
0x14: {  	[tilespmem:s3], [sflag:$0x2] =	stream.linear.gather [hbm4b:s7+s3], $0x3080, $0x38;
	[tilespmem:$0x1E400] =	vst v63  }
0x15: {  	_ =	swait.ge [sflag:s13], $0x3080  }
0x16: {  	[sflag:s13] =	ssyncset.done $0x0  }
0x17: {  	s18 =	simm.s32 $0x3400;
	[sflag:s13] =	ssyncadd.s32 $0xFFFFCF80  }
0x18: {  	[tilespmem:s18], [sflag:$0x2] =	stream.linear.gather [hbm4b:s8+s3], $0x3080, $0x38;
	[tilespmem:$0x1E400] =	vst v63  }
0x19: {  	_ =	swait.ge [sflag:s13], $0x3080  }
0x1a: {  	[sflag:s13] =	ssyncset.done $0x0  }
0x1b: {  	[sflag:s13] =	ssyncadd.s32 $0xFFFFCF80  }
0x1c: {  	[bflag:$0x0] =	sbarrier.arrive $0xFFFF  }
0x1d: {  	[tilespmem:s15], [sflag:$0x1] =	stream.indirect.gather [hbm4b:s4+s14], $0x80, s3, s14, $0xb8;
	[tilespmem:$0x1E400] =	vst v63  }
0x1e: {  	p0 =	sne.s32 s9, $0x1;
	_ =	swait.ge [sflag:s16], $0x4000  }
.Ltmp0:
0x1f: {  	[sflag:s16] =	ssyncset.done $0x0;
	(pc) =	sbr.rel @!p0 .LBB2_3-.Ltmp0, $4  }
0x20: {  	[sflag:s16] =	ssyncadd.s32 $0xFFFFC000  }
0x21: {  	[spmem:s2] =	stream.indirect.scatter.add.f32 [tilespmem:s15], [sflag:$0x2], $0x80, s18, s14, $0xb8;
	[tilespmem:$0x1E400] =	vst v63  }
0x22: {  	_ =	swait.ge [sflag:s13], $0x4000  }
0x23: {  	s19 =	sadd.s32 $0xFFFFFFFF, s9;
	s20 =	simm.s32 $0x0;
	[sflag:s13] =	ssyncset.done $0x0  }
.LBB2_2:
0x24: {  	[sflag:s13] =	ssyncadd.s32 $0xFFFFC000;
	s20 =	sadd.s32 $0x80, s20;
	s18 =	sadd.s32 $0x80, s18  }
0x25: {  	[tilespmem:s15], [sflag:$0x1] =	stream.indirect.gather [hbm4b:s4+s14], $0x80, s20, s14, $0xb8;
	[tilespmem:$0x1E400] =	vst v63  }
0x26: {  	p0 =	sne.s32 s19, $0x1;
	s19 =	sadd.s32 $0xFFFFFFFF, s19;
	_ =	swait.ge [sflag:s16], $0x4000  }
.Ltmp1:
0x27: {  	[sflag:s16] =	ssyncset.done $0x0;
	(pc) =	sbr.rel @p0 .LBB2_2-.Ltmp1, $4  }
0x28: {  	[sflag:s16] =	ssyncadd.s32 $0xFFFFC000  }
0x29: {  	[spmem:s2] =	stream.indirect.scatter.add.f32 [tilespmem:s15], [sflag:$0x2], $0x80, s18, s14, $0xb8;
	[tilespmem:$0x1E400] =	vst v63  }
0x2a: {  	_ =	swait.ge [sflag:s13], $0x4000  }
0x2b: {  	[sflag:s13] =	ssyncset.done $0x0  }
.LBB2_3:
0x2c: {  	s17 =	sadd.s32 $0x1, s17  }
0x2d: {  	[sflag:s13] =	ssyncadd.s32 $0xFFFFC000;
	p0 =	sne.s32 s17, s11  }
.Ltmp2:
0x2e: {  	[bflag:$0x0] =	sbarrier.arrive $0xFFFF;
	(pc) =	sbr.rel @p0 .LBB2_1-.Ltmp2, $4  }
0x2f: {  	[hbm:s10], [sflag:s6] =	dma.local [spmem:s12], $0x2780  }
0x30: {  	_ =	swait.ge [sflag:s13], $0x2780  }
0x31: {  	[sflag:s13] =	ssyncset.done $0x0  }
0x32: {  	[sflag:s13] =	ssyncadd.s32 $0xFFFFD880  }
0x33: {  	_ =	sfence.sel $0x180000  }
0x34: {  	[bflag:$0x0] =	sbarrier.arrive $0xFFFF  }
0x35: {  	p0 =	sne.s32 s0, $0x0;
	_ =	strace $0x9000004D  }
0x36: {  	s0 =	sadd.s32 @!p0 $0x100000, s1;
	[bflag:$0x2] =	sbarrier.arrive $0xFFFF  }
0x37: {  	[sflag:s0] =	ssyncadd.tile.s32 @!p0 $0x1;
	_ =	shalt  }
.Lfunc_end2:
_tile_overlayer_lowered:
.L_overlay_start_2:
0x38: {  	(tag) =	ssettag $0x2  }
0x39: {  	s0 =	rddreg [dreg:$0x0];
	s2 =	stileid.u32  }
0x3a: {  	s1 =	rddreg [dreg:$0x1];
	p0 =	sne.s32 s2, $0x0  }
0x3b: {  	s3 =	rddreg [dreg:$0x2];
	[bflag:$0x3] =	sbarrier.arrive $0xFFFF;
	s2 =	simm.s32 @!p0 $0x1C02  }
0x3c: {  	[timem:s3], [sflag:s2] =	dma.local @!p0 [hbm:s0], s1  }
0x3d: {  	s0 =	simm.s32 @!p0 $0x2  }
0x3e: {  	_ =	swait.ge @!p0 [sflag:s0], s1  }
0x3f: {  	s1 =	ssub.s32 @!p0 $0x0, s1;
	[sflag:s0] =	ssyncset.done @!p0 $0x0  }
0x40: {  	[sflag:s0] =	ssyncadd.s32 @!p0 s1  }
0x41: {  	[bflag:$0x3] =	sbarrier.arrive $0xFFFF  }
0x42: {  	_ =	shalt  }

// kernel: kernel.22.cloned.1.call-start
scs
__scs_entry_jumppad:
0x0: {  	(pc) =	sbr.rel $0x88, $3  }
0x1: {  	(tag) =	ssettag $0x0;
	lr =	simm.s32 $0x1  }
0x2: {  	[smem:$0x3F99] =	sst lr;
	_ =	strace $0xD0000000  }
0x3: {  	_ = 	snop  }
0x4: {  	_ = 	snop  }
0x5: {  	_ = 	snop  }
0x6: {  	_ = 	snop  }
0x7: {  	_ = 	snop  }
__scs_overlays_trampoline_lowered:
0x8: {  	[smem:$0x3FA8] =	sst s0  }
0x9: {  	[smem:$0x3FA9] =	sst s1  }
0xa: {  	[smem:$0x3FAA] =	sst s2  }
0xb: {  	[smem:$0x3FAB] =	sst s3  }
0xc: {  	[smem:$0x3FAC] =	sst s4  }
0xd: {  	[smem:$0x3FAD] =	sst s5  }
0xe: {  	[smem:$0x3FAE] =	sst s6  }
0xf: {  	[smem:$0x3FAF] =	sst s7  }
0x10: {  	[smem:$0x3FB0] =	sst s8  }
0x11: {  	[smem:$0x3FB1] =	sst s9;
	s0 =	simm.s32 @!p0 $0x0  }
0x12: {  	s1 =	sld [smem:$0x3F97];
	s0 =	simm.s32 @p0 $0x1  }
0x13: {  	[smem:$0x3FB2] =	sst s0;
	s0 =	simm.s32 @!p1 $0x0  }
0x14: {  	s2 =	sld [smem:$0x3F96];
	s0 =	simm.s32 @p1 $0x1  }
0x15: {  	[smem:$0x3FB3] =	sst s0;
	s0 =	simm.s32 @!p2 $0x0  }
0x16: {  	s3 =	sld [smem:$0x3FDB];
	s0 =	simm.s32 @p2 $0x1  }
0x17: {  	s4 =	simm.s32 $0x1BF5;
	[smem:$0x3FB5] =	sst s0  }
0x18: {  	s0 =	sld [smem:$0x3F98];
	_ =	swait.ge [sflag:s4], $0x0  }
0x19: {  	s7 =	sld [smem:$0x3F99]  }
0x1a: {  	s8 =	sadd.s32 $0xFFFFE003, lr  }
0x1b: {  	s9 =	sadd.s32 $0xFFFFFEF7, lr;
	s5 =	simm.s32 $0xFFFFFFFF;
	p2 =	slt.u32 s8, $0xFFFFF086  }
0x1c: {  	p1 =	slt.u32 s9, $0xF7A;
	s5 =	simm.s32 @!p2 $0x0  }
0x1d: {  	s5 =	simm.s32 @p1 $0x1;
	p0 =	seq.s32 s7, s2  }
0x1e: {  	s7 =	smul.u32 @!p0 $0xF7A, s2;
	p2 =	seq.s32 @!p0 s5, $0x0  }
0x1f: {  	s9 =	smul.u32 $0xF7A, s1;
	s8 =	simm.s32 @!p0 $0x1BF5;
	p2 =	por !p2, p0  }
0x20: {  	[sflag:s8] =	ssyncset.s32 @!p0 $0xFFFFF086;
	s6 =	sadd.s32 @!p0 s3, s7;
	s7 =	simm.s32 @!p0 $0x108  }
0x21: {  	s3 =	sadd.s32 s3, s9;
	s6 =	sadd.s32 @!p0 $0x88, s6;
	s7 =	simm.s32 @p2 $0x1082  }
0x22: {  	[simem:s7], [sflag:s8] =	dma.local @!p0 [hbm:s6], $0xF7A  }
0x23: {  	s9 =	sor.u32 $0xD0000000, s2;
	s6 =	simm.s32 $0x108;
	_ =	swait.ge @!p0 [sflag:s8], $0x0  }
0x24: {  	s3 =	sadd.s32 $0x88, s3;
	s6 =	simm.s32 @!p1 $0x1082;
	[sflag:s4] =	ssyncset.s32 $0xFFFFF086  }
0x25: {  	[simem:s6], [sflag:s4] =	dma.local [hbm:s3], $0xF7A  }
0x26: {  	[smem:$0x3F99] =	sst s1;
	(tag) =	ssettag s2;
	_ =	strace s9  }
0x27: {  	s1 =	sld [smem:$0x3FA9]  }
0x28: {  	s2 =	sld [smem:$0x3FAA]  }
0x29: {  	s4 =	sld [smem:$0x3FAC]  }
0x2a: {  	p0 =	seq.s32 s5, $0x0;
	s5 =	sld [smem:$0x3FAD]  }
0x2b: {  	s6 =	sld [smem:$0x3FAE]  }
0x2c: {  	s7 =	sld [smem:$0x3FAF]  }
0x2d: {  	s3 =	simm.s32 $0x108;
	s8 =	sld [smem:$0x3FB0]  }
0x2e: {  	s3 =	simm.s32 @!p0 $0x1082;
	s9 =	sld [smem:$0x3FB1]  }
0x2f: {  	lr =	sadd.s32 s0, s3;
	s0 =	sld [smem:$0x3FA8]  }
0x30: {  	s3 =	sld [smem:$0x3FAB]  }
0x31: {  	[smem:$0x3FB4] =	sst s10  }
0x32: {  	s10 =	sld [smem:$0x3FB2];
	_ =	sdelay $0x3  }
0x33: {  	p0 =	seq.s32 s10, $0x1;
	s10 =	sld [smem:$0x3FB4];
	_ =	sdelay $0x3  }
0x34: {  	[smem:$0x3FB4] =	sst s10  }
0x35: {  	s10 =	sld [smem:$0x3FB3];
	_ =	sdelay $0x3  }
0x36: {  	p1 =	seq.s32 s10, $0x1;
	s10 =	sld [smem:$0x3FB4];
	_ =	sdelay $0x3  }
0x37: {  	[smem:$0x3FB4] =	sst s10  }
0x38: {  	s10 =	sld [smem:$0x3FB5]  }
0x39: {  	_ = 	snop;
	(pc) =	sbr.ind lr, $3  }
0x3a: {  	_ = 	snop  }
0x3b: {  	_ = 	snop  }
0x3c: {  	p2 =	seq.s32 s10, $0x1;
	s10 =	sld [smem:$0x3FB4]  }
0x3d: {  	_ =	shalt  }
0x3e: {  	_ =	shalt  }
0x3f: {  	_ =	shalt  }
0x40: {  	_ =	shalt  }
0x41: {  	_ =	shalt  }
0x42: {  	_ =	shalt  }
0x43: {  	_ =	shalt  }
0x44: {  	_ =	shalt  }
0x45: {  	_ =	shalt  }
0x46: {  	_ =	shalt  }
0x47: {  	_ =	shalt  }
0x48: {  	_ =	shalt  }
0x49: {  	_ =	shalt  }
0x4a: {  	_ =	shalt  }
0x4b: {  	_ =	shalt  }
0x4c: {  	_ =	shalt  }
0x4d: {  	_ =	shalt  }
0x4e: {  	_ =	shalt  }
0x4f: {  	_ =	shalt  }
0x50: {  	_ =	shalt  }
0x51: {  	_ =	shalt  }
0x52: {  	_ =	shalt  }
0x53: {  	_ =	shalt  }
0x54: {  	_ =	shalt  }
0x55: {  	_ =	shalt  }
0x56: {  	_ =	shalt  }
0x57: {  	_ =	shalt  }
0x58: {  	_ =	shalt  }
0x59: {  	_ =	shalt  }
0x5a: {  	_ =	shalt  }
0x5b: {  	_ =	shalt  }
0x5c: {  	_ =	shalt  }
0x5d: {  	_ =	shalt  }
0x5e: {  	_ =	shalt  }
0x5f: {  	_ =	shalt  }
0x60: {  	_ =	shalt  }
0x61: {  	_ =	shalt  }
0x62: {  	_ =	shalt  }
0x63: {  	_ =	shalt  }
0x64: {  	_ =	shalt  }
0x65: {  	_ =	shalt  }
0x66: {  	_ =	shalt  }
0x67: {  	_ =	shalt  }
0x68: {  	_ =	shalt  }
0x69: {  	_ =	shalt  }
0x6a: {  	_ =	shalt  }
0x6b: {  	_ =	shalt  }
0x6c: {  	_ =	shalt  }
0x6d: {  	_ =	shalt  }
0x6e: {  	_ =	shalt  }
0x6f: {  	_ =	shalt  }
0x70: {  	_ =	shalt  }
0x71: {  	_ =	shalt  }
0x72: {  	_ =	shalt  }
0x73: {  	_ =	shalt  }
0x74: {  	_ =	shalt  }
0x75: {  	_ =	shalt  }
0x76: {  	_ =	shalt  }
0x77: {  	_ =	shalt  }
0x78: {  	_ =	shalt  }
0x79: {  	_ =	shalt  }
0x7a: {  	_ =	shalt  }
0x7b: {  	_ =	shalt  }
0x7c: {  	_ =	shalt  }
0x7d: {  	_ =	shalt  }
0x7e: {  	_ =	shalt  }
0x7f: {  	_ =	shalt  }
0x80: {  	_ =	shalt  }
0x81: {  	_ =	shalt  }
0x82: {  	_ =	shalt  }
0x83: {  	_ =	shalt  }
0x84: {  	_ =	shalt  }
0x85: {  	_ =	shalt  }
0x86: {  	_ =	shalt  }
0x87: {  	_ =	shalt  }
.Lfunc_end0:
.L_simem_size_0:
called_computation.3_lowered:
.L_overlay_start_0:
0x88: {  	s2 =	sld [smem:$0x3FD9]  }
0x89: {  	s3 =	sld [smem:$0x3FFE];
	_ =	sdelay $0x1  }
0x8a: {  	s1 =	srdreg.scid  }
0x8b: {  	s0 =	sand.u32 $0x1, s1  }
0x8c: {  	s16 =	sshll.u32 s0, $0xA;
	s2 =	sadd.s32 s3, s2  }
0x8d: {  	s2 =	sadd.s32 s2, s16  }
0x8e: {  	[smem:$0x3FC0] =	sst s2  }
0x8f: {  	_ = 	snop  }
0x90: {  	(tm) =	ssettm $0x1  }
0x91: {  	s17 =	sld [smem:$0x3FFB];
	_ =	sdelay $0x3  }
0x92: {  	_ =	strace s17  }
0x93: {  	s2 =	sld [smem:$0x3FFC];
	_ =	sdelay $0x3  }
0x94: {  	_ =	strace s2  }
0x95: {  	s2 =	sld [smem:$0x3FFD];
	_ =	sdelay $0x3  }
0x96: {  	_ =	strace s2  }
0x97: {  	_ =	strace $0x8FFFFFFF  }
0x98: {  	s18 =	sld [smem:$0x3FDB];
	_ =	sdelay $0x1  }
0x99: {  	s19 =	simm.s32 $_scs_section_size  }
0x9a: {  	s4 =	simm.s32 $_size__tile_overlayer_lowered;
	s5 =	simm.s32 $_tile_overlayer_lowered  }
0x9b: {  	s22 =	simm.s32 $0x1BFF;
	s21 =	sshll.u32 s5, $0x1;
	s2 =	sadd.s32 s19, s18  }
0x9c: {  	s6 =	simm.s32 $0x0;
	s20 =	sshll.u32 s4, $0x1;
	s4 =	sadd.s32 s21, s2  }
0x9d: {  	[timem:s6], [sflag:s22] =	dma.local [hbm:s4], s20  }
0x9e: {  	_ =	swait.ge [sflag:s22], s20  }
0x9f: {  	s3 =	ssub.s32 $0x0, s20;
	[sflag:s22] =	ssyncset.done $0x0  }
0xa0: {  	[sflag:s22] =	ssyncadd.s32 s3;
	_ =	sdelay $0x1  }
0xa1: {  	s23 =	simm.s32 $0x1B8B  }
0xa2: {  	_ =	swait.ge [sflag:s23], $0x1  }
0xa3: {  	[sflag:s23] =	ssyncset.done $0x0  }
0xa4: {  	s25 =	simm.s32 $0x1B8E;
	s24 =	sld [smem:$0x3FFE];
	[sflag:s23] =	ssyncadd.s32 $0xFFFFFFFF  }
0xa5: {  	s26 =	simm.s32 $execute0_lowered;
	[smem:$0x3FD2] =	sst s25  }
0xa6: {  	s4 =	sshll.u32 s26, $0x1;
	_ =	strace $0x8000004F;
	[dreg:$0x1] =	wrdreg $0xFFFFFFFF  }
0xa7: {  	s28 =	simm.s32 $_size_execute0_lowered;
	s2 =	sadd.s32 s2, s4;
	[dreg:$0x0] =	wrdreg $0x0  }
0xa8: {  	s4 =	sshll.u32 s28, $0x1;
	[dreg:$0x2] =	wrdreg s2  }
0xa9: {  	[dreg:$0x3] =	wrdreg s4  }
0xaa: {  	[dreg:$0x4] =	wrdreg $0xC0  }
0xab: {  	_ =	task [dreg:s6], $0x5FFFF  }
0xac: {  	[dreg:$0x1] =	wrdreg $0xFFFFFFFF  }
0xad: {  	[dreg:$0x0] =	wrdreg $0x60  }
0xae: {  	[dreg:$0x2] =	wrdreg s24  }
0xaf: {  	[dreg:$0x3] =	wrdreg $0xA8000  }
0xb0: {  	[dreg:$0x4] =	wrdreg $0x9  }
0xb1: {  	_ =	task.clear_ibuf [dreg:s6], $0x5FFFF;
	_ =	strace $0x9000004F  }
0xb2: {  	s29 =	simm.s32 $0x9;
	_ =	strace $0x80000051  }
0xb3: {  	_ =	swait.ge [sflag:s29], $0x1  }
0xb4: {  	[sflag:s29] =	ssyncadd.s32 $0xFFFFFFFF  }
0xb5: {  	_ =	strace $0x90000051  }
0xb6: {  	_ =	sfence  }
0xb7: {  	s30 =	sld [smem:$0x0];
	_ =	sdelay $0x2  }
0xb8: {  	s31 =	sshll.u32 s1, $0xD;
	s1 =	sshrl.u32 s1, $0x2  }
0xb9: {  	s3 =	sand.u32 $0x4000, s31;
	s1 =	sadd.s32 s1, s30  }
0xba: {  	s0 =	sor.u32 s3, s0;
	s1 =	sshll.u32 s1, $0x11  }
0xbb: {  	s0 =	sor.u32 s1, s0  }
0xbc: {  	s0 =	sadd.s32 $0x8F2B, s0  }
0xbd: {  	[sflag:s0] =	ssyncadd.remote.s32 $0x1  }
0xbe: {  	_ =	sfence.sel $0xFFFF  }
0xbf: {  	[dreg:$0x0] =	wrdreg $0xFFFFFFFF;
	(pc) =	sbr.abs _section_cstart, $3  }
0xc0: {  	[dreg:$0x1] =	wrdreg $0xFFFFFFFF  }
0xc1: {  	_ =	task.clear_ibuf [dreg:s6], $0x2FFFF;
	_ =	strace $0x9FFFFFFF  }
0xc2: {  	(tm) =	ssettm $0x7FFFFFFF  }
0xc3: {  	_ =	shalt  }
tec
execute0_lowered:
.L_overlay_start_1:
0x0: {  	(tag) =	ssettag $0x1  }
0x1: {  	s1 =	srdreg.scid;
	s5 =	rddreg [dreg:$0x0]  }
0x2: {  	s0 =	stileid.u32;
	s2 =	rddreg [dreg:$0x1]  }
0x3: {  	s3 =	simm.s32 $0x0;
	s14 =	simm.s32 $0x80;
	s15 =	simm.s32 $0x6800  }
0x4: {  	s16 =	simm.s32 $0x1;
	s17 =	simm.s32 $0x0;
	s9 =	sand.u32 $0x1, s1  }
0x5: {  	s25 =	sshll.u32 s0, $0x1;
	s7 =	smul.u32 $0x13C00, s0;
	[smem:$0x7FF] =	sst s3  }
0x6: {  	s4 =	sadd.s32 $0x55000, s5;
	s28 =	smul.u32 $0x4F000, s0;
	s31 =	sshll.u32 s0, $0x6  }
0x7: {  	s1 =	sor.u32 s9, s25;
	s8 =	smul.u32 $0x13C000, s9;
	s11 =	ssub.s32 $0x2, s9  }
0x8: {  	p0 =	seq.s32 s9, $0x0;
	s9 =	simm.s32 $0x61;
	s6 =	smul.u32 $0x680, s1  }
0x9: {  	s1 =	rddreg [dreg:$0x2];
	_ =	strace $0x80000050;
	s26 =	sshrl.u32 s7, $0x3  }
0xa: {  	s29 =	sshrl.u32 s11, $0x1;
	s30 =	sshrl.u32 s28, $0x2;
	s9 =	simm.s32 @!p0 $0x3C  }
0xb: {  	s7 =	sadd.s32 s7, s8;
	s11 =	ssub.s32 s11, s29;
	s13 =	sadd.s32 s30, s2  }
0xc: {  	s10 =	sadd.s32 s6, s5;
	s6 =	sadd.s32 s26, s5;
	s7 =	sshrl.u32 s7, $0x3  }
0xd: {  	s11 =	smax.u32 s11, $0x1;
	s12 =	sadd.s32 s7, s5;
	s5 =	sadd.s32 $0x89200, s6  }
0xe: {  	s6 =	sor.u32 $0x1C02, s31;
	s7 =	sadd.s32 $0x5600, s10;
	s8 =	sadd.s32 $0x7C200, s10  }
0xf: {  	s10 =	sadd.s32 $0xB0A00, s12;
	s12 =	sshrl.u32 s13, $0x3;
	s13 =	simm.s32 $0x2  }
.LBB2_1:
0x10: {  	[spmem:s12], [sflag:s6] =	dma.local [hbm:s5], $0x2780  }
0x11: {  	_ =	swait.ge [sflag:s13], $0x2780  }
0x12: {  	[sflag:s13] =	ssyncset.done $0x0  }
0x13: {  	[sflag:s13] =	ssyncadd.s32 $0xFFFFD880  }
0x14: {  	[tilespmem:s3], [sflag:$0x2] =	stream.linear.gather [hbm4b:s7+s3], $0x3080, $0x38;
	[tilespmem:$0x1E400] =	vst v63  }
0x15: {  	_ =	swait.ge [sflag:s13], $0x3080  }
0x16: {  	[sflag:s13] =	ssyncset.done $0x0  }
0x17: {  	s18 =	simm.s32 $0x3400;
	[sflag:s13] =	ssyncadd.s32 $0xFFFFCF80  }
0x18: {  	[tilespmem:s18], [sflag:$0x2] =	stream.linear.gather [hbm4b:s8+s3], $0x3080, $0x38;
	[tilespmem:$0x1E400] =	vst v63  }
0x19: {  	_ =	swait.ge [sflag:s13], $0x3080  }
0x1a: {  	[sflag:s13] =	ssyncset.done $0x0  }
0x1b: {  	[sflag:s13] =	ssyncadd.s32 $0xFFFFCF80  }
0x1c: {  	[bflag:$0x0] =	sbarrier.arrive $0xFFFF  }
0x1d: {  	[tilespmem:s15], [sflag:$0x1] =	stream.indirect.gather [hbm4b:s4+s14], $0x80, s3, s14, $0xb8;
	[tilespmem:$0x1E400] =	vst v63  }
0x1e: {  	p0 =	sne.s32 s9, $0x1;
	_ =	swait.ge [sflag:s16], $0x4000  }
.Ltmp0:
0x1f: {  	[sflag:s16] =	ssyncset.done $0x0;
	(pc) =	sbr.rel @!p0 .LBB2_3-.Ltmp0, $4  }
0x20: {  	[sflag:s16] =	ssyncadd.s32 $0xFFFFC000  }
0x21: {  	[spmem:s2] =	stream.indirect.scatter.add.f32 [tilespmem:s15], [sflag:$0x2], $0x80, s18, s14, $0xb8;
	[tilespmem:$0x1E400] =	vst v63  }
0x22: {  	_ =	swait.ge [sflag:s13], $0x4000  }
0x23: {  	s19 =	sadd.s32 $0xFFFFFFFF, s9;
	s20 =	simm.s32 $0x0;
	[sflag:s13] =	ssyncset.done $0x0  }
.LBB2_2:
0x24: {  	[sflag:s13] =	ssyncadd.s32 $0xFFFFC000;
	s20 =	sadd.s32 $0x80, s20;
	s18 =	sadd.s32 $0x80, s18  }
0x25: {  	[tilespmem:s15], [sflag:$0x1] =	stream.indirect.gather [hbm4b:s4+s14], $0x80, s20, s14, $0xb8;
	[tilespmem:$0x1E400] =	vst v63  }
0x26: {  	p0 =	sne.s32 s19, $0x1;
	s19 =	sadd.s32 $0xFFFFFFFF, s19;
	_ =	swait.ge [sflag:s16], $0x4000  }
.Ltmp1:
0x27: {  	[sflag:s16] =	ssyncset.done $0x0;
	(pc) =	sbr.rel @p0 .LBB2_2-.Ltmp1, $4  }
0x28: {  	[sflag:s16] =	ssyncadd.s32 $0xFFFFC000  }
0x29: {  	[spmem:s2] =	stream.indirect.scatter.add.f32 [tilespmem:s15], [sflag:$0x2], $0x80, s18, s14, $0xb8;
	[tilespmem:$0x1E400] =	vst v63  }
0x2a: {  	_ =	swait.ge [sflag:s13], $0x4000  }
0x2b: {  	[sflag:s13] =	ssyncset.done $0x0  }
.LBB2_3:
0x2c: {  	s17 =	sadd.s32 $0x1, s17  }
0x2d: {  	[sflag:s13] =	ssyncadd.s32 $0xFFFFC000;
	p0 =	sne.s32 s17, s11  }
.Ltmp2:
0x2e: {  	[bflag:$0x0] =	sbarrier.arrive $0xFFFF;
	(pc) =	sbr.rel @p0 .LBB2_1-.Ltmp2, $4  }
0x2f: {  	[hbm:s10], [sflag:s6] =	dma.local [spmem:s12], $0x2780  }
0x30: {  	_ =	swait.ge [sflag:s13], $0x2780  }
0x31: {  	[sflag:s13] =	ssyncset.done $0x0  }
0x32: {  	[sflag:s13] =	ssyncadd.s32 $0xFFFFD880  }
0x33: {  	_ =	sfence.sel $0x180000  }
0x34: {  	[bflag:$0x0] =	sbarrier.arrive $0xFFFF  }
0x35: {  	p0 =	sne.s32 s0, $0x0;
	_ =	strace $0x90000050  }
0x36: {  	s0 =	sadd.s32 @!p0 $0x100000, s1;
	[bflag:$0x2] =	sbarrier.arrive $0xFFFF  }
0x37: {  	[sflag:s0] =	ssyncadd.tile.s32 @!p0 $0x1;
	_ =	shalt  }
.Lfunc_end2:
_tile_overlayer_lowered:
.L_overlay_start_2:
0x38: {  	(tag) =	ssettag $0x2  }
0x39: {  	s0 =	rddreg [dreg:$0x0];
	s2 =	stileid.u32  }
0x3a: {  	s1 =	rddreg [dreg:$0x1];
	p0 =	sne.s32 s2, $0x0  }
0x3b: {  	s3 =	rddreg [dreg:$0x2];
	[bflag:$0x3] =	sbarrier.arrive $0xFFFF;
	s2 =	simm.s32 @!p0 $0x1C02  }
0x3c: {  	[timem:s3], [sflag:s2] =	dma.local @!p0 [hbm:s0], s1  }
0x3d: {  	s0 =	simm.s32 @!p0 $0x2  }
0x3e: {  	_ =	swait.ge @!p0 [sflag:s0], s1  }
0x3f: {  	s1 =	ssub.s32 @!p0 $0x0, s1;
	[sflag:s0] =	ssyncset.done @!p0 $0x0  }
0x40: {  	[sflag:s0] =	ssyncadd.s32 @!p0 s1  }
0x41: {  	[bflag:$0x3] =	sbarrier.arrive $0xFFFF  }
0x42: {  	_ =	shalt  }

// kernel: kernel.25.cloned.1.call-start
scs
__scs_entry_jumppad:
0x0: {  	(pc) =	sbr.rel $0x88, $3  }
0x1: {  	(tag) =	ssettag $0x0;
	lr =	simm.s32 $0x1  }
0x2: {  	[smem:$0x3F99] =	sst lr;
	_ =	strace $0xD0000000  }
0x3: {  	_ = 	snop  }
0x4: {  	_ = 	snop  }
0x5: {  	_ = 	snop  }
0x6: {  	_ = 	snop  }
0x7: {  	_ = 	snop  }
__scs_overlays_trampoline_lowered:
0x8: {  	[smem:$0x3FA8] =	sst s0  }
0x9: {  	[smem:$0x3FA9] =	sst s1  }
0xa: {  	[smem:$0x3FAA] =	sst s2  }
0xb: {  	[smem:$0x3FAB] =	sst s3  }
0xc: {  	[smem:$0x3FAC] =	sst s4  }
0xd: {  	[smem:$0x3FAD] =	sst s5  }
0xe: {  	[smem:$0x3FAE] =	sst s6  }
0xf: {  	[smem:$0x3FAF] =	sst s7  }
0x10: {  	[smem:$0x3FB0] =	sst s8  }
0x11: {  	[smem:$0x3FB1] =	sst s9;
	s0 =	simm.s32 @!p0 $0x0  }
0x12: {  	s1 =	sld [smem:$0x3F97];
	s0 =	simm.s32 @p0 $0x1  }
0x13: {  	[smem:$0x3FB2] =	sst s0;
	s0 =	simm.s32 @!p1 $0x0  }
0x14: {  	s2 =	sld [smem:$0x3F96];
	s0 =	simm.s32 @p1 $0x1  }
0x15: {  	[smem:$0x3FB3] =	sst s0;
	s0 =	simm.s32 @!p2 $0x0  }
0x16: {  	s3 =	sld [smem:$0x3FDB];
	s0 =	simm.s32 @p2 $0x1  }
0x17: {  	s4 =	simm.s32 $0x1BF5;
	[smem:$0x3FB5] =	sst s0  }
0x18: {  	s0 =	sld [smem:$0x3F98];
	_ =	swait.ge [sflag:s4], $0x0  }
0x19: {  	s7 =	sld [smem:$0x3F99]  }
0x1a: {  	s8 =	sadd.s32 $0xFFFFE003, lr  }
0x1b: {  	s9 =	sadd.s32 $0xFFFFFEF7, lr;
	s5 =	simm.s32 $0xFFFFFFFF;
	p2 =	slt.u32 s8, $0xFFFFF086  }
0x1c: {  	p1 =	slt.u32 s9, $0xF7A;
	s5 =	simm.s32 @!p2 $0x0  }
0x1d: {  	s5 =	simm.s32 @p1 $0x1;
	p0 =	seq.s32 s7, s2  }
0x1e: {  	s7 =	smul.u32 @!p0 $0xF7A, s2;
	p2 =	seq.s32 @!p0 s5, $0x0  }
0x1f: {  	s9 =	smul.u32 $0xF7A, s1;
	s8 =	simm.s32 @!p0 $0x1BF5;
	p2 =	por !p2, p0  }
0x20: {  	[sflag:s8] =	ssyncset.s32 @!p0 $0xFFFFF086;
	s6 =	sadd.s32 @!p0 s3, s7;
	s7 =	simm.s32 @!p0 $0x108  }
0x21: {  	s3 =	sadd.s32 s3, s9;
	s6 =	sadd.s32 @!p0 $0x88, s6;
	s7 =	simm.s32 @p2 $0x1082  }
0x22: {  	[simem:s7], [sflag:s8] =	dma.local @!p0 [hbm:s6], $0xF7A  }
0x23: {  	s9 =	sor.u32 $0xD0000000, s2;
	s6 =	simm.s32 $0x108;
	_ =	swait.ge @!p0 [sflag:s8], $0x0  }
0x24: {  	s3 =	sadd.s32 $0x88, s3;
	s6 =	simm.s32 @!p1 $0x1082;
	[sflag:s4] =	ssyncset.s32 $0xFFFFF086  }
0x25: {  	[simem:s6], [sflag:s4] =	dma.local [hbm:s3], $0xF7A  }
0x26: {  	[smem:$0x3F99] =	sst s1;
	(tag) =	ssettag s2;
	_ =	strace s9  }
0x27: {  	s1 =	sld [smem:$0x3FA9]  }
0x28: {  	s2 =	sld [smem:$0x3FAA]  }
0x29: {  	s4 =	sld [smem:$0x3FAC]  }
0x2a: {  	p0 =	seq.s32 s5, $0x0;
	s5 =	sld [smem:$0x3FAD]  }
0x2b: {  	s6 =	sld [smem:$0x3FAE]  }
0x2c: {  	s7 =	sld [smem:$0x3FAF]  }
0x2d: {  	s3 =	simm.s32 $0x108;
	s8 =	sld [smem:$0x3FB0]  }
0x2e: {  	s3 =	simm.s32 @!p0 $0x1082;
	s9 =	sld [smem:$0x3FB1]  }
0x2f: {  	lr =	sadd.s32 s0, s3;
	s0 =	sld [smem:$0x3FA8]  }
0x30: {  	s3 =	sld [smem:$0x3FAB]  }
0x31: {  	[smem:$0x3FB4] =	sst s10  }
0x32: {  	s10 =	sld [smem:$0x3FB2];
	_ =	sdelay $0x3  }
0x33: {  	p0 =	seq.s32 s10, $0x1;
	s10 =	sld [smem:$0x3FB4];
	_ =	sdelay $0x3  }
0x34: {  	[smem:$0x3FB4] =	sst s10  }
0x35: {  	s10 =	sld [smem:$0x3FB3];
	_ =	sdelay $0x3  }
0x36: {  	p1 =	seq.s32 s10, $0x1;
	s10 =	sld [smem:$0x3FB4];
	_ =	sdelay $0x3  }
0x37: {  	[smem:$0x3FB4] =	sst s10  }
0x38: {  	s10 =	sld [smem:$0x3FB5]  }
0x39: {  	_ = 	snop;
	(pc) =	sbr.ind lr, $3  }
0x3a: {  	_ = 	snop  }
0x3b: {  	_ = 	snop  }
0x3c: {  	p2 =	seq.s32 s10, $0x1;
	s10 =	sld [smem:$0x3FB4]  }
0x3d: {  	_ =	shalt  }
0x3e: {  	_ =	shalt  }
0x3f: {  	_ =	shalt  }
0x40: {  	_ =	shalt  }
0x41: {  	_ =	shalt  }
0x42: {  	_ =	shalt  }
0x43: {  	_ =	shalt  }
0x44: {  	_ =	shalt  }
0x45: {  	_ =	shalt  }
0x46: {  	_ =	shalt  }
0x47: {  	_ =	shalt  }
0x48: {  	_ =	shalt  }
0x49: {  	_ =	shalt  }
0x4a: {  	_ =	shalt  }
0x4b: {  	_ =	shalt  }
0x4c: {  	_ =	shalt  }
0x4d: {  	_ =	shalt  }
0x4e: {  	_ =	shalt  }
0x4f: {  	_ =	shalt  }
0x50: {  	_ =	shalt  }
0x51: {  	_ =	shalt  }
0x52: {  	_ =	shalt  }
0x53: {  	_ =	shalt  }
0x54: {  	_ =	shalt  }
0x55: {  	_ =	shalt  }
0x56: {  	_ =	shalt  }
0x57: {  	_ =	shalt  }
0x58: {  	_ =	shalt  }
0x59: {  	_ =	shalt  }
0x5a: {  	_ =	shalt  }
0x5b: {  	_ =	shalt  }
0x5c: {  	_ =	shalt  }
0x5d: {  	_ =	shalt  }
0x5e: {  	_ =	shalt  }
0x5f: {  	_ =	shalt  }
0x60: {  	_ =	shalt  }
0x61: {  	_ =	shalt  }
0x62: {  	_ =	shalt  }
0x63: {  	_ =	shalt  }
0x64: {  	_ =	shalt  }
0x65: {  	_ =	shalt  }
0x66: {  	_ =	shalt  }
0x67: {  	_ =	shalt  }
0x68: {  	_ =	shalt  }
0x69: {  	_ =	shalt  }
0x6a: {  	_ =	shalt  }
0x6b: {  	_ =	shalt  }
0x6c: {  	_ =	shalt  }
0x6d: {  	_ =	shalt  }
0x6e: {  	_ =	shalt  }
0x6f: {  	_ =	shalt  }
0x70: {  	_ =	shalt  }
0x71: {  	_ =	shalt  }
0x72: {  	_ =	shalt  }
0x73: {  	_ =	shalt  }
0x74: {  	_ =	shalt  }
0x75: {  	_ =	shalt  }
0x76: {  	_ =	shalt  }
0x77: {  	_ =	shalt  }
0x78: {  	_ =	shalt  }
0x79: {  	_ =	shalt  }
0x7a: {  	_ =	shalt  }
0x7b: {  	_ =	shalt  }
0x7c: {  	_ =	shalt  }
0x7d: {  	_ =	shalt  }
0x7e: {  	_ =	shalt  }
0x7f: {  	_ =	shalt  }
0x80: {  	_ =	shalt  }
0x81: {  	_ =	shalt  }
0x82: {  	_ =	shalt  }
0x83: {  	_ =	shalt  }
0x84: {  	_ =	shalt  }
0x85: {  	_ =	shalt  }
0x86: {  	_ =	shalt  }
0x87: {  	_ =	shalt  }
.Lfunc_end0:
.L_simem_size_0:
called_computation.4_lowered:
.L_overlay_start_0:
0x88: {  	s2 =	sld [smem:$0x3FD9]  }
0x89: {  	s3 =	sld [smem:$0x3FFE];
	_ =	sdelay $0x1  }
0x8a: {  	s1 =	srdreg.scid  }
0x8b: {  	s0 =	sand.u32 $0x1, s1  }
0x8c: {  	s16 =	sshll.u32 s0, $0xA;
	s2 =	sadd.s32 s3, s2  }
0x8d: {  	s2 =	sadd.s32 s2, s16  }
0x8e: {  	[smem:$0x3FC0] =	sst s2  }
0x8f: {  	_ = 	snop  }
0x90: {  	(tm) =	ssettm $0x1  }
0x91: {  	s17 =	sld [smem:$0x3FFB];
	_ =	sdelay $0x3  }
0x92: {  	_ =	strace s17  }
0x93: {  	s2 =	sld [smem:$0x3FFC];
	_ =	sdelay $0x3  }
0x94: {  	_ =	strace s2  }
0x95: {  	s2 =	sld [smem:$0x3FFD];
	_ =	sdelay $0x3  }
0x96: {  	_ =	strace s2  }
0x97: {  	_ =	strace $0x8FFFFFFF  }
0x98: {  	s18 =	sld [smem:$0x3FDB];
	_ =	sdelay $0x1  }
0x99: {  	s19 =	simm.s32 $_scs_section_size  }
0x9a: {  	s4 =	simm.s32 $_size__tile_overlayer_lowered;
	s5 =	simm.s32 $_tile_overlayer_lowered  }
0x9b: {  	s22 =	simm.s32 $0x1BFF;
	s21 =	sshll.u32 s5, $0x1;
	s2 =	sadd.s32 s19, s18  }
0x9c: {  	s6 =	simm.s32 $0x0;
	s20 =	sshll.u32 s4, $0x1;
	s4 =	sadd.s32 s21, s2  }
0x9d: {  	[timem:s6], [sflag:s22] =	dma.local [hbm:s4], s20  }
0x9e: {  	_ =	swait.ge [sflag:s22], s20  }
0x9f: {  	s3 =	ssub.s32 $0x0, s20;
	[sflag:s22] =	ssyncset.done $0x0  }
0xa0: {  	[sflag:s22] =	ssyncadd.s32 s3;
	_ =	sdelay $0x1  }
0xa1: {  	s23 =	simm.s32 $0x1B8B  }
0xa2: {  	_ =	swait.ge [sflag:s23], $0x1  }
0xa3: {  	[sflag:s23] =	ssyncset.done $0x0  }
0xa4: {  	s25 =	simm.s32 $0x1B8E;
	s24 =	sld [smem:$0x3FFE];
	[sflag:s23] =	ssyncadd.s32 $0xFFFFFFFF  }
0xa5: {  	s26 =	simm.s32 $execute0_lowered;
	[smem:$0x3FD2] =	sst s25  }
0xa6: {  	s4 =	sshll.u32 s26, $0x1;
	_ =	strace $0x80000052;
	[dreg:$0x1] =	wrdreg $0xFFFFFFFF  }
0xa7: {  	s28 =	simm.s32 $_size_execute0_lowered;
	s2 =	sadd.s32 s2, s4;
	[dreg:$0x0] =	wrdreg $0x0  }
0xa8: {  	s4 =	sshll.u32 s28, $0x1;
	[dreg:$0x2] =	wrdreg s2  }
0xa9: {  	[dreg:$0x3] =	wrdreg s4  }
0xaa: {  	[dreg:$0x4] =	wrdreg $0xC0  }
0xab: {  	_ =	task [dreg:s6], $0x5FFFF  }
0xac: {  	[dreg:$0x1] =	wrdreg $0xFFFFFFFF  }
0xad: {  	[dreg:$0x0] =	wrdreg $0x60  }
0xae: {  	[dreg:$0x2] =	wrdreg s24  }
0xaf: {  	[dreg:$0x3] =	wrdreg $0x41800  }
0xb0: {  	[dreg:$0x4] =	wrdreg $0x9  }
0xb1: {  	_ =	task.clear_ibuf [dreg:s6], $0x5FFFF;
	_ =	strace $0x90000052  }
0xb2: {  	s29 =	simm.s32 $0x9;
	_ =	strace $0x80000054  }
0xb3: {  	_ =	swait.ge [sflag:s29], $0x1  }
0xb4: {  	[sflag:s29] =	ssyncadd.s32 $0xFFFFFFFF  }
0xb5: {  	_ =	strace $0x90000054  }
0xb6: {  	_ =	sfence  }
0xb7: {  	s30 =	sld [smem:$0x0];
	_ =	sdelay $0x2  }
0xb8: {  	s31 =	sshll.u32 s1, $0xD;
	s1 =	sshrl.u32 s1, $0x2  }
0xb9: {  	s3 =	sand.u32 $0x4000, s31;
	s1 =	sadd.s32 s1, s30  }
0xba: {  	s0 =	sor.u32 s3, s0;
	s1 =	sshll.u32 s1, $0x11  }
0xbb: {  	s0 =	sor.u32 s1, s0  }
0xbc: {  	s0 =	sadd.s32 $0x8F2B, s0  }
0xbd: {  	[sflag:s0] =	ssyncadd.remote.s32 $0x1  }
0xbe: {  	_ =	sfence.sel $0xFFFF  }
0xbf: {  	[dreg:$0x0] =	wrdreg $0xFFFFFFFF;
	(pc) =	sbr.abs _section_cstart, $3  }
0xc0: {  	[dreg:$0x1] =	wrdreg $0xFFFFFFFF  }
0xc1: {  	_ =	task.clear_ibuf [dreg:s6], $0x2FFFF;
	_ =	strace $0x9FFFFFFF  }
0xc2: {  	(tm) =	ssettm $0x7FFFFFFF  }
0xc3: {  	_ =	shalt  }
tec
execute0_lowered:
.L_overlay_start_1:
0x0: {  	(tag) =	ssettag $0x1  }
0x1: {  	s9 =	rddreg [dreg:$0x0]  }
0x2: {  	s2 =	rddreg [dreg:$0x1]  }
0x3: {  	s0 =	rddreg [dreg:$0x2];
	s4 =	srdreg.scid;
	s3 =	simm.s32 $0x0  }
0x4: {  	s1 =	stileid.u32;
	s16 =	simm.s32 $0x80;
	s17 =	simm.s32 $0x100  }
0x5: {  	s18 =	simm.s32 $0x180;
	s19 =	simm.s32 $0x0;
	s7 =	sand.u32 $0x1, s4  }
0x6: {  	[smem:$0x7FF] =	sst s3;
	s6 =	sshll.u32 s1, $0x7;
	s4 =	sadd.s32 $0x55000, s9  }
0x7: {  	s5 =	sadd.s32 $0x40E00, s9;
	s13 =	sshll.u32 s1, $0xA;
	s30 =	sshll.u32 s1, $0x6  }
0x8: {  	s31 =	smul.u32 $0x5000, s1;
	s8 =	sshll.u32 s7, $0xB;
	_ =	strace $0x80000053  }
0x9: {  	s11 =	ssub.s32 $0x2, s7;
	s14 =	sadd.s32 s6, s9;
	s13 =	sadd.s32 s13, s2  }
0xa: {  	s15 =	smul.u32 $0x50000, s7;
	s7 =	sor.u32 $0x1C02, s30;
	s10 =	sor.u32 s6, s8  }
.Ltmp0:
0xb: {  	s12 =	sshrl.u32 s11, $0x1;
	s6 =	sadd.s32 $0x89200, s14;
	(pc) =	sbr.rel .LBB2_1-.Ltmp0, $4  }
0xc: {  	s14 =	sadd.s32 s8, s14;
	s13 =	sshrl.u32 s13, $0x3;
	s10 =	sshrl.u32 s10, $0x3  }
0xd: {  	s11 =	ssub.s32 s11, s12;
	s12 =	sadd.s32 s31, s15;
	s15 =	simm.s32 $0x1  }
0xe: {  	s10 =	sadd.s32 s10, s9;
	s9 =	sadd.s32 $0x40E10, s9;
	s11 =	smax.u32 s11, $0x1  }
0xf: {  	s8 =	sadd.s32 $0x54E00, s10;
	s10 =	sadd.s32 $0x7C200, s14;
	s14 =	simm.s32 $0x2  }
.LBB2_5:
0x10: {  	s20 =	sadd.s32 s5, s22;
	[sflag:s14] =	ssyncadd.s32 @p0 $0xFFFFC000  }
0x11: {  	[tilespmem:s16], [sflag:$0x2] =	stream.linear.gather [hbm4b:s20+s3], $0x80, $0x38;
	[tilespmem:$0x4580] =	vst v63  }
0x12: {  	_ =	swait.ge [sflag:s14], $0x80  }
0x13: {  	[sflag:s14] =	ssyncset.done $0x0  }
0x14: {  	s31 =	sadd.s32 s22, s9;
	[sflag:s14] =	ssyncadd.s32 $0xFFFFFF80  }
0x15: {  	[tilespmem:s17], [sflag:$0x2] =	stream.linear.gather [hbm4b:s31+s3], $0x80, $0x38;
	[tilespmem:$0x4580] =	vst v63  }
0x16: {  	_ =	swait.ge [sflag:s14], $0x80  }
0x17: {  	[sflag:s14] =	ssyncset.done $0x0  }
0x18: {  	[sflag:s14] =	ssyncadd.s32 $0xFFFFFF80  }
0x19: {  	[tilespmem:s18], [sflag:$0x1] =	stream.indirect.gather [hbm4b:s4+s16], $0x80, s16, s16, $0xb8;
	[tilespmem:$0x4580] =	vst v63  }
0x1a: {  	_ =	swait.ge [sflag:s15], $0x4000  }
0x1b: {  	[sflag:s15] =	ssyncset.done $0x0  }
0x1c: {  	[sflag:s15] =	ssyncadd.s32 $0xFFFFC000  }
0x1d: {  	[spmem:s2] =	stream.indirect.scatter.add.f32 [tilespmem:s18], [sflag:$0x2], $0x80, s17, s16, $0xb8;
	[tilespmem:$0x4580] =	vst v63  }
0x1e: {  	_ =	swait.ge [sflag:s14], $0x4000  }
0x1f: {  	[sflag:s14] =	ssyncset.done $0x0  }
0x20: {  	[sflag:s14] =	ssyncadd.s32 $0xFFFFC000  }
.LBB2_6:
0x21: {  	s19 =	sadd.s32 $0x1, s19  }
0x22: {  	p0 =	sne.s32 s19, s11  }
.Ltmp1:
0x23: {  	[bflag:$0x0] =	sbarrier.arrive $0xFFFF;
	(pc) =	sbr.rel @!p0 .LBB2_7-.Ltmp1, $4  }
0x24: {  	[hbm:s10], [sflag:s7] =	dma.local [spmem:s13], $0x80  }
0x25: {  	_ =	swait.ge [sflag:s14], $0x80  }
0x26: {  	[sflag:s14] =	ssyncset.done $0x0  }
0x27: {  	[sflag:s14] =	ssyncadd.s32 $0xFFFFFF80  }
.LBB2_1:
0x28: {  	[spmem:s13], [sflag:s7] =	dma.local [hbm:s6], $0x80  }
0x29: {  	_ =	swait.ge [sflag:s14], $0x80  }
0x2a: {  	[sflag:s14] =	ssyncset.done $0x0  }
0x2b: {  	[sflag:s14] =	ssyncadd.s32 $0xFFFFFF80  }
0x2c: {  	[tilespmem:s3], [sflag:$0x2] =	stream.linear.gather [hbm4b:s8+s3], $0x80, $0x38;
	[tilespmem:$0x4580] =	vst v63  }
0x2d: {  	_ =	swait.ge [sflag:s14], $0x80  }
0x2e: {  	[sflag:s14] =	ssyncset.done $0x0  }
0x2f: {  	[sflag:s14] =	ssyncadd.s32 $0xFFFFFF80  }
0x30: {  	[bflag:$0x0] =	sbarrier.arrive $0xFFFF  }
0x31: {  	v0 =	vld [tilespmem:$0x0];
	_ =	sdelay $0x4  }
0x32: {  	v0 =	vxor.u32 $0x80000000, v0  }
0x33: {  	(xrf0) =	vmax.scan.msk.u32 $0xffff, v0;
	_ =	sdelay $0x5  }
0x34: {  	v0, _, _ =	vpop (xrf0)  }
0x35: {  	(v2sf) =	vpush v0, $0xF;
	_ =	sdelay $0xe  }
0x36: {  	s20 =	spop (v2sf)  }
0x37: {  	s20 =	sadd.s32 $0x8000007F, s20  }
0x38: {  	s21 =	sand.u32 $0x7F, s20  }
0x39: {  	s31 =	sshra.s32 s20, $0x1F;
	p1 =	slt.s32 s20, $0x1;
	p0 =	sne.s32 s21, $0x0  }
0x3a: {  	s21 =	sshrl.u32 s31, $0x19;
	p0 =	por !p1, !p0  }
0x3b: {  	s20 =	sadd.s32 s21, s20;
	s21 =	simm.s32 $0x1;
	p0 =	por !p0, !p0  }
0x3c: {  	s20 =	sshra.s32 s20, $0x7;
	s21 =	simm.s32 @!p0 $0x0  }
0x3d: {  	s20 =	ssub.s32 s20, s21  }
0x3e: {  	p0 =	slt.s32 s20, $0x1  }
.Ltmp2:
0x3f: {  	_ = 	snop;
	(pc) =	sbr.rel @p0 .LBB2_6-.Ltmp2, $1  }
0x40: {  	_ =	sdelay $0x3  }
0x41: {  	p1 =	sne.s32 s20, $0x1  }
.Ltmp3:
0x42: {  	_ = 	snop;
	(pc) =	sbr.rel @!p1 .LBB2_5-.Ltmp3, $2  }
0x43: {  	_ =	sdelay $0x2  }
0x44: {  	s20 =	sadd.s32 $0xFFFFFFFF, s20;
	s22 =	sshrl.u32 s12, $0x3;
	p0 =	por $0x0, $0x0  }
0x45: {  	s21 =	sadd.s32 s5, s22  }
0x46: {  	[tilespmem:s16], [sflag:$0x2] =	stream.linear.gather [hbm4b:s21+s3], $0x80, $0x38;
	[tilespmem:$0x4580] =	vst v63  }
0x47: {  	_ =	swait.ge [sflag:s14], $0x80  }
0x48: {  	[sflag:s14] =	ssyncset.done $0x0  }
0x49: {  	s31 =	sadd.s32 s22, s9;
	[sflag:s14] =	ssyncadd.s32 $0xFFFFFF80  }
0x4a: {  	[tilespmem:s17], [sflag:$0x2] =	stream.linear.gather [hbm4b:s31+s3], $0x80, $0x38;
	[tilespmem:$0x4580] =	vst v63  }
0x4b: {  	_ =	swait.ge [sflag:s14], $0x80  }
0x4c: {  	[sflag:s14] =	ssyncset.done $0x0  }
0x4d: {  	[sflag:s14] =	ssyncadd.s32 $0xFFFFFF80  }
0x4e: {  	[tilespmem:s18], [sflag:$0x1] =	stream.indirect.gather [hbm4b:s4+s16], $0x80, s16, s16, $0xb8;
	[tilespmem:$0x4580] =	vst v63  }
0x4f: {  	p1 =	sne.s32 s20, $0x1;
	_ =	swait.ge [sflag:s15], $0x4000  }
.Ltmp4:
0x50: {  	[sflag:s15] =	ssyncset.done $0x0;
	(pc) =	sbr.rel @!p1 .LBB2_5-.Ltmp4, $4  }
0x51: {  	[sflag:s15] =	ssyncadd.s32 $0xFFFFC000  }
0x52: {  	[spmem:s2] =	stream.indirect.scatter.add.f32 [tilespmem:s18], [sflag:$0x2], $0x80, s17, s16, $0xb8;
	[tilespmem:$0x4580] =	vst v63  }
0x53: {  	s20 =	sadd.s32 $0xFFFFFFFF, s20;
	s21 =	sadd.s32 $0x100, s12;
	_ =	swait.ge [sflag:s14], $0x4000  }
0x54: {  	p0 =	por $0x1, $0x1;
	s22 =	sshrl.u32 s21, $0x3;
	[sflag:s14] =	ssyncset.done $0x0  }
.LBB2_4:
0x55: {  	p1 =	sne.s32 s20, $0x1;
	s23 =	sadd.s32 s5, s22;
	[sflag:s14] =	ssyncadd.s32 $0xFFFFC000  }
0x56: {  	[tilespmem:s16], [sflag:$0x2] =	stream.linear.gather [hbm4b:s23+s3], $0x80, $0x38;
	[tilespmem:$0x4580] =	vst v63  }
0x57: {  	s20 =	sadd.s32 $0xFFFFFFFF, s20;
	_ =	swait.ge [sflag:s14], $0x80  }
0x58: {  	[sflag:s14] =	ssyncset.done $0x0  }
0x59: {  	s22 =	sadd.s32 s22, s9;
	[sflag:s14] =	ssyncadd.s32 $0xFFFFFF80  }
0x5a: {  	[tilespmem:s17], [sflag:$0x2] =	stream.linear.gather [hbm4b:s22+s3], $0x80, $0x38;
	[tilespmem:$0x4580] =	vst v63  }
0x5b: {  	_ =	swait.ge [sflag:s14], $0x80  }
0x5c: {  	[sflag:s14] =	ssyncset.done $0x0  }
0x5d: {  	[sflag:s14] =	ssyncadd.s32 $0xFFFFFF80  }
0x5e: {  	[tilespmem:s18], [sflag:$0x1] =	stream.indirect.gather [hbm4b:s4+s16], $0x80, s16, s16, $0xb8;
	[tilespmem:$0x4580] =	vst v63  }
0x5f: {  	_ =	swait.ge [sflag:s15], $0x4000  }
.Ltmp5:
0x60: {  	[sflag:s15] =	ssyncset.done $0x0;
	(pc) =	sbr.rel @p1 .LBB2_4-.Ltmp5, $4  }
0x61: {  	[sflag:s15] =	ssyncadd.s32 $0xFFFFC000  }
0x62: {  	[spmem:s2] =	stream.indirect.scatter.add.f32 [tilespmem:s18], [sflag:$0x2], $0x80, s17, s16, $0xb8;
	[tilespmem:$0x4580] =	vst v63  }
0x63: {  	s21 =	sadd.s32 $0x100, s21;
	_ =	swait.ge [sflag:s14], $0x4000  }
0x64: {  	s22 =	sshrl.u32 s21, $0x3;
	[sflag:s14] =	ssyncset.done $0x0  }
.Ltmp6:
0x65: {  	_ = 	snop;
	(pc) =	sbr.rel .LBB2_5-.Ltmp6, $1  }
0x66: {  	_ =	sdelay $0x3  }
.LBB2_7:
0x67: {  	_ =	sfence.sel $0x180000  }
0x68: {  	[bflag:$0x0] =	sbarrier.arrive $0xFFFF  }
0x69: {  	p0 =	sne.s32 s1, $0x0;
	_ =	strace $0x90000053  }
0x6a: {  	s0 =	sadd.s32 @!p0 $0x100000, s0;
	[bflag:$0x2] =	sbarrier.arrive $0xFFFF  }
0x6b: {  	[sflag:s0] =	ssyncadd.tile.s32 @!p0 $0x1;
	_ =	shalt  }
.Lfunc_end2:
_tile_overlayer_lowered:
.L_overlay_start_2:
0x6c: {  	(tag) =	ssettag $0x2  }
0x6d: {  	s0 =	rddreg [dreg:$0x0];
	s2 =	stileid.u32  }
0x6e: {  	s1 =	rddreg [dreg:$0x1];
	p0 =	sne.s32 s2, $0x0  }
0x6f: {  	s3 =	rddreg [dreg:$0x2];
	[bflag:$0x3] =	sbarrier.arrive $0xFFFF;
	s2 =	simm.s32 @!p0 $0x1C02  }
0x70: {  	[timem:s3], [sflag:s2] =	dma.local @!p0 [hbm:s0], s1  }
0x71: {  	s0 =	simm.s32 @!p0 $0x2  }
0x72: {  	_ =	swait.ge @!p0 [sflag:s0], s1  }
0x73: {  	s1 =	ssub.s32 @!p0 $0x0, s1;
	[sflag:s0] =	ssyncset.done @!p0 $0x0  }
0x74: {  	[sflag:s0] =	ssyncadd.s32 @!p0 s1  }
0x75: {  	[bflag:$0x3] =	sbarrier.arrive $0xFFFF  }
0x76: {  	_ =	shalt  }

</sc_bundles>
